<compile_context>
chip_gen: v7x
topology: tpu7x:2x2x1
jax: 0.10.2.dev20260603
libtpu: 0.0.44.dev20260713+nightly
codegen_flags: <defaults>
</compile_context>

<pallas_src>
import functools

import jax
import jax.numpy as jnp
from jax import lax
from jax.experimental import pallas as pl
from jax.experimental.pallas import tpu as pltpu
from jax.experimental.pallas import tpu_sc as plsc

BATCH = 16384
FIELDS = 26
NUM_NODES = 32
NUM_CATS = 1000000

NW = 32
NTJ = BATCH // 128
NGROUP = FIELDS * NTJ
G_PER_W = NGROUP // NW
NBUF = 2
NTI = NUM_NODES // 8

_mesh = plsc.VectorSubcoreMesh(core_axis_name="c", subcore_axis_name="s")


@functools.partial(
    pl.kernel,
    mesh=_mesh,
    compiler_params=pltpu.CompilerParams(use_tc_tiling_on_sc=False,
                                         needs_layout_passes=False),
    out_type=jax.ShapeDtypeStruct((FIELDS, NTI, NTJ, 8, 128), jnp.float32),
    scratch_types=[
        pltpu.VMEM((NBUF, 128), jnp.int32),
        pltpu.VMEM((NBUF, 128, NUM_NODES), jnp.float32),
        pltpu.VMEM((NBUF, NTI, 8, 136), jnp.float32),
        pltpu.SemaphoreType.DMA,
        pltpu.SemaphoreType.DMA,
        pltpu.SemaphoreType.DMA,
        pltpu.SemaphoreType.DMA,
        pltpu.SemaphoreType.DMA,
    ],
)
def _gather_rows(idxt_hbm, table_hbm, out_hbm, idx_v, rows_v, tile_v,
                 sem_l0, sem_l1, sem_s0, sem_s1, sem_g):
    wid = lax.axis_index("s") * 2 + lax.axis_index("c")
    gbase = wid * G_PER_W
    gend = gbase + G_PER_W
    sem_l = (sem_l0, sem_l1)
    sem_s = (sem_s0, sem_s1)
    lanes = lax.iota(jnp.int32, 16)
    ti_lo = lanes // 8
    ti_hi = ti_lo + 2
    s_all = lax.rem(lanes, 8)

    def fg(g):
        return g // NTJ, lax.rem(g, NTJ)

    def idx_src(g):
        f, tj = fg(g)
        return idxt_hbm.at[f].at[pl.ds(pl.multiple_of(tj * 128, 128), 128)]

    def store_copies(b, g, sem):
        f, tj = fg(g)
        return [
            pltpu.make_async_copy(
                tile_v.at[b].at[ti].at[:, pl.ds(0, 128)],
                out_hbm.at[f].at[ti].at[tj], sem)
            for ti in range(NTI)
        ]

    def transpose_group(b):
        def trow(r, carry):
            cvec = jnp.full((16,), 1, jnp.int32) * r
            va = rows_v[b, r, pl.ds(0, 16)]
            vb = rows_v[b, r, pl.ds(16, 16)]
            plsc.store_scatter(tile_v.at[b], [ti_lo, s_all, cvec], va)
            plsc.store_scatter(tile_v.at[b], [ti_hi, s_all, cvec], vb)
            return carry
        lax.fori_loop(0, 128, trow, 0, unroll=8)

    for b in range(NBUF):
        pltpu.async_copy(idx_src(gbase + b), idx_v.at[b], sem_l[b])
    pltpu.make_async_copy(idx_src(gbase), idx_v.at[0], sem_l[0]).wait()
    pltpu.async_copy(table_hbm.at[idx_v.at[0]], rows_v.at[0], sem_g)

    def body(i, carry):
        g0 = gbase + i * NBUF
        for b in range(NBUF):
            g = g0 + b
            o = 1 - b
            pltpu.make_async_copy(table_hbm.at[idx_v.at[b]], rows_v.at[b],
                                  sem_g).wait()
            @pl.when(g + 1 < gend)
            def _():
                pltpu.make_async_copy(idx_src(g + 1), idx_v.at[o],
                                      sem_l[o]).wait()
                pltpu.async_copy(table_hbm.at[idx_v.at[o]], rows_v.at[o],
                                sem_g)
            @pl.when(g + 2 < gend)
            def _():
                pltpu.async_copy(idx_src(g + 2), idx_v.at[b], sem_l[b])
            @pl.when(i >= 1)
            def _():
                for cp in store_copies(b, g - NBUF, sem_s[b]):
                    cp.wait()
            transpose_group(b)
            for cp in store_copies(b, g, sem_s[b]):
                cp.start()
        return carry

    lax.fori_loop(0, G_PER_W // NBUF, body, 0, unroll=False)

    for b in range(NBUF):
        g = gend - NBUF + b
        for cp in store_copies(b, g, sem_s[b]):
            cp.wait()


def kernel(indices, E):
    idxt = indices.T.astype(jnp.int32)
    y5 = _gather_rows(idxt, E)
    return y5.transpose(2, 4, 0, 1, 3).reshape(BATCH, FIELDS, NUM_NODES)

# --- scband reference (transcript-rebuilt; emitter-appended) ---
"""Pipeline reference for scband-embedding-layer-64226940944688 (READ-ONLY COPY).

The authoritative reference and input builder live on the scoring server;
editing this copy changes nothing except your own understanding.
"""

import jax, jax.numpy as jnp
import numpy as np

NUM_CATS = 1000000
NUM_NODES = 32
BATCH = 16384
FIELDS = 26

def setup_inputs(seed: int = 0) -> dict:
    key = jax.random.key(seed)
    k_idx, k_E = jax.random.split(key)
    indices = jax.random.randint(k_idx, (BATCH, FIELDS), 0, NUM_CATS, dtype=jnp.int64 if jax.config.jax_enable_x64 else jnp.int32)
    E = jax.random.normal(k_E, (NUM_CATS, NUM_NODES), dtype=jnp.float32) * 0.05
    return {"indices": indices, "E": E}

def reference(indices, E):
    # Faithful translation of tf.nn.embedding_lookup(self.E, incoming_var)
    return jnp.take(E, indices, axis=0)

if __name__ == "__main__":
    import jax
    _d = setup_inputs()
    print(jax.jit(kernel)(*tuple(_d.values())))

</pallas_src>

<mosaic_0001>
#map = affine_map<(d0, d1) -> (0, 0)>
#map1 = affine_map<(d0, d1) -> (0, 0, 0, 0, 0)>
module attributes {stable_mosaic.version = 14 : i64} {
  func.func @_gather_rows(%arg0: i32, %arg1: i32, %arg2: memref<26x16384xi32, #tpu.memory_space<hbm>>, %arg3: memref<1000000x32xf32, #tpu.memory_space<hbm>>, %arg4: memref<26x4x128x8x128xf32, #tpu.memory_space<hbm>>, %arg5: memref<2x128xi32, #tpu.memory_space<vmem>>, %arg6: memref<2x128x32xf32, #tpu.memory_space<vmem>>, %arg7: memref<2x4x8x136xf32, #tpu.memory_space<vmem>>, %arg8: memref<!tpu.dma_semaphore, #tpu.memory_space<semaphore_mem>>, %arg9: memref<!tpu.dma_semaphore, #tpu.memory_space<semaphore_mem>>, %arg10: memref<!tpu.dma_semaphore, #tpu.memory_space<semaphore_mem>>, %arg11: memref<!tpu.dma_semaphore, #tpu.memory_space<semaphore_mem>>, %arg12: memref<!tpu.dma_semaphore, #tpu.memory_space<semaphore_mem>>) attributes {dimension_semantics = [#tpu.dimension_semantics<core_parallel>, #tpu.dimension_semantics<subcore_parallel>], iteration_bounds = array<i64: 2, 16>, scalar_prefetch = 0 : i64, scratch_operands = 8 : i64, tpu.core_type = #tpu.core_type<sc_vector_subcore>, window_params = [{transform_indices = #map}, {transform_indices = #map}, {transform_indices = #map1}]} {
    %mul3A = arith.constant 2 : i32
    %mul3A_0 = arith.muli %arg1, %mul3A : i32
    %add3A = arith.addi %mul3A_0, %arg0 : i32
    %mul3A_1 = arith.constant 104 : i32
    %mul3A_2 = arith.muli %add3A, %mul3A_1 : i32
    %add3A_3 = arith.constant 104 : i32
    %add3A_4 = arith.addi %mul3A_2, %add3A_3 : i32
    %iota3A = tpu.iota {dimensions = array<i32: 0>} : vector<16xi32>
    %jit3A = arith.constant 8 : i32
    %div3A = vector.broadcast %jit3A : i32 to vector<16xi32>
    %div3A_5 = arith.divsi %iota3A, %div3A : vector<16xi32>
    %sign3A = arith.constant 0 : i32
    %sign3A_6 = vector.broadcast %sign3A : i32 to vector<16xi32>
    %sign3A_7 = arith.cmpi sgt, %iota3A, %sign3A_6 : vector<16xi32>
    %sign3A_8 = arith.extui %sign3A_7 : vector<16xi1> to vector<16xi32>
    %sign3A_9 = arith.constant 0 : i32
    %sign3A_10 = vector.broadcast %sign3A_9 : i32 to vector<16xi32>
    %sign3A_11 = arith.cmpi slt, %iota3A, %sign3A_10 : vector<16xi32>
    %sign3A_12 = arith.extui %sign3A_11 : vector<16xi1> to vector<16xi32>
    %sign3A_13 = arith.subi %sign3A_8, %sign3A_12 : vector<16xi32>
    %sign3A_14 = arith.constant 0 : i32
    %sign3A_15 = arith.cmpi sgt, %jit3A, %sign3A_14 : i32
    %sign3A_16 = arith.extui %sign3A_15 : i1 to i32
    %sign3A_17 = arith.constant 0 : i32
    %sign3A_18 = arith.cmpi slt, %jit3A, %sign3A_17 : i32
    %sign3A_19 = arith.extui %sign3A_18 : i1 to i32
    %sign3A_20 = arith.subi %sign3A_16, %sign3A_19 : i32
    %ne3A = vector.broadcast %sign3A_20 : i32 to vector<16xi32>
    %ne3A_21 = arith.cmpi ne, %sign3A_13, %ne3A : vector<16xi32>
    %rem3A = vector.broadcast %jit3A : i32 to vector<16xi32>
    %rem3A_22 = arith.remsi %iota3A, %rem3A : vector<16xi32>
    %ne3A_23 = arith.constant 0 : i32
    %ne3A_24 = vector.broadcast %ne3A_23 : i32 to vector<16xi32>
    %ne3A_25 = arith.cmpi ne, %rem3A_22, %ne3A_24 : vector<16xi32>
    %and3A = arith.andi %ne3A_21, %ne3A_25 : vector<16xi1>
    %sub3A = arith.constant 1 : i32
    %sub3A_26 = vector.broadcast %sub3A : i32 to vector<16xi32>
    %sub3A_27 = arith.subi %div3A_5, %sub3A_26 : vector<16xi32>
    %select_n3A = arith.select %and3A, %sub3A_27, %div3A_5 : vector<16xi1>, vector<16xi32>
    %add3A_28 = arith.constant 2 : i32
    %add3A_29 = vector.broadcast %add3A_28 : i32 to vector<16xi32>
    %add3A_30 = arith.addi %select_n3A, %add3A_29 : vector<16xi32>
    %rem3A_31 = arith.constant 8 : i32
    %rem3A_32 = vector.broadcast %rem3A_31 : i32 to vector<16xi32>
    %rem3A_33 = arith.remsi %iota3A, %rem3A_32 : vector<16xi32>
    %add3A_34 = arith.constant 0 : i32
    %add3A_35 = arith.addi %mul3A_2, %add3A_34 : i32
    %jit3A_36 = arith.constant 128 : i32
    %div3A_37 = arith.divsi %add3A_35, %jit3A_36 : i32
    %sign3A_38 = arith.constant 0 : i32
    %sign3A_39 = arith.cmpi sgt, %add3A_35, %sign3A_38 : i32
    %sign3A_40 = arith.extui %sign3A_39 : i1 to i32
    %sign3A_41 = arith.constant 0 : i32
    %sign3A_42 = arith.cmpi slt, %add3A_35, %sign3A_41 : i32
    %sign3A_43 = arith.extui %sign3A_42 : i1 to i32
    %sign3A_44 = arith.subi %sign3A_40, %sign3A_43 : i32
    %sign3A_45 = arith.constant 0 : i32
    %sign3A_46 = arith.cmpi sgt, %jit3A_36, %sign3A_45 : i32
    %sign3A_47 = arith.extui %sign3A_46 : i1 to i32
    %sign3A_48 = arith.constant 0 : i32
    %sign3A_49 = arith.cmpi slt, %jit3A_36, %sign3A_48 : i32
    %sign3A_50 = arith.extui %sign3A_49 : i1 to i32
    %sign3A_51 = arith.subi %sign3A_47, %sign3A_50 : i32
    %ne3A_52 = arith.cmpi ne, %sign3A_44, %sign3A_51 : i32
    %rem3A_53 = arith.remsi %add3A_35, %jit3A_36 : i32
    %ne3A_54 = arith.constant 0 : i32
    %ne3A_55 = arith.cmpi ne, %rem3A_53, %ne3A_54 : i32
    %and3A_56 = arith.andi %ne3A_52, %ne3A_55 : i1
    %sub3A_57 = arith.constant 1 : i32
    %sub3A_58 = arith.subi %div3A_37, %sub3A_57 : i32
    %select_n3A_59 = arith.select %and3A_56, %sub3A_58, %div3A_37 : i32
    %rem3A_60 = arith.constant 128 : i32
    %rem3A_61 = arith.remsi %add3A_35, %rem3A_60 : i32
    %mul3A_62 = arith.constant 128 : i32
    %mul3A_63 = arith.muli %rem3A_61, %mul3A_62 : i32
    %multiple_of3A = tpu.assume_multiple %mul3A_63, 128 : i32
    %dma_start3A = arith.constant 0 : i32
    %dma_start3A_64 = arith.constant 0 : i32
    %dma_start3A_65 = tpu.memref_slice %arg5[%dma_start3A, %dma_start3A_64] : memref<2x128xi32, #tpu.memory_space<vmem>> -> memref<1x128xi32, #tpu.memory_space<vmem>>
    %dma_start3A_66 = tpu.memref_squeeze %dma_start3A_65 : memref<1x128xi32, #tpu.memory_space<vmem>> -> memref<128xi32, #tpu.memory_space<vmem>>
    %dma_start3A_67 = arith.constant 0 : i32
    %dma_start3A_68 = tpu.memref_slice %arg2[%select_n3A_59, %dma_start3A_67] : memref<26x16384xi32, #tpu.memory_space<hbm>> -> memref<1x16384xi32, #tpu.memory_space<hbm>>
    %dma_start3A_69 = tpu.memref_squeeze %dma_start3A_68 : memref<1x16384xi32, #tpu.memory_space<hbm>> -> memref<16384xi32, #tpu.memory_space<hbm>>
    %dma_start3A_70 = tpu.memref_slice %dma_start3A_69[%multiple_of3A] : memref<16384xi32, #tpu.memory_space<hbm>> -> memref<128xi32, #tpu.memory_space<hbm>>
    %dma_start3A_71 = arith.constant 0 : i32
    %dma_start3A_72 = tpu.memref_slice %arg5[%dma_start3A, %dma_start3A_71] : memref<2x128xi32, #tpu.memory_space<vmem>> -> memref<1x128xi32, #tpu.memory_space<vmem>>
    %dma_start3A_73 = tpu.memref_squeeze %dma_start3A_72 : memref<1x128xi32, #tpu.memory_space<vmem>> -> memref<128xi32, #tpu.memory_space<vmem>>
    %dma_start3A_74 = arith.constant 0 : i32
    %dma_start3A_75 = tpu.memref_slice %arg2[%select_n3A_59, %dma_start3A_74] : memref<26x16384xi32, #tpu.memory_space<hbm>> -> memref<1x16384xi32, #tpu.memory_space<hbm>>
    %dma_start3A_76 = tpu.memref_squeeze %dma_start3A_75 : memref<1x16384xi32, #tpu.memory_space<hbm>> -> memref<16384xi32, #tpu.memory_space<hbm>>
    %dma_start3A_77 = tpu.memref_slice %dma_start3A_76[%multiple_of3A] : memref<16384xi32, #tpu.memory_space<hbm>> -> memref<128xi32, #tpu.memory_space<hbm>>
    tpu.enqueue_dma source(%dma_start3A_77 : memref<128xi32, #tpu.memory_space<hbm>>) target(%dma_start3A_73 : memref<128xi32, #tpu.memory_space<vmem>>) target_semaphore(%arg8 : memref<!tpu.dma_semaphore, #tpu.memory_space<semaphore_mem>>)
    %add3A_78 = arith.constant 1 : i32
    %add3A_79 = arith.addi %mul3A_2, %add3A_78 : i32
    %jit3A_80 = arith.constant 128 : i32
    %div3A_81 = arith.divsi %add3A_79, %jit3A_80 : i32
    %sign3A_82 = arith.constant 0 : i32
    %sign3A_83 = arith.cmpi sgt, %add3A_79, %sign3A_82 : i32
    %sign3A_84 = arith.extui %sign3A_83 : i1 to i32
    %sign3A_85 = arith.constant 0 : i32
    %sign3A_86 = arith.cmpi slt, %add3A_79, %sign3A_85 : i32
    %sign3A_87 = arith.extui %sign3A_86 : i1 to i32
    %sign3A_88 = arith.subi %sign3A_84, %sign3A_87 : i32
    %sign3A_89 = arith.constant 0 : i32
    %sign3A_90 = arith.cmpi sgt, %jit3A_80, %sign3A_89 : i32
    %sign3A_91 = arith.extui %sign3A_90 : i1 to i32
    %sign3A_92 = arith.constant 0 : i32
    %sign3A_93 = arith.cmpi slt, %jit3A_80, %sign3A_92 : i32
    %sign3A_94 = arith.extui %sign3A_93 : i1 to i32
    %sign3A_95 = arith.subi %sign3A_91, %sign3A_94 : i32
    %ne3A_96 = arith.cmpi ne, %sign3A_88, %sign3A_95 : i32
    %rem3A_97 = arith.remsi %add3A_79, %jit3A_80 : i32
    %ne3A_98 = arith.constant 0 : i32
    %ne3A_99 = arith.cmpi ne, %rem3A_97, %ne3A_98 : i32
    %and3A_100 = arith.andi %ne3A_96, %ne3A_99 : i1
    %sub3A_101 = arith.constant 1 : i32
    %sub3A_102 = arith.subi %div3A_81, %sub3A_101 : i32
    %select_n3A_103 = arith.select %and3A_100, %sub3A_102, %div3A_81 : i32
    %rem3A_104 = arith.constant 128 : i32
    %rem3A_105 = arith.remsi %add3A_79, %rem3A_104 : i32
    %mul3A_106 = arith.constant 128 : i32
    %mul3A_107 = arith.muli %rem3A_105, %mul3A_106 : i32
    %multiple_of3A_108 = tpu.assume_multiple %mul3A_107, 128 : i32
    %dma_start3A_109 = arith.constant 1 : i32
    %dma_start3A_110 = arith.constant 0 : i32
    %dma_start3A_111 = tpu.memref_slice %arg5[%dma_start3A_109, %dma_start3A_110] : memref<2x128xi32, #tpu.memory_space<vmem>> -> memref<1x128xi32, #tpu.memory_space<vmem>>
    %dma_start3A_112 = tpu.memref_squeeze %dma_start3A_111 : memref<1x128xi32, #tpu.memory_space<vmem>> -> memref<128xi32, #tpu.memory_space<vmem>>
    %dma_start3A_113 = arith.constant 0 : i32
    %dma_start3A_114 = tpu.memref_slice %arg2[%select_n3A_103, %dma_start3A_113] : memref<26x16384xi32, #tpu.memory_space<hbm>> -> memref<1x16384xi32, #tpu.memory_space<hbm>>
    %dma_start3A_115 = tpu.memref_squeeze %dma_start3A_114 : memref<1x16384xi32, #tpu.memory_space<hbm>> -> memref<16384xi32, #tpu.memory_space<hbm>>
    %dma_start3A_116 = tpu.memref_slice %dma_start3A_115[%multiple_of3A_108] : memref<16384xi32, #tpu.memory_space<hbm>> -> memref<128xi32, #tpu.memory_space<hbm>>
    %dma_start3A_117 = arith.constant 0 : i32
    %dma_start3A_118 = tpu.memref_slice %arg5[%dma_start3A_109, %dma_start3A_117] : memref<2x128xi32, #tpu.memory_space<vmem>> -> memref<1x128xi32, #tpu.memory_space<vmem>>
    %dma_start3A_119 = tpu.memref_squeeze %dma_start3A_118 : memref<1x128xi32, #tpu.memory_space<vmem>> -> memref<128xi32, #tpu.memory_space<vmem>>
    %dma_start3A_120 = arith.constant 0 : i32
    %dma_start3A_121 = tpu.memref_slice %arg2[%select_n3A_103, %dma_start3A_120] : memref<26x16384xi32, #tpu.memory_space<hbm>> -> memref<1x16384xi32, #tpu.memory_space<hbm>>
    %dma_start3A_122 = tpu.memref_squeeze %dma_start3A_121 : memref<1x16384xi32, #tpu.memory_space<hbm>> -> memref<16384xi32, #tpu.memory_space<hbm>>
    %dma_start3A_123 = tpu.memref_slice %dma_start3A_122[%multiple_of3A_108] : memref<16384xi32, #tpu.memory_space<hbm>> -> memref<128xi32, #tpu.memory_space<hbm>>
    tpu.enqueue_dma source(%dma_start3A_123 : memref<128xi32, #tpu.memory_space<hbm>>) target(%dma_start3A_119 : memref<128xi32, #tpu.memory_space<vmem>>) target_semaphore(%arg9 : memref<!tpu.dma_semaphore, #tpu.memory_space<semaphore_mem>>)
    %jit3A_124 = arith.constant 128 : i32
    %div3A_125 = arith.divsi %mul3A_2, %jit3A_124 : i32
    %sign3A_126 = arith.constant 0 : i32
    %sign3A_127 = arith.cmpi sgt, %mul3A_2, %sign3A_126 : i32
    %sign3A_128 = arith.extui %sign3A_127 : i1 to i32
    %sign3A_129 = arith.constant 0 : i32
    %sign3A_130 = arith.cmpi slt, %mul3A_2, %sign3A_129 : i32
    %sign3A_131 = arith.extui %sign3A_130 : i1 to i32
    %sign3A_132 = arith.subi %sign3A_128, %sign3A_131 : i32
    %sign3A_133 = arith.constant 0 : i32
    %sign3A_134 = arith.cmpi sgt, %jit3A_124, %sign3A_133 : i32
    %sign3A_135 = arith.extui %sign3A_134 : i1 to i32
    %sign3A_136 = arith.constant 0 : i32
    %sign3A_137 = arith.cmpi slt, %jit3A_124, %sign3A_136 : i32
    %sign3A_138 = arith.extui %sign3A_137 : i1 to i32
    %sign3A_139 = arith.subi %sign3A_135, %sign3A_138 : i32
    %ne3A_140 = arith.cmpi ne, %sign3A_132, %sign3A_139 : i32
    %rem3A_141 = arith.remsi %mul3A_2, %jit3A_124 : i32
    %ne3A_142 = arith.constant 0 : i32
    %ne3A_143 = arith.cmpi ne, %rem3A_141, %ne3A_142 : i32
    %and3A_144 = arith.andi %ne3A_140, %ne3A_143 : i1
    %sub3A_145 = arith.constant 1 : i32
    %sub3A_146 = arith.subi %div3A_125, %sub3A_145 : i32
    %select_n3A_147 = arith.select %and3A_144, %sub3A_146, %div3A_125 : i32
    %rem3A_148 = arith.constant 128 : i32
    %rem3A_149 = arith.remsi %mul3A_2, %rem3A_148 : i32
    %mul3A_150 = arith.constant 128 : i32
    %mul3A_151 = arith.muli %rem3A_149, %mul3A_150 : i32
    %multiple_of3A_152 = tpu.assume_multiple %mul3A_151, 128 : i32
    %dma_wait3A = arith.constant 0 : i32
    %dma_wait3A_153 = arith.constant 0 : i32
    %dma_wait3A_154 = tpu.memref_slice %arg5[%dma_wait3A, %dma_wait3A_153] : memref<2x128xi32, #tpu.memory_space<vmem>> -> memref<1x128xi32, #tpu.memory_space<vmem>>
    %dma_wait3A_155 = tpu.memref_squeeze %dma_wait3A_154 : memref<1x128xi32, #tpu.memory_space<vmem>> -> memref<128xi32, #tpu.memory_space<vmem>>
    %dma_wait3A_156 = arith.constant 0 : i32
    %dma_wait3A_157 = tpu.memref_slice %arg2[%select_n3A_147, %dma_wait3A_156] : memref<26x16384xi32, #tpu.memory_space<hbm>> -> memref<1x16384xi32, #tpu.memory_space<hbm>>
    %dma_wait3A_158 = tpu.memref_squeeze %dma_wait3A_157 : memref<1x16384xi32, #tpu.memory_space<hbm>> -> memref<16384xi32, #tpu.memory_space<hbm>>
    %dma_wait3A_159 = tpu.memref_slice %dma_wait3A_158[%multiple_of3A_152] : memref<16384xi32, #tpu.memory_space<hbm>> -> memref<128xi32, #tpu.memory_space<hbm>>
    %dma_wait3A_160 = arith.constant 0 : i32
    %dma_wait3A_161 = tpu.memref_slice %arg5[%dma_wait3A, %dma_wait3A_160] : memref<2x128xi32, #tpu.memory_space<vmem>> -> memref<1x128xi32, #tpu.memory_space<vmem>>
    %dma_wait3A_162 = tpu.memref_squeeze %dma_wait3A_161 : memref<1x128xi32, #tpu.memory_space<vmem>> -> memref<128xi32, #tpu.memory_space<vmem>>
    %dma_wait3A_163 = arith.constant 0 : i32
    %dma_wait3A_164 = tpu.memref_slice %arg2[%select_n3A_147, %dma_wait3A_163] : memref<26x16384xi32, #tpu.memory_space<hbm>> -> memref<1x16384xi32, #tpu.memory_space<hbm>>
    %dma_wait3A_165 = tpu.memref_squeeze %dma_wait3A_164 : memref<1x16384xi32, #tpu.memory_space<hbm>> -> memref<16384xi32, #tpu.memory_space<hbm>>
    %dma_wait3A_166 = tpu.memref_slice %dma_wait3A_165[%multiple_of3A_152] : memref<16384xi32, #tpu.memory_space<hbm>> -> memref<128xi32, #tpu.memory_space<hbm>>
    tpu.wait_dma2 semaphore(%arg8 : memref<!tpu.dma_semaphore, #tpu.memory_space<semaphore_mem>>) src(%dma_wait3A_166 : memref<128xi32, #tpu.memory_space<hbm>>) dst(%dma_wait3A_162 : memref<128xi32, #tpu.memory_space<vmem>>)
    %dma_start3A_167 = arith.constant 0 : i32
    %dma_start3A_168 = arith.constant 0 : i32
    %dma_start3A_169 = arith.constant 0 : i32
    %dma_start3A_170 = arith.constant 0 : i32
    %dma_start3A_171 = tpu.memref_slice %arg6[%dma_start3A_168, %dma_start3A_169, %dma_start3A_170] : memref<2x128x32xf32, #tpu.memory_space<vmem>> -> memref<1x128x32xf32, #tpu.memory_space<vmem>>
    %dma_start3A_172 = tpu.memref_squeeze %dma_start3A_171 : memref<1x128x32xf32, #tpu.memory_space<vmem>> -> memref<128x32xf32, #tpu.memory_space<vmem>>
    %dma_start3A_173 = arith.constant 0 : i32
    %dma_start3A_174 = tpu.memref_slice %arg5[%dma_start3A_167, %dma_start3A_173] : memref<2x128xi32, #tpu.memory_space<vmem>> -> memref<1x128xi32, #tpu.memory_space<vmem>>
    %dma_start3A_175 = tpu.memref_squeeze %dma_start3A_174 : memref<1x128xi32, #tpu.memory_space<vmem>> -> memref<128xi32, #tpu.memory_space<vmem>>
    %dma_start3A_176 = arith.constant 0 : i32
    %dma_start3A_177 = arith.constant 0 : i32
    %dma_start3A_178 = tpu.memref_slice %arg3[%dma_start3A_176, %dma_start3A_177] : memref<1000000x32xf32, #tpu.memory_space<hbm>> -> memref<1000000x32xf32, #tpu.memory_space<hbm>>
    tpu.enqueue_indirect_dma source(%dma_start3A_178 : memref<1000000x32xf32, #tpu.memory_space<hbm>>) target(%dma_start3A_172 : memref<128x32xf32, #tpu.memory_space<vmem>>) offsets(%dma_start3A_175 : memref<128xi32, #tpu.memory_space<vmem>>) semaphore(%arg12 : memref<!tpu.dma_semaphore, #tpu.memory_space<semaphore_mem>>)
    %scan3A = arith.constant 0 : i32
    %scan3A_179 = arith.constant 0 : i32
    %scan3A_180 = arith.constant 52 : i32
    %scan3A_181 = arith.addi %scan3A_179, %scan3A_180 : i32
    %scan3A_182 = arith.constant 1 : i32
    scf.for %scan3A_700 = %scan3A_179 to %scan3A_181 step %scan3A_182  : i32 {
      %mul3A_701 = arith.constant 2 : i32
      %mul3A_702 = arith.muli %scan3A_700, %mul3A_701 : i32
      %add3A_703 = arith.addi %mul3A_2, %mul3A_702 : i32
      %add3A_704 = arith.constant 0 : i32
      %add3A_705 = arith.addi %add3A_703, %add3A_704 : i32
      %dma_wait3A_706 = arith.constant 0 : i32
      %dma_wait3A_707 = arith.constant 0 : i32
      %dma_wait3A_708 = arith.constant 0 : i32
      %dma_wait3A_709 = arith.constant 0 : i32
      %dma_wait3A_710 = tpu.memref_slice %arg6[%dma_wait3A_707, %dma_wait3A_708, %dma_wait3A_709] : memref<2x128x32xf32, #tpu.memory_space<vmem>> -> memref<1x128x32xf32, #tpu.memory_space<vmem>>
      %dma_wait3A_711 = tpu.memref_squeeze %dma_wait3A_710 : memref<1x128x32xf32, #tpu.memory_space<vmem>> -> memref<128x32xf32, #tpu.memory_space<vmem>>
      %dma_wait3A_712 = arith.constant 0 : i32
      %dma_wait3A_713 = tpu.memref_slice %arg5[%dma_wait3A_706, %dma_wait3A_712] : memref<2x128xi32, #tpu.memory_space<vmem>> -> memref<1x128xi32, #tpu.memory_space<vmem>>
      %dma_wait3A_714 = tpu.memref_squeeze %dma_wait3A_713 : memref<1x128xi32, #tpu.memory_space<vmem>> -> memref<128xi32, #tpu.memory_space<vmem>>
      %dma_wait3A_715 = arith.constant 0 : i32
      %dma_wait3A_716 = arith.constant 0 : i32
      %dma_wait3A_717 = tpu.memref_slice %arg3[%dma_wait3A_715, %dma_wait3A_716] : memref<1000000x32xf32, #tpu.memory_space<hbm>> -> memref<1000000x32xf32, #tpu.memory_space<hbm>>
      tpu.wait_indirect_dma semaphore(%arg12 : memref<!tpu.dma_semaphore, #tpu.memory_space<semaphore_mem>>) src(%dma_wait3A_717 : memref<1000000x32xf32, #tpu.memory_space<hbm>>) dst(%dma_wait3A_711 : memref<128x32xf32, #tpu.memory_space<vmem>>)
      %add3A_718 = arith.constant 1 : i32
      %add3A_719 = arith.addi %add3A_705, %add3A_718 : i32
      %lt3A = arith.cmpi slt, %add3A_719, %add3A_4 : i32
      %convert_element_type3A = arith.extui %lt3A : i1 to i32
      %cond3A = arith.constant 0 : i32
      %cond3A_720 = arith.cmpi ne, %convert_element_type3A, %cond3A : i32
      scf.if %cond3A_720 {
        %add3A_1282 = arith.constant 1 : i32
        %add3A_1283 = arith.addi %add3A_705, %add3A_1282 : i32
        %jit3A_1284 = arith.constant 128 : i32
        %div3A_1285 = arith.divsi %add3A_1283, %jit3A_1284 : i32
        %sign3A_1286 = arith.constant 0 : i32
        %sign3A_1287 = arith.cmpi sgt, %add3A_1283, %sign3A_1286 : i32
        %sign3A_1288 = arith.extui %sign3A_1287 : i1 to i32
        %sign3A_1289 = arith.constant 0 : i32
        %sign3A_1290 = arith.cmpi slt, %add3A_1283, %sign3A_1289 : i32
        %sign3A_1291 = arith.extui %sign3A_1290 : i1 to i32
        %sign3A_1292 = arith.subi %sign3A_1288, %sign3A_1291 : i32
        %sign3A_1293 = arith.constant 0 : i32
        %sign3A_1294 = arith.cmpi sgt, %jit3A_1284, %sign3A_1293 : i32
        %sign3A_1295 = arith.extui %sign3A_1294 : i1 to i32
        %sign3A_1296 = arith.constant 0 : i32
        %sign3A_1297 = arith.cmpi slt, %jit3A_1284, %sign3A_1296 : i32
        %sign3A_1298 = arith.extui %sign3A_1297 : i1 to i32
        %sign3A_1299 = arith.subi %sign3A_1295, %sign3A_1298 : i32
        %ne3A_1300 = arith.cmpi ne, %sign3A_1292, %sign3A_1299 : i32
        %rem3A_1301 = arith.remsi %add3A_1283, %jit3A_1284 : i32
        %ne3A_1302 = arith.constant 0 : i32
        %ne3A_1303 = arith.cmpi ne, %rem3A_1301, %ne3A_1302 : i32
        %and3A_1304 = arith.andi %ne3A_1300, %ne3A_1303 : i1
        %sub3A_1305 = arith.constant 1 : i32
        %sub3A_1306 = arith.subi %div3A_1285, %sub3A_1305 : i32
        %select_n3A_1307 = arith.select %and3A_1304, %sub3A_1306, %div3A_1285 : i32
        %rem3A_1308 = arith.constant 128 : i32
        %rem3A_1309 = arith.remsi %add3A_1283, %rem3A_1308 : i32
        %mul3A_1310 = arith.constant 128 : i32
        %mul3A_1311 = arith.muli %rem3A_1309, %mul3A_1310 : i32
        %multiple_of3A_1312 = tpu.assume_multiple %mul3A_1311, 128 : i32
        %dma_wait3A_1313 = arith.constant 1 : i32
        %dma_wait3A_1314 = arith.constant 0 : i32
        %dma_wait3A_1315 = tpu.memref_slice %arg5[%dma_wait3A_1313, %dma_wait3A_1314] : memref<2x128xi32, #tpu.memory_space<vmem>> -> memref<1x128xi32, #tpu.memory_space<vmem>>
        %dma_wait3A_1316 = tpu.memref_squeeze %dma_wait3A_1315 : memref<1x128xi32, #tpu.memory_space<vmem>> -> memref<128xi32, #tpu.memory_space<vmem>>
        %dma_wait3A_1317 = arith.constant 0 : i32
        %dma_wait3A_1318 = tpu.memref_slice %arg2[%select_n3A_1307, %dma_wait3A_1317] : memref<26x16384xi32, #tpu.memory_space<hbm>> -> memref<1x16384xi32, #tpu.memory_space<hbm>>
        %dma_wait3A_1319 = tpu.memref_squeeze %dma_wait3A_1318 : memref<1x16384xi32, #tpu.memory_space<hbm>> -> memref<16384xi32, #tpu.memory_space<hbm>>
        %dma_wait3A_1320 = tpu.memref_slice %dma_wait3A_1319[%multiple_of3A_1312] : memref<16384xi32, #tpu.memory_space<hbm>> -> memref<128xi32, #tpu.memory_space<hbm>>
        %dma_wait3A_1321 = arith.constant 0 : i32
        %dma_wait3A_1322 = tpu.memref_slice %arg5[%dma_wait3A_1313, %dma_wait3A_1321] : memref<2x128xi32, #tpu.memory_space<vmem>> -> memref<1x128xi32, #tpu.memory_space<vmem>>
        %dma_wait3A_1323 = tpu.memref_squeeze %dma_wait3A_1322 : memref<1x128xi32, #tpu.memory_space<vmem>> -> memref<128xi32, #tpu.memory_space<vmem>>
        %dma_wait3A_1324 = arith.constant 0 : i32
        %dma_wait3A_1325 = tpu.memref_slice %arg2[%select_n3A_1307, %dma_wait3A_1324] : memref<26x16384xi32, #tpu.memory_space<hbm>> -> memref<1x16384xi32, #tpu.memory_space<hbm>>
        %dma_wait3A_1326 = tpu.memref_squeeze %dma_wait3A_1325 : memref<1x16384xi32, #tpu.memory_space<hbm>> -> memref<16384xi32, #tpu.memory_space<hbm>>
        %dma_wait3A_1327 = tpu.memref_slice %dma_wait3A_1326[%multiple_of3A_1312] : memref<16384xi32, #tpu.memory_space<hbm>> -> memref<128xi32, #tpu.memory_space<hbm>>
        tpu.wait_dma2 semaphore(%arg9 : memref<!tpu.dma_semaphore, #tpu.memory_space<semaphore_mem>>) src(%dma_wait3A_1327 : memref<128xi32, #tpu.memory_space<hbm>>) dst(%dma_wait3A_1323 : memref<128xi32, #tpu.memory_space<vmem>>)
        %dma_start3A_1328 = arith.constant 1 : i32
        %dma_start3A_1329 = arith.constant 1 : i32
        %dma_start3A_1330 = arith.constant 0 : i32
        %dma_start3A_1331 = arith.constant 0 : i32
        %dma_start3A_1332 = tpu.memref_slice %arg6[%dma_start3A_1329, %dma_start3A_1330, %dma_start3A_1331] : memref<2x128x32xf32, #tpu.memory_space<vmem>> -> memref<1x128x32xf32, #tpu.memory_space<vmem>>
        %dma_start3A_1333 = tpu.memref_squeeze %dma_start3A_1332 : memref<1x128x32xf32, #tpu.memory_space<vmem>> -> memref<128x32xf32, #tpu.memory_space<vmem>>
        %dma_start3A_1334 = arith.constant 0 : i32
        %dma_start3A_1335 = tpu.memref_slice %arg5[%dma_start3A_1328, %dma_start3A_1334] : memref<2x128xi32, #tpu.memory_space<vmem>> -> memref<1x128xi32, #tpu.memory_space<vmem>>
        %dma_start3A_1336 = tpu.memref_squeeze %dma_start3A_1335 : memref<1x128xi32, #tpu.memory_space<vmem>> -> memref<128xi32, #tpu.memory_space<vmem>>
        %dma_start3A_1337 = arith.constant 0 : i32
        %dma_start3A_1338 = arith.constant 0 : i32
        %dma_start3A_1339 = tpu.memref_slice %arg3[%dma_start3A_1337, %dma_start3A_1338] : memref<1000000x32xf32, #tpu.memory_space<hbm>> -> memref<1000000x32xf32, #tpu.memory_space<hbm>>
        tpu.enqueue_indirect_dma source(%dma_start3A_1339 : memref<1000000x32xf32, #tpu.memory_space<hbm>>) target(%dma_start3A_1333 : memref<128x32xf32, #tpu.memory_space<vmem>>) offsets(%dma_start3A_1336 : memref<128xi32, #tpu.memory_space<vmem>>) semaphore(%arg12 : memref<!tpu.dma_semaphore, #tpu.memory_space<semaphore_mem>>)
      } else {
      }
      %add3A_721 = arith.constant 2 : i32
      %add3A_722 = arith.addi %add3A_705, %add3A_721 : i32
      %lt3A_723 = arith.cmpi slt, %add3A_722, %add3A_4 : i32
      %convert_element_type3A_724 = arith.extui %lt3A_723 : i1 to i32
      %cond3A_725 = arith.constant 0 : i32
      %cond3A_726 = arith.cmpi ne, %convert_element_type3A_724, %cond3A_725 : i32
      scf.if %cond3A_726 {
        %add3A_1282 = arith.constant 2 : i32
        %add3A_1283 = arith.addi %add3A_705, %add3A_1282 : i32
        %jit3A_1284 = arith.constant 128 : i32
        %div3A_1285 = arith.divsi %add3A_1283, %jit3A_1284 : i32
        %sign3A_1286 = arith.constant 0 : i32
        %sign3A_1287 = arith.cmpi sgt, %add3A_1283, %sign3A_1286 : i32
        %sign3A_1288 = arith.extui %sign3A_1287 : i1 to i32
        %sign3A_1289 = arith.constant 0 : i32
        %sign3A_1290 = arith.cmpi slt, %add3A_1283, %sign3A_1289 : i32
        %sign3A_1291 = arith.extui %sign3A_1290 : i1 to i32
        %sign3A_1292 = arith.subi %sign3A_1288, %sign3A_1291 : i32
        %sign3A_1293 = arith.constant 0 : i32
        %sign3A_1294 = arith.cmpi sgt, %jit3A_1284, %sign3A_1293 : i32
        %sign3A_1295 = arith.extui %sign3A_1294 : i1 to i32
        %sign3A_1296 = arith.constant 0 : i32
        %sign3A_1297 = arith.cmpi slt, %jit3A_1284, %sign3A_1296 : i32
        %sign3A_1298 = arith.extui %sign3A_1297 : i1 to i32
        %sign3A_1299 = arith.subi %sign3A_1295, %sign3A_1298 : i32
        %ne3A_1300 = arith.cmpi ne, %sign3A_1292, %sign3A_1299 : i32
        %rem3A_1301 = arith.remsi %add3A_1283, %jit3A_1284 : i32
        %ne3A_1302 = arith.constant 0 : i32
        %ne3A_1303 = arith.cmpi ne, %rem3A_1301, %ne3A_1302 : i32
        %and3A_1304 = arith.andi %ne3A_1300, %ne3A_1303 : i1
        %sub3A_1305 = arith.constant 1 : i32
        %sub3A_1306 = arith.subi %div3A_1285, %sub3A_1305 : i32
        %select_n3A_1307 = arith.select %and3A_1304, %sub3A_1306, %div3A_1285 : i32
        %rem3A_1308 = arith.constant 128 : i32
        %rem3A_1309 = arith.remsi %add3A_1283, %rem3A_1308 : i32
        %mul3A_1310 = arith.constant 128 : i32
        %mul3A_1311 = arith.muli %rem3A_1309, %mul3A_1310 : i32
        %multiple_of3A_1312 = tpu.assume_multiple %mul3A_1311, 128 : i32
        %dma_start3A_1313 = arith.constant 0 : i32
        %dma_start3A_1314 = arith.constant 0 : i32
        %dma_start3A_1315 = tpu.memref_slice %arg5[%dma_start3A_1313, %dma_start3A_1314] : memref<2x128xi32, #tpu.memory_space<vmem>> -> memref<1x128xi32, #tpu.memory_space<vmem>>
        %dma_start3A_1316 = tpu.memref_squeeze %dma_start3A_1315 : memref<1x128xi32, #tpu.memory_space<vmem>> -> memref<128xi32, #tpu.memory_space<vmem>>
        %dma_start3A_1317 = arith.constant 0 : i32
        %dma_start3A_1318 = tpu.memref_slice %arg2[%select_n3A_1307, %dma_start3A_1317] : memref<26x16384xi32, #tpu.memory_space<hbm>> -> memref<1x16384xi32, #tpu.memory_space<hbm>>
        %dma_start3A_1319 = tpu.memref_squeeze %dma_start3A_1318 : memref<1x16384xi32, #tpu.memory_space<hbm>> -> memref<16384xi32, #tpu.memory_space<hbm>>
        %dma_start3A_1320 = tpu.memref_slice %dma_start3A_1319[%multiple_of3A_1312] : memref<16384xi32, #tpu.memory_space<hbm>> -> memref<128xi32, #tpu.memory_space<hbm>>
        %dma_start3A_1321 = arith.constant 0 : i32
        %dma_start3A_1322 = tpu.memref_slice %arg5[%dma_start3A_1313, %dma_start3A_1321] : memref<2x128xi32, #tpu.memory_space<vmem>> -> memref<1x128xi32, #tpu.memory_space<vmem>>
        %dma_start3A_1323 = tpu.memref_squeeze %dma_start3A_1322 : memref<1x128xi32, #tpu.memory_space<vmem>> -> memref<128xi32, #tpu.memory_space<vmem>>
        %dma_start3A_1324 = arith.constant 0 : i32
        %dma_start3A_1325 = tpu.memref_slice %arg2[%select_n3A_1307, %dma_start3A_1324] : memref<26x16384xi32, #tpu.memory_space<hbm>> -> memref<1x16384xi32, #tpu.memory_space<hbm>>
        %dma_start3A_1326 = tpu.memref_squeeze %dma_start3A_1325 : memref<1x16384xi32, #tpu.memory_space<hbm>> -> memref<16384xi32, #tpu.memory_space<hbm>>
        %dma_start3A_1327 = tpu.memref_slice %dma_start3A_1326[%multiple_of3A_1312] : memref<16384xi32, #tpu.memory_space<hbm>> -> memref<128xi32, #tpu.memory_space<hbm>>
        tpu.enqueue_dma source(%dma_start3A_1327 : memref<128xi32, #tpu.memory_space<hbm>>) target(%dma_start3A_1323 : memref<128xi32, #tpu.memory_space<vmem>>) target_semaphore(%arg8 : memref<!tpu.dma_semaphore, #tpu.memory_space<semaphore_mem>>)
      } else {
      }
      %ge3A = arith.constant 1 : i32
      %ge3A_727 = arith.cmpi sge, %scan3A_700, %ge3A : i32
      %convert_element_type3A_728 = arith.extui %ge3A_727 : i1 to i32
      %cond3A_729 = arith.constant 0 : i32
      %cond3A_730 = arith.cmpi ne, %convert_element_type3A_728, %cond3A_729 : i32
      scf.if %cond3A_730 {
        %sub3A_1282 = arith.constant 2 : i32
        %sub3A_1283 = arith.subi %add3A_705, %sub3A_1282 : i32
        %jit3A_1284 = arith.constant 128 : i32
        %div3A_1285 = arith.divsi %sub3A_1283, %jit3A_1284 : i32
        %sign3A_1286 = arith.constant 0 : i32
        %sign3A_1287 = arith.cmpi sgt, %sub3A_1283, %sign3A_1286 : i32
        %sign3A_1288 = arith.extui %sign3A_1287 : i1 to i32
        %sign3A_1289 = arith.constant 0 : i32
        %sign3A_1290 = arith.cmpi slt, %sub3A_1283, %sign3A_1289 : i32
        %sign3A_1291 = arith.extui %sign3A_1290 : i1 to i32
        %sign3A_1292 = arith.subi %sign3A_1288, %sign3A_1291 : i32
        %sign3A_1293 = arith.constant 0 : i32
        %sign3A_1294 = arith.cmpi sgt, %jit3A_1284, %sign3A_1293 : i32
        %sign3A_1295 = arith.extui %sign3A_1294 : i1 to i32
        %sign3A_1296 = arith.constant 0 : i32
        %sign3A_1297 = arith.cmpi slt, %jit3A_1284, %sign3A_1296 : i32
        %sign3A_1298 = arith.extui %sign3A_1297 : i1 to i32
        %sign3A_1299 = arith.subi %sign3A_1295, %sign3A_1298 : i32
        %ne3A_1300 = arith.cmpi ne, %sign3A_1292, %sign3A_1299 : i32
        %rem3A_1301 = arith.remsi %sub3A_1283, %jit3A_1284 : i32
        %ne3A_1302 = arith.constant 0 : i32
        %ne3A_1303 = arith.cmpi ne, %rem3A_1301, %ne3A_1302 : i32
        %and3A_1304 = arith.andi %ne3A_1300, %ne3A_1303 : i1
        %sub3A_1305 = arith.constant 1 : i32
        %sub3A_1306 = arith.subi %div3A_1285, %sub3A_1305 : i32
        %select_n3A_1307 = arith.select %and3A_1304, %sub3A_1306, %div3A_1285 : i32
        %rem3A_1308 = arith.constant 128 : i32
        %rem3A_1309 = arith.remsi %sub3A_1283, %rem3A_1308 : i32
        %dma_wait3A_1310 = arith.constant 0 : i32
        %dma_wait3A_1311 = arith.constant 0 : i32
        %dma_wait3A_1312 = arith.constant 0 : i32
        %dma_wait3A_1313 = arith.constant 0 : i32
        %dma_wait3A_1314 = arith.constant 0 : i32
        %dma_wait3A_1315 = arith.constant 0 : i32
        %dma_wait3A_1316 = tpu.memref_slice %arg7[%dma_wait3A_1310, %dma_wait3A_1313, %dma_wait3A_1314, %dma_wait3A_1315] : memref<2x4x8x136xf32, #tpu.memory_space<vmem>> -> memref<1x4x8x136xf32, #tpu.memory_space<vmem>>
        %dma_wait3A_1317 = tpu.memref_squeeze %dma_wait3A_1316 : memref<1x4x8x136xf32, #tpu.memory_space<vmem>> -> memref<4x8x136xf32, #tpu.memory_space<vmem>>
        %dma_wait3A_1318 = arith.constant 0 : i32
        %dma_wait3A_1319 = arith.constant 0 : i32
        %dma_wait3A_1320 = tpu.memref_slice %dma_wait3A_1317[%dma_wait3A_1311, %dma_wait3A_1318, %dma_wait3A_1319] : memref<4x8x136xf32, #tpu.memory_space<vmem>> -> memref<1x8x136xf32, #tpu.memory_space<vmem>>
        %dma_wait3A_1321 = tpu.memref_squeeze %dma_wait3A_1320 : memref<1x8x136xf32, #tpu.memory_space<vmem>> -> memref<8x136xf32, #tpu.memory_space<vmem>>
        %dma_wait3A_1322 = arith.constant 0 : i32
        %dma_wait3A_1323 = arith.constant 0 : i32
        %dma_wait3A_1324 = tpu.memref_slice %dma_wait3A_1321[%dma_wait3A_1322, %dma_wait3A_1323] : memref<8x136xf32, #tpu.memory_space<vmem>> -> memref<8x128xf32, #tpu.memory_space<vmem>>
        %dma_wait3A_1325 = arith.constant 0 : i32
        %dma_wait3A_1326 = arith.constant 0 : i32
        %dma_wait3A_1327 = arith.constant 0 : i32
        %dma_wait3A_1328 = arith.constant 0 : i32
        %dma_wait3A_1329 = tpu.memref_slice %arg4[%select_n3A_1307, %dma_wait3A_1325, %dma_wait3A_1326, %dma_wait3A_1327, %dma_wait3A_1328] : memref<26x4x128x8x128xf32, #tpu.memory_space<hbm>> -> memref<1x4x128x8x128xf32, #tpu.memory_space<hbm>>
        %dma_wait3A_1330 = tpu.memref_squeeze %dma_wait3A_1329 : memref<1x4x128x8x128xf32, #tpu.memory_space<hbm>> -> memref<4x128x8x128xf32, #tpu.memory_space<hbm>>
        %dma_wait3A_1331 = arith.constant 0 : i32
        %dma_wait3A_1332 = arith.constant 0 : i32
        %dma_wait3A_1333 = arith.constant 0 : i32
        %dma_wait3A_1334 = tpu.memref_slice %dma_wait3A_1330[%dma_wait3A_1312, %dma_wait3A_1331, %dma_wait3A_1332, %dma_wait3A_1333] : memref<4x128x8x128xf32, #tpu.memory_space<hbm>> -> memref<1x128x8x128xf32, #tpu.memory_space<hbm>>
        %dma_wait3A_1335 = tpu.memref_squeeze %dma_wait3A_1334 : memref<1x128x8x128xf32, #tpu.memory_space<hbm>> -> memref<128x8x128xf32, #tpu.memory_space<hbm>>
        %dma_wait3A_1336 = arith.constant 0 : i32
        %dma_wait3A_1337 = arith.constant 0 : i32
        %dma_wait3A_1338 = tpu.memref_slice %dma_wait3A_1335[%rem3A_1309, %dma_wait3A_1336, %dma_wait3A_1337] : memref<128x8x128xf32, #tpu.memory_space<hbm>> -> memref<1x8x128xf32, #tpu.memory_space<hbm>>
        %dma_wait3A_1339 = tpu.memref_squeeze %dma_wait3A_1338 : memref<1x8x128xf32, #tpu.memory_space<hbm>> -> memref<8x128xf32, #tpu.memory_space<hbm>>
        %dma_wait3A_1340 = arith.constant 0 : i32
        %dma_wait3A_1341 = arith.constant 0 : i32
        %dma_wait3A_1342 = arith.constant 0 : i32
        %dma_wait3A_1343 = arith.constant 0 : i32
        %dma_wait3A_1344 = tpu.memref_slice %arg4[%select_n3A_1307, %dma_wait3A_1340, %dma_wait3A_1341, %dma_wait3A_1342, %dma_wait3A_1343] : memref<26x4x128x8x128xf32, #tpu.memory_space<hbm>> -> memref<1x4x128x8x128xf32, #tpu.memory_space<hbm>>
        %dma_wait3A_1345 = tpu.memref_squeeze %dma_wait3A_1344 : memref<1x4x128x8x128xf32, #tpu.memory_space<hbm>> -> memref<4x128x8x128xf32, #tpu.memory_space<hbm>>
        %dma_wait3A_1346 = arith.constant 0 : i32
        %dma_wait3A_1347 = arith.constant 0 : i32
        %dma_wait3A_1348 = arith.constant 0 : i32
        %dma_wait3A_1349 = tpu.memref_slice %dma_wait3A_1345[%dma_wait3A_1312, %dma_wait3A_1346, %dma_wait3A_1347, %dma_wait3A_1348] : memref<4x128x8x128xf32, #tpu.memory_space<hbm>> -> memref<1x128x8x128xf32, #tpu.memory_space<hbm>>
        %dma_wait3A_1350 = tpu.memref_squeeze %dma_wait3A_1349 : memref<1x128x8x128xf32, #tpu.memory_space<hbm>> -> memref<128x8x128xf32, #tpu.memory_space<hbm>>
        %dma_wait3A_1351 = arith.constant 0 : i32
        %dma_wait3A_1352 = arith.constant 0 : i32
        %dma_wait3A_1353 = tpu.memref_slice %dma_wait3A_1350[%rem3A_1309, %dma_wait3A_1351, %dma_wait3A_1352] : memref<128x8x128xf32, #tpu.memory_space<hbm>> -> memref<1x8x128xf32, #tpu.memory_space<hbm>>
        %dma_wait3A_1354 = tpu.memref_squeeze %dma_wait3A_1353 : memref<1x8x128xf32, #tpu.memory_space<hbm>> -> memref<8x128xf32, #tpu.memory_space<hbm>>
        %dma_wait3A_1355 = arith.constant 0 : i32
        %dma_wait3A_1356 = arith.constant 0 : i32
        %dma_wait3A_1357 = arith.constant 0 : i32
        %dma_wait3A_1358 = tpu.memref_slice %arg7[%dma_wait3A_1310, %dma_wait3A_1355, %dma_wait3A_1356, %dma_wait3A_1357] : memref<2x4x8x136xf32, #tpu.memory_space<vmem>> -> memref<1x4x8x136xf32, #tpu.memory_space<vmem>>
        %dma_wait3A_1359 = tpu.memref_squeeze %dma_wait3A_1358 : memref<1x4x8x136xf32, #tpu.memory_space<vmem>> -> memref<4x8x136xf32, #tpu.memory_space<vmem>>
        %dma_wait3A_1360 = arith.constant 0 : i32
        %dma_wait3A_1361 = arith.constant 0 : i32
        %dma_wait3A_1362 = tpu.memref_slice %dma_wait3A_1359[%dma_wait3A_1311, %dma_wait3A_1360, %dma_wait3A_1361] : memref<4x8x136xf32, #tpu.memory_space<vmem>> -> memref<1x8x136xf32, #tpu.memory_space<vmem>>
        %dma_wait3A_1363 = tpu.memref_squeeze %dma_wait3A_1362 : memref<1x8x136xf32, #tpu.memory_space<vmem>> -> memref<8x136xf32, #tpu.memory_space<vmem>>
        %dma_wait3A_1364 = arith.constant 0 : i32
        %dma_wait3A_1365 = arith.constant 0 : i32
        %dma_wait3A_1366 = tpu.memref_slice %dma_wait3A_1363[%dma_wait3A_1364, %dma_wait3A_1365] : memref<8x136xf32, #tpu.memory_space<vmem>> -> memref<8x128xf32, #tpu.memory_space<vmem>>
        tpu.wait_dma2 semaphore(%arg10 : memref<!tpu.dma_semaphore, #tpu.memory_space<semaphore_mem>>) src(%dma_wait3A_1366 : memref<8x128xf32, #tpu.memory_space<vmem>>) dst(%dma_wait3A_1354 : memref<8x128xf32, #tpu.memory_space<hbm>>)
        %dma_wait3A_1367 = arith.constant 0 : i32
        %dma_wait3A_1368 = arith.constant 1 : i32
        %dma_wait3A_1369 = arith.constant 1 : i32
        %dma_wait3A_1370 = arith.constant 0 : i32
        %dma_wait3A_1371 = arith.constant 0 : i32
        %dma_wait3A_1372 = arith.constant 0 : i32
        %dma_wait3A_1373 = tpu.memref_slice %arg7[%dma_wait3A_1367, %dma_wait3A_1370, %dma_wait3A_1371, %dma_wait3A_1372] : memref<2x4x8x136xf32, #tpu.memory_space<vmem>> -> memref<1x4x8x136xf32, #tpu.memory_space<vmem>>
        %dma_wait3A_1374 = tpu.memref_squeeze %dma_wait3A_1373 : memref<1x4x8x136xf32, #tpu.memory_space<vmem>> -> memref<4x8x136xf32, #tpu.memory_space<vmem>>
        %dma_wait3A_1375 = arith.constant 0 : i32
        %dma_wait3A_1376 = arith.constant 0 : i32
        %dma_wait3A_1377 = tpu.memref_slice %dma_wait3A_1374[%dma_wait3A_1368, %dma_wait3A_1375, %dma_wait3A_1376] : memref<4x8x136xf32, #tpu.memory_space<vmem>> -> memref<1x8x136xf32, #tpu.memory_space<vmem>>
        %dma_wait3A_1378 = tpu.memref_squeeze %dma_wait3A_1377 : memref<1x8x136xf32, #tpu.memory_space<vmem>> -> memref<8x136xf32, #tpu.memory_space<vmem>>
        %dma_wait3A_1379 = arith.constant 0 : i32
        %dma_wait3A_1380 = arith.constant 0 : i32
        %dma_wait3A_1381 = tpu.memref_slice %dma_wait3A_1378[%dma_wait3A_1379, %dma_wait3A_1380] : memref<8x136xf32, #tpu.memory_space<vmem>> -> memref<8x128xf32, #tpu.memory_space<vmem>>
        %dma_wait3A_1382 = arith.constant 0 : i32
        %dma_wait3A_1383 = arith.constant 0 : i32
        %dma_wait3A_1384 = arith.constant 0 : i32
        %dma_wait3A_1385 = arith.constant 0 : i32
        %dma_wait3A_1386 = tpu.memref_slice %arg4[%select_n3A_1307, %dma_wait3A_1382, %dma_wait3A_1383, %dma_wait3A_1384, %dma_wait3A_1385] : memref<26x4x128x8x128xf32, #tpu.memory_space<hbm>> -> memref<1x4x128x8x128xf32, #tpu.memory_space<hbm>>
        %dma_wait3A_1387 = tpu.memref_squeeze %dma_wait3A_1386 : memref<1x4x128x8x128xf32, #tpu.memory_space<hbm>> -> memref<4x128x8x128xf32, #tpu.memory_space<hbm>>
        %dma_wait3A_1388 = arith.constant 0 : i32
        %dma_wait3A_1389 = arith.constant 0 : i32
        %dma_wait3A_1390 = arith.constant 0 : i32
        %dma_wait3A_1391 = tpu.memref_slice %dma_wait3A_1387[%dma_wait3A_1369, %dma_wait3A_1388, %dma_wait3A_1389, %dma_wait3A_1390] : memref<4x128x8x128xf32, #tpu.memory_space<hbm>> -> memref<1x128x8x128xf32, #tpu.memory_space<hbm>>
        %dma_wait3A_1392 = tpu.memref_squeeze %dma_wait3A_1391 : memref<1x128x8x128xf32, #tpu.memory_space<hbm>> -> memref<128x8x128xf32, #tpu.memory_space<hbm>>
        %dma_wait3A_1393 = arith.constant 0 : i32
        %dma_wait3A_1394 = arith.constant 0 : i32
        %dma_wait3A_1395 = tpu.memref_slice %dma_wait3A_1392[%rem3A_1309, %dma_wait3A_1393, %dma_wait3A_1394] : memref<128x8x128xf32, #tpu.memory_space<hbm>> -> memref<1x8x128xf32, #tpu.memory_space<hbm>>
        %dma_wait3A_1396 = tpu.memref_squeeze %dma_wait3A_1395 : memref<1x8x128xf32, #tpu.memory_space<hbm>> -> memref<8x128xf32, #tpu.memory_space<hbm>>
        %dma_wait3A_1397 = arith.constant 0 : i32
        %dma_wait3A_1398 = arith.constant 0 : i32
        %dma_wait3A_1399 = arith.constant 0 : i32
        %dma_wait3A_1400 = arith.constant 0 : i32
        %dma_wait3A_1401 = tpu.memref_slice %arg4[%select_n3A_1307, %dma_wait3A_1397, %dma_wait3A_1398, %dma_wait3A_1399, %dma_wait3A_1400] : memref<26x4x128x8x128xf32, #tpu.memory_space<hbm>> -> memref<1x4x128x8x128xf32, #tpu.memory_space<hbm>>
        %dma_wait3A_1402 = tpu.memref_squeeze %dma_wait3A_1401 : memref<1x4x128x8x128xf32, #tpu.memory_space<hbm>> -> memref<4x128x8x128xf32, #tpu.memory_space<hbm>>
        %dma_wait3A_1403 = arith.constant 0 : i32
        %dma_wait3A_1404 = arith.constant 0 : i32
        %dma_wait3A_1405 = arith.constant 0 : i32
        %dma_wait3A_1406 = tpu.memref_slice %dma_wait3A_1402[%dma_wait3A_1369, %dma_wait3A_1403, %dma_wait3A_1404, %dma_wait3A_1405] : memref<4x128x8x128xf32, #tpu.memory_space<hbm>> -> memref<1x128x8x128xf32, #tpu.memory_space<hbm>>
        %dma_wait3A_1407 = tpu.memref_squeeze %dma_wait3A_1406 : memref<1x128x8x128xf32, #tpu.memory_space<hbm>> -> memref<128x8x128xf32, #tpu.memory_space<hbm>>
        %dma_wait3A_1408 = arith.constant 0 : i32
        %dma_wait3A_1409 = arith.constant 0 : i32
        %dma_wait3A_1410 = tpu.memref_slice %dma_wait3A_1407[%rem3A_1309, %dma_wait3A_1408, %dma_wait3A_1409] : memref<128x8x128xf32, #tpu.memory_space<hbm>> -> memref<1x8x128xf32, #tpu.memory_space<hbm>>
        %dma_wait3A_1411 = tpu.memref_squeeze %dma_wait3A_1410 : memref<1x8x128xf32, #tpu.memory_space<hbm>> -> memref<8x128xf32, #tpu.memory_space<hbm>>
        %dma_wait3A_1412 = arith.constant 0 : i32
        %dma_wait3A_1413 = arith.constant 0 : i32
        %dma_wait3A_1414 = arith.constant 0 : i32
        %dma_wait3A_1415 = tpu.memref_slice %arg7[%dma_wait3A_1367, %dma_wait3A_1412, %dma_wait3A_1413, %dma_wait3A_1414] : memref<2x4x8x136xf32, #tpu.memory_space<vmem>> -> memref<1x4x8x136xf32, #tpu.memory_space<vmem>>
        %dma_wait3A_1416 = tpu.memref_squeeze %dma_wait3A_1415 : memref<1x4x8x136xf32, #tpu.memory_space<vmem>> -> memref<4x8x136xf32, #tpu.memory_space<vmem>>
        %dma_wait3A_1417 = arith.constant 0 : i32
        %dma_wait3A_1418 = arith.constant 0 : i32
        %dma_wait3A_1419 = tpu.memref_slice %dma_wait3A_1416[%dma_wait3A_1368, %dma_wait3A_1417, %dma_wait3A_1418] : memref<4x8x136xf32, #tpu.memory_space<vmem>> -> memref<1x8x136xf32, #tpu.memory_space<vmem>>
        %dma_wait3A_1420 = tpu.memref_squeeze %dma_wait3A_1419 : memref<1x8x136xf32, #tpu.memory_space<vmem>> -> memref<8x136xf32, #tpu.memory_space<vmem>>
        %dma_wait3A_1421 = arith.constant 0 : i32
        %dma_wait3A_1422 = arith.constant 0 : i32
        %dma_wait3A_1423 = tpu.memref_slice %dma_wait3A_1420[%dma_wait3A_1421, %dma_wait3A_1422] : memref<8x136xf32, #tpu.memory_space<vmem>> -> memref<8x128xf32, #tpu.memory_space<vmem>>
        tpu.wait_dma2 semaphore(%arg10 : memref<!tpu.dma_semaphore, #tpu.memory_space<semaphore_mem>>) src(%dma_wait3A_1423 : memref<8x128xf32, #tpu.memory_space<vmem>>) dst(%dma_wait3A_1411 : memref<8x128xf32, #tpu.memory_space<hbm>>)
        %dma_wait3A_1424 = arith.constant 0 : i32
        %dma_wait3A_1425 = arith.constant 2 : i32
        %dma_wait3A_1426 = arith.constant 2 : i32
        %dma_wait3A_1427 = arith.constant 0 : i32
        %dma_wait3A_1428 = arith.constant 0 : i32
        %dma_wait3A_1429 = arith.constant 0 : i32
        %dma_wait3A_1430 = tpu.memref_slice %arg7[%dma_wait3A_1424, %dma_wait3A_1427, %dma_wait3A_1428, %dma_wait3A_1429] : memref<2x4x8x136xf32, #tpu.memory_space<vmem>> -> memref<1x4x8x136xf32, #tpu.memory_space<vmem>>
        %dma_wait3A_1431 = tpu.memref_squeeze %dma_wait3A_1430 : memref<1x4x8x136xf32, #tpu.memory_space<vmem>> -> memref<4x8x136xf32, #tpu.memory_space<vmem>>
        %dma_wait3A_1432 = arith.constant 0 : i32
        %dma_wait3A_1433 = arith.constant 0 : i32
        %dma_wait3A_1434 = tpu.memref_slice %dma_wait3A_1431[%dma_wait3A_1425, %dma_wait3A_1432, %dma_wait3A_1433] : memref<4x8x136xf32, #tpu.memory_space<vmem>> -> memref<1x8x136xf32, #tpu.memory_space<vmem>>
        %dma_wait3A_1435 = tpu.memref_squeeze %dma_wait3A_1434 : memref<1x8x136xf32, #tpu.memory_space<vmem>> -> memref<8x136xf32, #tpu.memory_space<vmem>>
        %dma_wait3A_1436 = arith.constant 0 : i32
        %dma_wait3A_1437 = arith.constant 0 : i32
        %dma_wait3A_1438 = tpu.memref_slice %dma_wait3A_1435[%dma_wait3A_1436, %dma_wait3A_1437] : memref<8x136xf32, #tpu.memory_space<vmem>> -> memref<8x128xf32, #tpu.memory_space<vmem>>
        %dma_wait3A_1439 = arith.constant 0 : i32
        %dma_wait3A_1440 = arith.constant 0 : i32
        %dma_wait3A_1441 = arith.constant 0 : i32
        %dma_wait3A_1442 = arith.constant 0 : i32
        %dma_wait3A_1443 = tpu.memref_slice %arg4[%select_n3A_1307, %dma_wait3A_1439, %dma_wait3A_1440, %dma_wait3A_1441, %dma_wait3A_1442] : memref<26x4x128x8x128xf32, #tpu.memory_space<hbm>> -> memref<1x4x128x8x128xf32, #tpu.memory_space<hbm>>
        %dma_wait3A_1444 = tpu.memref_squeeze %dma_wait3A_1443 : memref<1x4x128x8x128xf32, #tpu.memory_space<hbm>> -> memref<4x128x8x128xf32, #tpu.memory_space<hbm>>
        %dma_wait3A_1445 = arith.constant 0 : i32
        %dma_wait3A_1446 = arith.constant 0 : i32
        %dma_wait3A_1447 = arith.constant 0 : i32
        %dma_wait3A_1448 = tpu.memref_slice %dma_wait3A_1444[%dma_wait3A_1426, %dma_wait3A_1445, %dma_wait3A_1446, %dma_wait3A_1447] : memref<4x128x8x128xf32, #tpu.memory_space<hbm>> -> memref<1x128x8x128xf32, #tpu.memory_space<hbm>>
        %dma_wait3A_1449 = tpu.memref_squeeze %dma_wait3A_1448 : memref<1x128x8x128xf32, #tpu.memory_space<hbm>> -> memref<128x8x128xf32, #tpu.memory_space<hbm>>
        %dma_wait3A_1450 = arith.constant 0 : i32
        %dma_wait3A_1451 = arith.constant 0 : i32
        %dma_wait3A_1452 = tpu.memref_slice %dma_wait3A_1449[%rem3A_1309, %dma_wait3A_1450, %dma_wait3A_1451] : memref<128x8x128xf32, #tpu.memory_space<hbm>> -> memref<1x8x128xf32, #tpu.memory_space<hbm>>
        %dma_wait3A_1453 = tpu.memref_squeeze %dma_wait3A_1452 : memref<1x8x128xf32, #tpu.memory_space<hbm>> -> memref<8x128xf32, #tpu.memory_space<hbm>>
        %dma_wait3A_1454 = arith.constant 0 : i32
        %dma_wait3A_1455 = arith.constant 0 : i32
        %dma_wait3A_1456 = arith.constant 0 : i32
        %dma_wait3A_1457 = arith.constant 0 : i32
        %dma_wait3A_1458 = tpu.memref_slice %arg4[%select_n3A_1307, %dma_wait3A_1454, %dma_wait3A_1455, %dma_wait3A_1456, %dma_wait3A_1457] : memref<26x4x128x8x128xf32, #tpu.memory_space<hbm>> -> memref<1x4x128x8x128xf32, #tpu.memory_space<hbm>>
        %dma_wait3A_1459 = tpu.memref_squeeze %dma_wait3A_1458 : memref<1x4x128x8x128xf32, #tpu.memory_space<hbm>> -> memref<4x128x8x128xf32, #tpu.memory_space<hbm>>
        %dma_wait3A_1460 = arith.constant 0 : i32
        %dma_wait3A_1461 = arith.constant 0 : i32
        %dma_wait3A_1462 = arith.constant 0 : i32
        %dma_wait3A_1463 = tpu.memref_slice %dma_wait3A_1459[%dma_wait3A_1426, %dma_wait3A_1460, %dma_wait3A_1461, %dma_wait3A_1462] : memref<4x128x8x128xf32, #tpu.memory_space<hbm>> -> memref<1x128x8x128xf32, #tpu.memory_space<hbm>>
        %dma_wait3A_1464 = tpu.memref_squeeze %dma_wait3A_1463 : memref<1x128x8x128xf32, #tpu.memory_space<hbm>> -> memref<128x8x128xf32, #tpu.memory_space<hbm>>
        %dma_wait3A_1465 = arith.constant 0 : i32
        %dma_wait3A_1466 = arith.constant 0 : i32
        %dma_wait3A_1467 = tpu.memref_slice %dma_wait3A_1464[%rem3A_1309, %dma_wait3A_1465, %dma_wait3A_1466] : memref<128x8x128xf32, #tpu.memory_space<hbm>> -> memref<1x8x128xf32, #tpu.memory_space<hbm>>
        %dma_wait3A_1468 = tpu.memref_squeeze %dma_wait3A_1467 : memref<1x8x128xf32, #tpu.memory_space<hbm>> -> memref<8x128xf32, #tpu.memory_space<hbm>>
        %dma_wait3A_1469 = arith.constant 0 : i32
        %dma_wait3A_1470 = arith.constant 0 : i32
        %dma_wait3A_1471 = arith.constant 0 : i32
        %dma_wait3A_1472 = tpu.memref_slice %arg7[%dma_wait3A_1424, %dma_wait3A_1469, %dma_wait3A_1470, %dma_wait3A_1471] : memref<2x4x8x136xf32, #tpu.memory_space<vmem>> -> memref<1x4x8x136xf32, #tpu.memory_space<vmem>>
        %dma_wait3A_1473 = tpu.memref_squeeze %dma_wait3A_1472 : memref<1x4x8x136xf32, #tpu.memory_space<vmem>> -> memref<4x8x136xf32, #tpu.memory_space<vmem>>
        %dma_wait3A_1474 = arith.constant 0 : i32
        %dma_wait3A_1475 = arith.constant 0 : i32
        %dma_wait3A_1476 = tpu.memref_slice %dma_wait3A_1473[%dma_wait3A_1425, %dma_wait3A_1474, %dma_wait3A_1475] : memref<4x8x136xf32, #tpu.memory_space<vmem>> -> memref<1x8x136xf32, #tpu.memory_space<vmem>>
        %dma_wait3A_1477 = tpu.memref_squeeze %dma_wait3A_1476 : memref<1x8x136xf32, #tpu.memory_space<vmem>> -> memref<8x136xf32, #tpu.memory_space<vmem>>
        %dma_wait3A_1478 = arith.constant 0 : i32
        %dma_wait3A_1479 = arith.constant 0 : i32
        %dma_wait3A_1480 = tpu.memref_slice %dma_wait3A_1477[%dma_wait3A_1478, %dma_wait3A_1479] : memref<8x136xf32, #tpu.memory_space<vmem>> -> memref<8x128xf32, #tpu.memory_space<vmem>>
        tpu.wait_dma2 semaphore(%arg10 : memref<!tpu.dma_semaphore, #tpu.memory_space<semaphore_mem>>) src(%dma_wait3A_1480 : memref<8x128xf32, #tpu.memory_space<vmem>>) dst(%dma_wait3A_1468 : memref<8x128xf32, #tpu.memory_space<hbm>>)
        %dma_wait3A_1481 = arith.constant 0 : i32
        %dma_wait3A_1482 = arith.constant 3 : i32
        %dma_wait3A_1483 = arith.constant 3 : i32
        %dma_wait3A_1484 = arith.constant 0 : i32
        %dma_wait3A_1485 = arith.constant 0 : i32
        %dma_wait3A_1486 = arith.constant 0 : i32
        %dma_wait3A_1487 = tpu.memref_slice %arg7[%dma_wait3A_1481, %dma_wait3A_1484, %dma_wait3A_1485, %dma_wait3A_1486] : memref<2x4x8x136xf32, #tpu.memory_space<vmem>> -> memref<1x4x8x136xf32, #tpu.memory_space<vmem>>
        %dma_wait3A_1488 = tpu.memref_squeeze %dma_wait3A_1487 : memref<1x4x8x136xf32, #tpu.memory_space<vmem>> -> memref<4x8x136xf32, #tpu.memory_space<vmem>>
        %dma_wait3A_1489 = arith.constant 0 : i32
        %dma_wait3A_1490 = arith.constant 0 : i32
        %dma_wait3A_1491 = tpu.memref_slice %dma_wait3A_1488[%dma_wait3A_1482, %dma_wait3A_1489, %dma_wait3A_1490] : memref<4x8x136xf32, #tpu.memory_space<vmem>> -> memref<1x8x136xf32, #tpu.memory_space<vmem>>
        %dma_wait3A_1492 = tpu.memref_squeeze %dma_wait3A_1491 : memref<1x8x136xf32, #tpu.memory_space<vmem>> -> memref<8x136xf32, #tpu.memory_space<vmem>>
        %dma_wait3A_1493 = arith.constant 0 : i32
        %dma_wait3A_1494 = arith.constant 0 : i32
        %dma_wait3A_1495 = tpu.memref_slice %dma_wait3A_1492[%dma_wait3A_1493, %dma_wait3A_1494] : memref<8x136xf32, #tpu.memory_space<vmem>> -> memref<8x128xf32, #tpu.memory_space<vmem>>
        %dma_wait3A_1496 = arith.constant 0 : i32
        %dma_wait3A_1497 = arith.constant 0 : i32
        %dma_wait3A_1498 = arith.constant 0 : i32
        %dma_wait3A_1499 = arith.constant 0 : i32
        %dma_wait3A_1500 = tpu.memref_slice %arg4[%select_n3A_1307, %dma_wait3A_1496, %dma_wait3A_1497, %dma_wait3A_1498, %dma_wait3A_1499] : memref<26x4x128x8x128xf32, #tpu.memory_space<hbm>> -> memref<1x4x128x8x128xf32, #tpu.memory_space<hbm>>
        %dma_wait3A_1501 = tpu.memref_squeeze %dma_wait3A_1500 : memref<1x4x128x8x128xf32, #tpu.memory_space<hbm>> -> memref<4x128x8x128xf32, #tpu.memory_space<hbm>>
        %dma_wait3A_1502 = arith.constant 0 : i32
        %dma_wait3A_1503 = arith.constant 0 : i32
        %dma_wait3A_1504 = arith.constant 0 : i32
        %dma_wait3A_1505 = tpu.memref_slice %dma_wait3A_1501[%dma_wait3A_1483, %dma_wait3A_1502, %dma_wait3A_1503, %dma_wait3A_1504] : memref<4x128x8x128xf32, #tpu.memory_space<hbm>> -> memref<1x128x8x128xf32, #tpu.memory_space<hbm>>
        %dma_wait3A_1506 = tpu.memref_squeeze %dma_wait3A_1505 : memref<1x128x8x128xf32, #tpu.memory_space<hbm>> -> memref<128x8x128xf32, #tpu.memory_space<hbm>>
        %dma_wait3A_1507 = arith.constant 0 : i32
        %dma_wait3A_1508 = arith.constant 0 : i32
        %dma_wait3A_1509 = tpu.memref_slice %dma_wait3A_1506[%rem3A_1309, %dma_wait3A_1507, %dma_wait3A_1508] : memref<128x8x128xf32, #tpu.memory_space<hbm>> -> memref<1x8x128xf32, #tpu.memory_space<hbm>>
        %dma_wait3A_1510 = tpu.memref_squeeze %dma_wait3A_1509 : memref<1x8x128xf32, #tpu.memory_space<hbm>> -> memref<8x128xf32, #tpu.memory_space<hbm>>
        %dma_wait3A_1511 = arith.constant 0 : i32
        %dma_wait3A_1512 = arith.constant 0 : i32
        %dma_wait3A_1513 = arith.constant 0 : i32
        %dma_wait3A_1514 = arith.constant 0 : i32
        %dma_wait3A_1515 = tpu.memref_slice %arg4[%select_n3A_1307, %dma_wait3A_1511, %dma_wait3A_1512, %dma_wait3A_1513, %dma_wait3A_1514] : memref<26x4x128x8x128xf32, #tpu.memory_space<hbm>> -> memref<1x4x128x8x128xf32, #tpu.memory_space<hbm>>
        %dma_wait3A_1516 = tpu.memref_squeeze %dma_wait3A_1515 : memref<1x4x128x8x128xf32, #tpu.memory_space<hbm>> -> memref<4x128x8x128xf32, #tpu.memory_space<hbm>>
        %dma_wait3A_1517 = arith.constant 0 : i32
        %dma_wait3A_1518 = arith.constant 0 : i32
        %dma_wait3A_1519 = arith.constant 0 : i32
        %dma_wait3A_1520 = tpu.memref_slice %dma_wait3A_1516[%dma_wait3A_1483, %dma_wait3A_1517, %dma_wait3A_1518, %dma_wait3A_1519] : memref<4x128x8x128xf32, #tpu.memory_space<hbm>> -> memref<1x128x8x128xf32, #tpu.memory_space<hbm>>
        %dma_wait3A_1521 = tpu.memref_squeeze %dma_wait3A_1520 : memref<1x128x8x128xf32, #tpu.memory_space<hbm>> -> memref<128x8x128xf32, #tpu.memory_space<hbm>>
        %dma_wait3A_1522 = arith.constant 0 : i32
        %dma_wait3A_1523 = arith.constant 0 : i32
        %dma_wait3A_1524 = tpu.memref_slice %dma_wait3A_1521[%rem3A_1309, %dma_wait3A_1522, %dma_wait3A_1523] : memref<128x8x128xf32, #tpu.memory_space<hbm>> -> memref<1x8x128xf32, #tpu.memory_space<hbm>>
        %dma_wait3A_1525 = tpu.memref_squeeze %dma_wait3A_1524 : memref<1x8x128xf32, #tpu.memory_space<hbm>> -> memref<8x128xf32, #tpu.memory_space<hbm>>
        %dma_wait3A_1526 = arith.constant 0 : i32
        %dma_wait3A_1527 = arith.constant 0 : i32
        %dma_wait3A_1528 = arith.constant 0 : i32
        %dma_wait3A_1529 = tpu.memref_slice %arg7[%dma_wait3A_1481, %dma_wait3A_1526, %dma_wait3A_1527, %dma_wait3A_1528] : memref<2x4x8x136xf32, #tpu.memory_space<vmem>> -> memref<1x4x8x136xf32, #tpu.memory_space<vmem>>
        %dma_wait3A_1530 = tpu.memref_squeeze %dma_wait3A_1529 : memref<1x4x8x136xf32, #tpu.memory_space<vmem>> -> memref<4x8x136xf32, #tpu.memory_space<vmem>>
        %dma_wait3A_1531 = arith.constant 0 : i32
        %dma_wait3A_1532 = arith.constant 0 : i32
        %dma_wait3A_1533 = tpu.memref_slice %dma_wait3A_1530[%dma_wait3A_1482, %dma_wait3A_1531, %dma_wait3A_1532] : memref<4x8x136xf32, #tpu.memory_space<vmem>> -> memref<1x8x136xf32, #tpu.memory_space<vmem>>
        %dma_wait3A_1534 = tpu.memref_squeeze %dma_wait3A_1533 : memref<1x8x136xf32, #tpu.memory_space<vmem>> -> memref<8x136xf32, #tpu.memory_space<vmem>>
        %dma_wait3A_1535 = arith.constant 0 : i32
        %dma_wait3A_1536 = arith.constant 0 : i32
        %dma_wait3A_1537 = tpu.memref_slice %dma_wait3A_1534[%dma_wait3A_1535, %dma_wait3A_1536] : memref<8x136xf32, #tpu.memory_space<vmem>> -> memref<8x128xf32, #tpu.memory_space<vmem>>
        tpu.wait_dma2 semaphore(%arg10 : memref<!tpu.dma_semaphore, #tpu.memory_space<semaphore_mem>>) src(%dma_wait3A_1537 : memref<8x128xf32, #tpu.memory_space<vmem>>) dst(%dma_wait3A_1525 : memref<8x128xf32, #tpu.memory_space<hbm>>)
      } else {
      }
      %scan3A_731 = arith.constant 0 : i32
      %scan3A_732 = arith.constant 0 : i32
      %scan3A_733 = arith.constant 128 : i32
      %scan3A_734 = arith.addi %scan3A_732, %scan3A_733 : i32
      %scan3A_735 = arith.constant 8 : i32
      scf.for %scan3A_1282 = %scan3A_732 to %scan3A_734 step %scan3A_735  : i32 {
        %broadcast_in_dim3A = arith.constant 1 : i32
        %broadcast_in_dim3A_1283 = vector.broadcast %broadcast_in_dim3A : i32 to vector<16xi32>
        %mul3A_1284 = vector.broadcast %scan3A_1282 : i32 to vector<16xi32>
        %mul3A_1285 = arith.muli %broadcast_in_dim3A_1283, %mul3A_1284 : vector<16xi32>
        %get3A = arith.constant 0 : i32
        %get3A_1286 = arith.index_cast %get3A : i32 to index
        %get3A_1287 = arith.index_cast %scan3A_1282 : i32 to index
        %get3A_1288 = arith.constant 0 : index
        %get3A_1289 = tpu.vector_load %arg6[%get3A_1286, %get3A_1287, %get3A_1288] {strides = array<i32>} : memref<2x128x32xf32, #tpu.memory_space<vmem>>, vector<16xf32>,
        %get3A_1290 = arith.constant 0 : i32
        %get3A_1291 = arith.index_cast %get3A_1290 : i32 to index
        %get3A_1292 = arith.index_cast %scan3A_1282 : i32 to index
        %get3A_1293 = arith.constant 16 : index
        %get3A_1294 = tpu.vector_load %arg6[%get3A_1291, %get3A_1292, %get3A_1293] {strides = array<i32>} : memref<2x128x32xf32, #tpu.memory_space<vmem>>, vector<16xf32>,
        %scatter3A = arith.constant 0 : i32
        %scatter3A_1295 = arith.constant 0 : i32
        %scatter3A_1296 = arith.constant 0 : i32
        %scatter3A_1297 = arith.constant 0 : i32
        %scatter3A_1298 = tpu.memref_slice %arg7[%scatter3A, %scatter3A_1295, %scatter3A_1296, %scatter3A_1297] : memref<2x4x8x136xf32, #tpu.memory_space<vmem>> -> memref<1x4x8x136xf32, #tpu.memory_space<vmem>>
        %scatter3A_1299 = tpu.memref_squeeze %scatter3A_1298 : memref<1x4x8x136xf32, #tpu.memory_space<vmem>> -> memref<4x8x136xf32, #tpu.memory_space<vmem>>
        tpu.vector_store_idx %scatter3A_1299[%select_n3A, %rem3A_33, %mul3A_1285], %get3A_1289 : memref<4x8x136xf32, #tpu.memory_space<vmem>>[vector<16xi32>, vector<16xi32>, vector<16xi32>], vector<16xf32>,
        %scatter3A_1300 = arith.constant 0 : i32
        %scatter3A_1301 = arith.constant 0 : i32
        %scatter3A_1302 = arith.constant 0 : i32
        %scatter3A_1303 = arith.constant 0 : i32
        %scatter3A_1304 = tpu.memref_slice %arg7[%scatter3A_1300, %scatter3A_1301, %scatter3A_1302, %scatter3A_1303] : memref<2x4x8x136xf32, #tpu.memory_space<vmem>> -> memref<1x4x8x136xf32, #tpu.memory_space<vmem>>
        %scatter3A_1305 = tpu.memref_squeeze %scatter3A_1304 : memref<1x4x8x136xf32, #tpu.memory_space<vmem>> -> memref<4x8x136xf32, #tpu.memory_space<vmem>>
        tpu.vector_store_idx %scatter3A_1305[%add3A_30, %rem3A_33, %mul3A_1285], %get3A_1294 : memref<4x8x136xf32, #tpu.memory_space<vmem>>[vector<16xi32>, vector<16xi32>, vector<16xi32>], vector<16xf32>,
        %scan3A_1306 = arith.constant 1 : i32
        %scan3A_1307 = arith.addi %scan3A_1282, %scan3A_1306 : i32
        %broadcast_in_dim3A_1308 = arith.constant 1 : i32
        %broadcast_in_dim3A_1309 = vector.broadcast %broadcast_in_dim3A_1308 : i32 to vector<16xi32>
        %mul3A_1310 = vector.broadcast %scan3A_1307 : i32 to vector<16xi32>
        %mul3A_1311 = arith.muli %broadcast_in_dim3A_1309, %mul3A_1310 : vector<16xi32>
        %get3A_1312 = arith.constant 0 : i32
        %get3A_1313 = arith.index_cast %get3A_1312 : i32 to index
        %get3A_1314 = arith.index_cast %scan3A_1307 : i32 to index
        %get3A_1315 = arith.constant 0 : index
        %get3A_1316 = tpu.vector_load %arg6[%get3A_1313, %get3A_1314, %get3A_1315] {strides = array<i32>} : memref<2x128x32xf32, #tpu.memory_space<vmem>>, vector<16xf32>,
        %get3A_1317 = arith.constant 0 : i32
        %get3A_1318 = arith.index_cast %get3A_1317 : i32 to index
        %get3A_1319 = arith.index_cast %scan3A_1307 : i32 to index
        %get3A_1320 = arith.constant 16 : index
        %get3A_1321 = tpu.vector_load %arg6[%get3A_1318, %get3A_1319, %get3A_1320] {strides = array<i32>} : memref<2x128x32xf32, #tpu.memory_space<vmem>>, vector<16xf32>,
        %scatter3A_1322 = arith.constant 0 : i32
        %scatter3A_1323 = arith.constant 0 : i32
        %scatter3A_1324 = arith.constant 0 : i32
        %scatter3A_1325 = arith.constant 0 : i32
        %scatter3A_1326 = tpu.memref_slice %arg7[%scatter3A_1322, %scatter3A_1323, %scatter3A_1324, %scatter3A_1325] : memref<2x4x8x136xf32, #tpu.memory_space<vmem>> -> memref<1x4x8x136xf32, #tpu.memory_space<vmem>>
        %scatter3A_1327 = tpu.memref_squeeze %scatter3A_1326 : memref<1x4x8x136xf32, #tpu.memory_space<vmem>> -> memref<4x8x136xf32, #tpu.memory_space<vmem>>
        tpu.vector_store_idx %scatter3A_1327[%select_n3A, %rem3A_33, %mul3A_1311], %get3A_1316 : memref<4x8x136xf32, #tpu.memory_space<vmem>>[vector<16xi32>, vector<16xi32>, vector<16xi32>], vector<16xf32>,
        %scatter3A_1328 = arith.constant 0 : i32
        %scatter3A_1329 = arith.constant 0 : i32
        %scatter3A_1330 = arith.constant 0 : i32
        %scatter3A_1331 = arith.constant 0 : i32
        %scatter3A_1332 = tpu.memref_slice %arg7[%scatter3A_1328, %scatter3A_1329, %scatter3A_1330, %scatter3A_1331] : memref<2x4x8x136xf32, #tpu.memory_space<vmem>> -> memref<1x4x8x136xf32, #tpu.memory_space<vmem>>
        %scatter3A_1333 = tpu.memref_squeeze %scatter3A_1332 : memref<1x4x8x136xf32, #tpu.memory_space<vmem>> -> memref<4x8x136xf32, #tpu.memory_space<vmem>>
        tpu.vector_store_idx %scatter3A_1333[%add3A_30, %rem3A_33, %mul3A_1311], %get3A_1321 : memref<4x8x136xf32, #tpu.memory_space<vmem>>[vector<16xi32>, vector<16xi32>, vector<16xi32>], vector<16xf32>,
        %scan3A_1334 = arith.constant 2 : i32
        %scan3A_1335 = arith.addi %scan3A_1282, %scan3A_1334 : i32
        %broadcast_in_dim3A_1336 = arith.constant 1 : i32
        %broadcast_in_dim3A_1337 = vector.broadcast %broadcast_in_dim3A_1336 : i32 to vector<16xi32>
        %mul3A_1338 = vector.broadcast %scan3A_1335 : i32 to vector<16xi32>
        %mul3A_1339 = arith.muli %broadcast_in_dim3A_1337, %mul3A_1338 : vector<16xi32>
        %get3A_1340 = arith.constant 0 : i32
        %get3A_1341 = arith.index_cast %get3A_1340 : i32 to index
        %get3A_1342 = arith.index_cast %scan3A_1335 : i32 to index
        %get3A_1343 = arith.constant 0 : index
        %get3A_1344 = tpu.vector_load %arg6[%get3A_1341, %get3A_1342, %get3A_1343] {strides = array<i32>} : memref<2x128x32xf32, #tpu.memory_space<vmem>>, vector<16xf32>,
        %get3A_1345 = arith.constant 0 : i32
        %get3A_1346 = arith.index_cast %get3A_1345 : i32 to index
        %get3A_1347 = arith.index_cast %scan3A_1335 : i32 to index
        %get3A_1348 = arith.constant 16 : index
        %get3A_1349 = tpu.vector_load %arg6[%get3A_1346, %get3A_1347, %get3A_1348] {strides = array<i32>} : memref<2x128x32xf32, #tpu.memory_space<vmem>>, vector<16xf32>,
        %scatter3A_1350 = arith.constant 0 : i32
        %scatter3A_1351 = arith.constant 0 : i32
        %scatter3A_1352 = arith.constant 0 : i32
        %scatter3A_1353 = arith.constant 0 : i32
        %scatter3A_1354 = tpu.memref_slice %arg7[%scatter3A_1350, %scatter3A_1351, %scatter3A_1352, %scatter3A_1353] : memref<2x4x8x136xf32, #tpu.memory_space<vmem>> -> memref<1x4x8x136xf32, #tpu.memory_space<vmem>>
        %scatter3A_1355 = tpu.memref_squeeze %scatter3A_1354 : memref<1x4x8x136xf32, #tpu.memory_space<vmem>> -> memref<4x8x136xf32, #tpu.memory_space<vmem>>
        tpu.vector_store_idx %scatter3A_1355[%select_n3A, %rem3A_33, %mul3A_1339], %get3A_1344 : memref<4x8x136xf32, #tpu.memory_space<vmem>>[vector<16xi32>, vector<16xi32>, vector<16xi32>], vector<16xf32>,
        %scatter3A_1356 = arith.constant 0 : i32
        %scatter3A_1357 = arith.constant 0 : i32
        %scatter3A_1358 = arith.constant 0 : i32
        %scatter3A_1359 = arith.constant 0 : i32
        %scatter3A_1360 = tpu.memref_slice %arg7[%scatter3A_1356, %scatter3A_1357, %scatter3A_1358, %scatter3A_1359] : memref<2x4x8x136xf32, #tpu.memory_space<vmem>> -> memref<1x4x8x136xf32, #tpu.memory_space<vmem>>
        %scatter3A_1361 = tpu.memref_squeeze %scatter3A_1360 : memref<1x4x8x136xf32, #tpu.memory_space<vmem>> -> memref<4x8x136xf32, #tpu.memory_space<vmem>>
        tpu.vector_store_idx %scatter3A_1361[%add3A_30, %rem3A_33, %mul3A_1339], %get3A_1349 : memref<4x8x136xf32, #tpu.memory_space<vmem>>[vector<16xi32>, vector<16xi32>, vector<16xi32>], vector<16xf32>,
        %scan3A_1362 = arith.constant 3 : i32
        %scan3A_1363 = arith.addi %scan3A_1282, %scan3A_1362 : i32
        %broadcast_in_dim3A_1364 = arith.constant 1 : i32
        %broadcast_in_dim3A_1365 = vector.broadcast %broadcast_in_dim3A_1364 : i32 to vector<16xi32>
        %mul3A_1366 = vector.broadcast %scan3A_1363 : i32 to vector<16xi32>
        %mul3A_1367 = arith.muli %broadcast_in_dim3A_1365, %mul3A_1366 : vector<16xi32>
        %get3A_1368 = arith.constant 0 : i32
        %get3A_1369 = arith.index_cast %get3A_1368 : i32 to index
        %get3A_1370 = arith.index_cast %scan3A_1363 : i32 to index
        %get3A_1371 = arith.constant 0 : index
        %get3A_1372 = tpu.vector_load %arg6[%get3A_1369, %get3A_1370, %get3A_1371] {strides = array<i32>} : memref<2x128x32xf32, #tpu.memory_space<vmem>>, vector<16xf32>,
        %get3A_1373 = arith.constant 0 : i32
        %get3A_1374 = arith.index_cast %get3A_1373 : i32 to index
        %get3A_1375 = arith.index_cast %scan3A_1363 : i32 to index
        %get3A_1376 = arith.constant 16 : index
        %get3A_1377 = tpu.vector_load %arg6[%get3A_1374, %get3A_1375, %get3A_1376] {strides = array<i32>} : memref<2x128x32xf32, #tpu.memory_space<vmem>>, vector<16xf32>,
        %scatter3A_1378 = arith.constant 0 : i32
        %scatter3A_1379 = arith.constant 0 : i32
        %scatter3A_1380 = arith.constant 0 : i32
        %scatter3A_1381 = arith.constant 0 : i32
        %scatter3A_1382 = tpu.memref_slice %arg7[%scatter3A_1378, %scatter3A_1379, %scatter3A_1380, %scatter3A_1381] : memref<2x4x8x136xf32, #tpu.memory_space<vmem>> -> memref<1x4x8x136xf32, #tpu.memory_space<vmem>>
        %scatter3A_1383 = tpu.memref_squeeze %scatter3A_1382 : memref<1x4x8x136xf32, #tpu.memory_space<vmem>> -> memref<4x8x136xf32, #tpu.memory_space<vmem>>
        tpu.vector_store_idx %scatter3A_1383[%select_n3A, %rem3A_33, %mul3A_1367], %get3A_1372 : memref<4x8x136xf32, #tpu.memory_space<vmem>>[vector<16xi32>, vector<16xi32>, vector<16xi32>], vector<16xf32>,
        %scatter3A_1384 = arith.constant 0 : i32
        %scatter3A_1385 = arith.constant 0 : i32
        %scatter3A_1386 = arith.constant 0 : i32
        %scatter3A_1387 = arith.constant 0 : i32
        %scatter3A_1388 = tpu.memref_slice %arg7[%scatter3A_1384, %scatter3A_1385, %scatter3A_1386, %scatter3A_1387] : memref<2x4x8x136xf32, #tpu.memory_space<vmem>> -> memref<1x4x8x136xf32, #tpu.memory_space<vmem>>
        %scatter3A_1389 = tpu.memref_squeeze %scatter3A_1388 : memref<1x4x8x136xf32, #tpu.memory_space<vmem>> -> memref<4x8x136xf32, #tpu.memory_space<vmem>>
        tpu.vector_store_idx %scatter3A_1389[%add3A_30, %rem3A_33, %mul3A_1367], %get3A_1377 : memref<4x8x136xf32, #tpu.memory_space<vmem>>[vector<16xi32>, vector<16xi32>, vector<16xi32>], vector<16xf32>,
        %scan3A_1390 = arith.constant 4 : i32
        %scan3A_1391 = arith.addi %scan3A_1282, %scan3A_1390 : i32
        %broadcast_in_dim3A_1392 = arith.constant 1 : i32
        %broadcast_in_dim3A_1393 = vector.broadcast %broadcast_in_dim3A_1392 : i32 to vector<16xi32>
        %mul3A_1394 = vector.broadcast %scan3A_1391 : i32 to vector<16xi32>
        %mul3A_1395 = arith.muli %broadcast_in_dim3A_1393, %mul3A_1394 : vector<16xi32>
        %get3A_1396 = arith.constant 0 : i32
        %get3A_1397 = arith.index_cast %get3A_1396 : i32 to index
        %get3A_1398 = arith.index_cast %scan3A_1391 : i32 to index
        %get3A_1399 = arith.constant 0 : index
        %get3A_1400 = tpu.vector_load %arg6[%get3A_1397, %get3A_1398, %get3A_1399] {strides = array<i32>} : memref<2x128x32xf32, #tpu.memory_space<vmem>>, vector<16xf32>,
        %get3A_1401 = arith.constant 0 : i32
        %get3A_1402 = arith.index_cast %get3A_1401 : i32 to index
        %get3A_1403 = arith.index_cast %scan3A_1391 : i32 to index
        %get3A_1404 = arith.constant 16 : index
        %get3A_1405 = tpu.vector_load %arg6[%get3A_1402, %get3A_1403, %get3A_1404] {strides = array<i32>} : memref<2x128x32xf32, #tpu.memory_space<vmem>>, vector<16xf32>,
        %scatter3A_1406 = arith.constant 0 : i32
        %scatter3A_1407 = arith.constant 0 : i32
        %scatter3A_1408 = arith.constant 0 : i32
        %scatter3A_1409 = arith.constant 0 : i32
        %scatter3A_1410 = tpu.memref_slice %arg7[%scatter3A_1406, %scatter3A_1407, %scatter3A_1408, %scatter3A_1409] : memref<2x4x8x136xf32, #tpu.memory_space<vmem>> -> memref<1x4x8x136xf32, #tpu.memory_space<vmem>>
        %scatter3A_1411 = tpu.memref_squeeze %scatter3A_1410 : memref<1x4x8x136xf32, #tpu.memory_space<vmem>> -> memref<4x8x136xf32, #tpu.memory_space<vmem>>
        tpu.vector_store_idx %scatter3A_1411[%select_n3A, %rem3A_33, %mul3A_1395], %get3A_1400 : memref<4x8x136xf32, #tpu.memory_space<vmem>>[vector<16xi32>, vector<16xi32>, vector<16xi32>], vector<16xf32>,
        %scatter3A_1412 = arith.constant 0 : i32
        %scatter3A_1413 = arith.constant 0 : i32
        %scatter3A_1414 = arith.constant 0 : i32
        %scatter3A_1415 = arith.constant 0 : i32
        %scatter3A_1416 = tpu.memref_slice %arg7[%scatter3A_1412, %scatter3A_1413, %scatter3A_1414, %scatter3A_1415] : memref<2x4x8x136xf32, #tpu.memory_space<vmem>> -> memref<1x4x8x136xf32, #tpu.memory_space<vmem>>
        %scatter3A_1417 = tpu.memref_squeeze %scatter3A_1416 : memref<1x4x8x136xf32, #tpu.memory_space<vmem>> -> memref<4x8x136xf32, #tpu.memory_space<vmem>>
        tpu.vector_store_idx %scatter3A_1417[%add3A_30, %rem3A_33, %mul3A_1395], %get3A_1405 : memref<4x8x136xf32, #tpu.memory_space<vmem>>[vector<16xi32>, vector<16xi32>, vector<16xi32>], vector<16xf32>,
        %scan3A_1418 = arith.constant 5 : i32
        %scan3A_1419 = arith.addi %scan3A_1282, %scan3A_1418 : i32
        %broadcast_in_dim3A_1420 = arith.constant 1 : i32
        %broadcast_in_dim3A_1421 = vector.broadcast %broadcast_in_dim3A_1420 : i32 to vector<16xi32>
        %mul3A_1422 = vector.broadcast %scan3A_1419 : i32 to vector<16xi32>
        %mul3A_1423 = arith.muli %broadcast_in_dim3A_1421, %mul3A_1422 : vector<16xi32>
        %get3A_1424 = arith.constant 0 : i32
        %get3A_1425 = arith.index_cast %get3A_1424 : i32 to index
        %get3A_1426 = arith.index_cast %scan3A_1419 : i32 to index
        %get3A_1427 = arith.constant 0 : index
        %get3A_1428 = tpu.vector_load %arg6[%get3A_1425, %get3A_1426, %get3A_1427] {strides = array<i32>} : memref<2x128x32xf32, #tpu.memory_space<vmem>>, vector<16xf32>,
        %get3A_1429 = arith.constant 0 : i32
        %get3A_1430 = arith.index_cast %get3A_1429 : i32 to index
        %get3A_1431 = arith.index_cast %scan3A_1419 : i32 to index
        %get3A_1432 = arith.constant 16 : index
        %get3A_1433 = tpu.vector_load %arg6[%get3A_1430, %get3A_1431, %get3A_1432] {strides = array<i32>} : memref<2x128x32xf32, #tpu.memory_space<vmem>>, vector<16xf32>,
        %scatter3A_1434 = arith.constant 0 : i32
        %scatter3A_1435 = arith.constant 0 : i32
        %scatter3A_1436 = arith.constant 0 : i32
        %scatter3A_1437 = arith.constant 0 : i32
        %scatter3A_1438 = tpu.memref_slice %arg7[%scatter3A_1434, %scatter3A_1435, %scatter3A_1436, %scatter3A_1437] : memref<2x4x8x136xf32, #tpu.memory_space<vmem>> -> memref<1x4x8x136xf32, #tpu.memory_space<vmem>>
        %scatter3A_1439 = tpu.memref_squeeze %scatter3A_1438 : memref<1x4x8x136xf32, #tpu.memory_space<vmem>> -> memref<4x8x136xf32, #tpu.memory_space<vmem>>
        tpu.vector_store_idx %scatter3A_1439[%select_n3A, %rem3A_33, %mul3A_1423], %get3A_1428 : memref<4x8x136xf32, #tpu.memory_space<vmem>>[vector<16xi32>, vector<16xi32>, vector<16xi32>], vector<16xf32>,
        %scatter3A_1440 = arith.constant 0 : i32
        %scatter3A_1441 = arith.constant 0 : i32
        %scatter3A_1442 = arith.constant 0 : i32
        %scatter3A_1443 = arith.constant 0 : i32
        %scatter3A_1444 = tpu.memref_slice %arg7[%scatter3A_1440, %scatter3A_1441, %scatter3A_1442, %scatter3A_1443] : memref<2x4x8x136xf32, #tpu.memory_space<vmem>> -> memref<1x4x8x136xf32, #tpu.memory_space<vmem>>
        %scatter3A_1445 = tpu.memref_squeeze %scatter3A_1444 : memref<1x4x8x136xf32, #tpu.memory_space<vmem>> -> memref<4x8x136xf32, #tpu.memory_space<vmem>>
        tpu.vector_store_idx %scatter3A_1445[%add3A_30, %rem3A_33, %mul3A_1423], %get3A_1433 : memref<4x8x136xf32, #tpu.memory_space<vmem>>[vector<16xi32>, vector<16xi32>, vector<16xi32>], vector<16xf32>,
        %scan3A_1446 = arith.constant 6 : i32
        %scan3A_1447 = arith.addi %scan3A_1282, %scan3A_1446 : i32
        %broadcast_in_dim3A_1448 = arith.constant 1 : i32
        %broadcast_in_dim3A_1449 = vector.broadcast %broadcast_in_dim3A_1448 : i32 to vector<16xi32>
        %mul3A_1450 = vector.broadcast %scan3A_1447 : i32 to vector<16xi32>
        %mul3A_1451 = arith.muli %broadcast_in_dim3A_1449, %mul3A_1450 : vector<16xi32>
        %get3A_1452 = arith.constant 0 : i32
        %get3A_1453 = arith.index_cast %get3A_1452 : i32 to index
        %get3A_1454 = arith.index_cast %scan3A_1447 : i32 to index
        %get3A_1455 = arith.constant 0 : index
        %get3A_1456 = tpu.vector_load %arg6[%get3A_1453, %get3A_1454, %get3A_1455] {strides = array<i32>} : memref<2x128x32xf32, #tpu.memory_space<vmem>>, vector<16xf32>,
        %get3A_1457 = arith.constant 0 : i32
        %get3A_1458 = arith.index_cast %get3A_1457 : i32 to index
        %get3A_1459 = arith.index_cast %scan3A_1447 : i32 to index
        %get3A_1460 = arith.constant 16 : index
        %get3A_1461 = tpu.vector_load %arg6[%get3A_1458, %get3A_1459, %get3A_1460] {strides = array<i32>} : memref<2x128x32xf32, #tpu.memory_space<vmem>>, vector<16xf32>,
        %scatter3A_1462 = arith.constant 0 : i32
        %scatter3A_1463 = arith.constant 0 : i32
        %scatter3A_1464 = arith.constant 0 : i32
        %scatter3A_1465 = arith.constant 0 : i32
        %scatter3A_1466 = tpu.memref_slice %arg7[%scatter3A_1462, %scatter3A_1463, %scatter3A_1464, %scatter3A_1465] : memref<2x4x8x136xf32, #tpu.memory_space<vmem>> -> memref<1x4x8x136xf32, #tpu.memory_space<vmem>>
        %scatter3A_1467 = tpu.memref_squeeze %scatter3A_1466 : memref<1x4x8x136xf32, #tpu.memory_space<vmem>> -> memref<4x8x136xf32, #tpu.memory_space<vmem>>
        tpu.vector_store_idx %scatter3A_1467[%select_n3A, %rem3A_33, %mul3A_1451], %get3A_1456 : memref<4x8x136xf32, #tpu.memory_space<vmem>>[vector<16xi32>, vector<16xi32>, vector<16xi32>], vector<16xf32>,
        %scatter3A_1468 = arith.constant 0 : i32
        %scatter3A_1469 = arith.constant 0 : i32
        %scatter3A_1470 = arith.constant 0 : i32
        %scatter3A_1471 = arith.constant 0 : i32
        %scatter3A_1472 = tpu.memref_slice %arg7[%scatter3A_1468, %scatter3A_1469, %scatter3A_1470, %scatter3A_1471] : memref<2x4x8x136xf32, #tpu.memory_space<vmem>> -> memref<1x4x8x136xf32, #tpu.memory_space<vmem>>
        %scatter3A_1473 = tpu.memref_squeeze %scatter3A_1472 : memref<1x4x8x136xf32, #tpu.memory_space<vmem>> -> memref<4x8x136xf32, #tpu.memory_space<vmem>>
        tpu.vector_store_idx %scatter3A_1473[%add3A_30, %rem3A_33, %mul3A_1451], %get3A_1461 : memref<4x8x136xf32, #tpu.memory_space<vmem>>[vector<16xi32>, vector<16xi32>, vector<16xi32>], vector<16xf32>,
        %scan3A_1474 = arith.constant 7 : i32
        %scan3A_1475 = arith.addi %scan3A_1282, %scan3A_1474 : i32
        %broadcast_in_dim3A_1476 = arith.constant 1 : i32
        %broadcast_in_dim3A_1477 = vector.broadcast %broadcast_in_dim3A_1476 : i32 to vector<16xi32>
        %mul3A_1478 = vector.broadcast %scan3A_1475 : i32 to vector<16xi32>
        %mul3A_1479 = arith.muli %broadcast_in_dim3A_1477, %mul3A_1478 : vector<16xi32>
        %get3A_1480 = arith.constant 0 : i32
        %get3A_1481 = arith.index_cast %get3A_1480 : i32 to index
        %get3A_1482 = arith.index_cast %scan3A_1475 : i32 to index
        %get3A_1483 = arith.constant 0 : index
        %get3A_1484 = tpu.vector_load %arg6[%get3A_1481, %get3A_1482, %get3A_1483] {strides = array<i32>} : memref<2x128x32xf32, #tpu.memory_space<vmem>>, vector<16xf32>,
        %get3A_1485 = arith.constant 0 : i32
        %get3A_1486 = arith.index_cast %get3A_1485 : i32 to index
        %get3A_1487 = arith.index_cast %scan3A_1475 : i32 to index
        %get3A_1488 = arith.constant 16 : index
        %get3A_1489 = tpu.vector_load %arg6[%get3A_1486, %get3A_1487, %get3A_1488] {strides = array<i32>} : memref<2x128x32xf32, #tpu.memory_space<vmem>>, vector<16xf32>,
        %scatter3A_1490 = arith.constant 0 : i32
        %scatter3A_1491 = arith.constant 0 : i32
        %scatter3A_1492 = arith.constant 0 : i32
        %scatter3A_1493 = arith.constant 0 : i32
        %scatter3A_1494 = tpu.memref_slice %arg7[%scatter3A_1490, %scatter3A_1491, %scatter3A_1492, %scatter3A_1493] : memref<2x4x8x136xf32, #tpu.memory_space<vmem>> -> memref<1x4x8x136xf32, #tpu.memory_space<vmem>>
        %scatter3A_1495 = tpu.memref_squeeze %scatter3A_1494 : memref<1x4x8x136xf32, #tpu.memory_space<vmem>> -> memref<4x8x136xf32, #tpu.memory_space<vmem>>
        tpu.vector_store_idx %scatter3A_1495[%select_n3A, %rem3A_33, %mul3A_1479], %get3A_1484 : memref<4x8x136xf32, #tpu.memory_space<vmem>>[vector<16xi32>, vector<16xi32>, vector<16xi32>], vector<16xf32>,
        %scatter3A_1496 = arith.constant 0 : i32
        %scatter3A_1497 = arith.constant 0 : i32
        %scatter3A_1498 = arith.constant 0 : i32
        %scatter3A_1499 = arith.constant 0 : i32
        %scatter3A_1500 = tpu.memref_slice %arg7[%scatter3A_1496, %scatter3A_1497, %scatter3A_1498, %scatter3A_1499] : memref<2x4x8x136xf32, #tpu.memory_space<vmem>> -> memref<1x4x8x136xf32, #tpu.memory_space<vmem>>
        %scatter3A_1501 = tpu.memref_squeeze %scatter3A_1500 : memref<1x4x8x136xf32, #tpu.memory_space<vmem>> -> memref<4x8x136xf32, #tpu.memory_space<vmem>>
        tpu.vector_store_idx %scatter3A_1501[%add3A_30, %rem3A_33, %mul3A_1479], %get3A_1489 : memref<4x8x136xf32, #tpu.memory_space<vmem>>[vector<16xi32>, vector<16xi32>, vector<16xi32>], vector<16xf32>,
      }
      %scan3A_736 = arith.constant 128 : i32
      %jit3A_737 = arith.constant 128 : i32
      %div3A_738 = arith.divsi %add3A_705, %jit3A_737 : i32
      %sign3A_739 = arith.constant 0 : i32
      %sign3A_740 = arith.cmpi sgt, %add3A_705, %sign3A_739 : i32
      %sign3A_741 = arith.extui %sign3A_740 : i1 to i32
      %sign3A_742 = arith.constant 0 : i32
      %sign3A_743 = arith.cmpi slt, %add3A_705, %sign3A_742 : i32
      %sign3A_744 = arith.extui %sign3A_743 : i1 to i32
      %sign3A_745 = arith.subi %sign3A_741, %sign3A_744 : i32
      %sign3A_746 = arith.constant 0 : i32
      %sign3A_747 = arith.cmpi sgt, %jit3A_737, %sign3A_746 : i32
      %sign3A_748 = arith.extui %sign3A_747 : i1 to i32
      %sign3A_749 = arith.constant 0 : i32
      %sign3A_750 = arith.cmpi slt, %jit3A_737, %sign3A_749 : i32
      %sign3A_751 = arith.extui %sign3A_750 : i1 to i32
      %sign3A_752 = arith.subi %sign3A_748, %sign3A_751 : i32
      %ne3A_753 = arith.cmpi ne, %sign3A_745, %sign3A_752 : i32
      %rem3A_754 = arith.remsi %add3A_705, %jit3A_737 : i32
      %ne3A_755 = arith.constant 0 : i32
      %ne3A_756 = arith.cmpi ne, %rem3A_754, %ne3A_755 : i32
      %and3A_757 = arith.andi %ne3A_753, %ne3A_756 : i1
      %sub3A_758 = arith.constant 1 : i32
      %sub3A_759 = arith.subi %div3A_738, %sub3A_758 : i32
      %select_n3A_760 = arith.select %and3A_757, %sub3A_759, %div3A_738 : i32
      %rem3A_761 = arith.constant 128 : i32
      %rem3A_762 = arith.remsi %add3A_705, %rem3A_761 : i32
      %dma_start3A_763 = arith.constant 0 : i32
      %dma_start3A_764 = arith.constant 0 : i32
      %dma_start3A_765 = arith.constant 0 : i32
      %dma_start3A_766 = arith.constant 0 : i32
      %dma_start3A_767 = arith.constant 0 : i32
      %dma_start3A_768 = arith.constant 0 : i32
      %dma_start3A_769 = tpu.memref_slice %arg7[%dma_start3A_763, %dma_start3A_766, %dma_start3A_767, %dma_start3A_768] : memref<2x4x8x136xf32, #tpu.memory_space<vmem>> -> memref<1x4x8x136xf32, #tpu.memory_space<vmem>>
      %dma_start3A_770 = tpu.memref_squeeze %dma_start3A_769 : memref<1x4x8x136xf32, #tpu.memory_space<vmem>> -> memref<4x8x136xf32, #tpu.memory_space<vmem>>
      %dma_start3A_771 = arith.constant 0 : i32
      %dma_start3A_772 = arith.constant 0 : i32
      %dma_start3A_773 = tpu.memref_slice %dma_start3A_770[%dma_start3A_764, %dma_start3A_771, %dma_start3A_772] : memref<4x8x136xf32, #tpu.memory_space<vmem>> -> memref<1x8x136xf32, #tpu.memory_space<vmem>>
      %dma_start3A_774 = tpu.memref_squeeze %dma_start3A_773 : memref<1x8x136xf32, #tpu.memory_space<vmem>> -> memref<8x136xf32, #tpu.memory_space<vmem>>
      %dma_start3A_775 = arith.constant 0 : i32
      %dma_start3A_776 = arith.constant 0 : i32
      %dma_start3A_777 = tpu.memref_slice %dma_start3A_774[%dma_start3A_775, %dma_start3A_776] : memref<8x136xf32, #tpu.memory_space<vmem>> -> memref<8x128xf32, #tpu.memory_space<vmem>>
      %dma_start3A_778 = arith.constant 0 : i32
      %dma_start3A_779 = arith.constant 0 : i32
      %dma_start3A_780 = arith.constant 0 : i32
      %dma_start3A_781 = arith.constant 0 : i32
      %dma_start3A_782 = tpu.memref_slice %arg4[%select_n3A_760, %dma_start3A_778, %dma_start3A_779, %dma_start3A_780, %dma_start3A_781] : memref<26x4x128x8x128xf32, #tpu.memory_space<hbm>> -> memref<1x4x128x8x128xf32, #tpu.memory_space<hbm>>
      %dma_start3A_783 = tpu.memref_squeeze %dma_start3A_782 : memref<1x4x128x8x128xf32, #tpu.memory_space<hbm>> -> memref<4x128x8x128xf32, #tpu.memory_space<hbm>>
      %dma_start3A_784 = arith.constant 0 : i32
      %dma_start3A_785 = arith.constant 0 : i32
      %dma_start3A_786 = arith.constant 0 : i32
      %dma_start3A_787 = tpu.memref_slice %dma_start3A_783[%dma_start3A_765, %dma_start3A_784, %dma_start3A_785, %dma_start3A_786] : memref<4x128x8x128xf32, #tpu.memory_space<hbm>> -> memref<1x128x8x128xf32, #tpu.memory_space<hbm>>
      %dma_start3A_788 = tpu.memref_squeeze %dma_start3A_787 : memref<1x128x8x128xf32, #tpu.memory_space<hbm>> -> memref<128x8x128xf32, #tpu.memory_space<hbm>>
      %dma_start3A_789 = arith.constant 0 : i32
      %dma_start3A_790 = arith.constant 0 : i32
      %dma_start3A_791 = tpu.memref_slice %dma_start3A_788[%rem3A_762, %dma_start3A_789, %dma_start3A_790] : memref<128x8x128xf32, #tpu.memory_space<hbm>> -> memref<1x8x128xf32, #tpu.memory_space<hbm>>
      %dma_start3A_792 = tpu.memref_squeeze %dma_start3A_791 : memref<1x8x128xf32, #tpu.memory_space<hbm>> -> memref<8x128xf32, #tpu.memory_space<hbm>>
      %dma_start3A_793 = arith.constant 0 : i32
      %dma_start3A_794 = arith.constant 0 : i32
      %dma_start3A_795 = arith.constant 0 : i32
      %dma_start3A_796 = arith.constant 0 : i32
      %dma_start3A_797 = tpu.memref_slice %arg4[%select_n3A_760, %dma_start3A_793, %dma_start3A_794, %dma_start3A_795, %dma_start3A_796] : memref<26x4x128x8x128xf32, #tpu.memory_space<hbm>> -> memref<1x4x128x8x128xf32, #tpu.memory_space<hbm>>
      %dma_start3A_798 = tpu.memref_squeeze %dma_start3A_797 : memref<1x4x128x8x128xf32, #tpu.memory_space<hbm>> -> memref<4x128x8x128xf32, #tpu.memory_space<hbm>>
      %dma_start3A_799 = arith.constant 0 : i32
      %dma_start3A_800 = arith.constant 0 : i32
      %dma_start3A_801 = arith.constant 0 : i32
      %dma_start3A_802 = tpu.memref_slice %dma_start3A_798[%dma_start3A_765, %dma_start3A_799, %dma_start3A_800, %dma_start3A_801] : memref<4x128x8x128xf32, #tpu.memory_space<hbm>> -> memref<1x128x8x128xf32, #tpu.memory_space<hbm>>
      %dma_start3A_803 = tpu.memref_squeeze %dma_start3A_802 : memref<1x128x8x128xf32, #tpu.memory_space<hbm>> -> memref<128x8x128xf32, #tpu.memory_space<hbm>>
      %dma_start3A_804 = arith.constant 0 : i32
      %dma_start3A_805 = arith.constant 0 : i32
      %dma_start3A_806 = tpu.memref_slice %dma_start3A_803[%rem3A_762, %dma_start3A_804, %dma_start3A_805] : memref<128x8x128xf32, #tpu.memory_space<hbm>> -> memref<1x8x128xf32, #tpu.memory_space<hbm>>
      %dma_start3A_807 = tpu.memref_squeeze %dma_start3A_806 : memref<1x8x128xf32, #tpu.memory_space<hbm>> -> memref<8x128xf32, #tpu.memory_space<hbm>>
      %dma_start3A_808 = arith.constant 0 : i32
      %dma_start3A_809 = arith.constant 0 : i32
      %dma_start3A_810 = arith.constant 0 : i32
      %dma_start3A_811 = tpu.memref_slice %arg7[%dma_start3A_763, %dma_start3A_808, %dma_start3A_809, %dma_start3A_810] : memref<2x4x8x136xf32, #tpu.memory_space<vmem>> -> memref<1x4x8x136xf32, #tpu.memory_space<vmem>>
      %dma_start3A_812 = tpu.memref_squeeze %dma_start3A_811 : memref<1x4x8x136xf32, #tpu.memory_space<vmem>> -> memref<4x8x136xf32, #tpu.memory_space<vmem>>
      %dma_start3A_813 = arith.constant 0 : i32
      %dma_start3A_814 = arith.constant 0 : i32
      %dma_start3A_815 = tpu.memref_slice %dma_start3A_812[%dma_start3A_764, %dma_start3A_813, %dma_start3A_814] : memref<4x8x136xf32, #tpu.memory_space<vmem>> -> memref<1x8x136xf32, #tpu.memory_space<vmem>>
      %dma_start3A_816 = tpu.memref_squeeze %dma_start3A_815 : memref<1x8x136xf32, #tpu.memory_space<vmem>> -> memref<8x136xf32, #tpu.memory_space<vmem>>
      %dma_start3A_817 = arith.constant 0 : i32
      %dma_start3A_818 = arith.constant 0 : i32
      %dma_start3A_819 = tpu.memref_slice %dma_start3A_816[%dma_start3A_817, %dma_start3A_818] : memref<8x136xf32, #tpu.memory_space<vmem>> -> memref<8x128xf32, #tpu.memory_space<vmem>>
      tpu.enqueue_dma source(%dma_start3A_819 : memref<8x128xf32, #tpu.memory_space<vmem>>) target(%dma_start3A_807 : memref<8x128xf32, #tpu.memory_space<hbm>>) target_semaphore(%arg10 : memref<!tpu.dma_semaphore, #tpu.memory_space<semaphore_mem>>)
      %dma_start3A_820 = arith.constant 0 : i32
      %dma_start3A_821 = arith.constant 1 : i32
      %dma_start3A_822 = arith.constant 1 : i32
      %dma_start3A_823 = arith.constant 0 : i32
      %dma_start3A_824 = arith.constant 0 : i32
      %dma_start3A_825 = arith.constant 0 : i32
      %dma_start3A_826 = tpu.memref_slice %arg7[%dma_start3A_820, %dma_start3A_823, %dma_start3A_824, %dma_start3A_825] : memref<2x4x8x136xf32, #tpu.memory_space<vmem>> -> memref<1x4x8x136xf32, #tpu.memory_space<vmem>>
      %dma_start3A_827 = tpu.memref_squeeze %dma_start3A_826 : memref<1x4x8x136xf32, #tpu.memory_space<vmem>> -> memref<4x8x136xf32, #tpu.memory_space<vmem>>
      %dma_start3A_828 = arith.constant 0 : i32
      %dma_start3A_829 = arith.constant 0 : i32
      %dma_start3A_830 = tpu.memref_slice %dma_start3A_827[%dma_start3A_821, %dma_start3A_828, %dma_start3A_829] : memref<4x8x136xf32, #tpu.memory_space<vmem>> -> memref<1x8x136xf32, #tpu.memory_space<vmem>>
      %dma_start3A_831 = tpu.memref_squeeze %dma_start3A_830 : memref<1x8x136xf32, #tpu.memory_space<vmem>> -> memref<8x136xf32, #tpu.memory_space<vmem>>
      %dma_start3A_832 = arith.constant 0 : i32
      %dma_start3A_833 = arith.constant 0 : i32
      %dma_start3A_834 = tpu.memref_slice %dma_start3A_831[%dma_start3A_832, %dma_start3A_833] : memref<8x136xf32, #tpu.memory_space<vmem>> -> memref<8x128xf32, #tpu.memory_space<vmem>>
      %dma_start3A_835 = arith.constant 0 : i32
      %dma_start3A_836 = arith.constant 0 : i32
      %dma_start3A_837 = arith.constant 0 : i32
      %dma_start3A_838 = arith.constant 0 : i32
      %dma_start3A_839 = tpu.memref_slice %arg4[%select_n3A_760, %dma_start3A_835, %dma_start3A_836, %dma_start3A_837, %dma_start3A_838] : memref<26x4x128x8x128xf32, #tpu.memory_space<hbm>> -> memref<1x4x128x8x128xf32, #tpu.memory_space<hbm>>
      %dma_start3A_840 = tpu.memref_squeeze %dma_start3A_839 : memref<1x4x128x8x128xf32, #tpu.memory_space<hbm>> -> memref<4x128x8x128xf32, #tpu.memory_space<hbm>>
      %dma_start3A_841 = arith.constant 0 : i32
      %dma_start3A_842 = arith.constant 0 : i32
      %dma_start3A_843 = arith.constant 0 : i32
      %dma_start3A_844 = tpu.memref_slice %dma_start3A_840[%dma_start3A_822, %dma_start3A_841, %dma_start3A_842, %dma_start3A_843] : memref<4x128x8x128xf32, #tpu.memory_space<hbm>> -> memref<1x128x8x128xf32, #tpu.memory_space<hbm>>
      %dma_start3A_845 = tpu.memref_squeeze %dma_start3A_844 : memref<1x128x8x128xf32, #tpu.memory_space<hbm>> -> memref<128x8x128xf32, #tpu.memory_space<hbm>>
      %dma_start3A_846 = arith.constant 0 : i32
      %dma_start3A_847 = arith.constant 0 : i32
      %dma_start3A_848 = tpu.memref_slice %dma_start3A_845[%rem3A_762, %dma_start3A_846, %dma_start3A_847] : memref<128x8x128xf32, #tpu.memory_space<hbm>> -> memref<1x8x128xf32, #tpu.memory_space<hbm>>
      %dma_start3A_849 = tpu.memref_squeeze %dma_start3A_848 : memref<1x8x128xf32, #tpu.memory_space<hbm>> -> memref<8x128xf32, #tpu.memory_space<hbm>>
      %dma_start3A_850 = arith.constant 0 : i32
      %dma_start3A_851 = arith.constant 0 : i32
      %dma_start3A_852 = arith.constant 0 : i32
      %dma_start3A_853 = arith.constant 0 : i32
      %dma_start3A_854 = tpu.memref_slice %arg4[%select_n3A_760, %dma_start3A_850, %dma_start3A_851, %dma_start3A_852, %dma_start3A_853] : memref<26x4x128x8x128xf32, #tpu.memory_space<hbm>> -> memref<1x4x128x8x128xf32, #tpu.memory_space<hbm>>
      %dma_start3A_855 = tpu.memref_squeeze %dma_start3A_854 : memref<1x4x128x8x128xf32, #tpu.memory_space<hbm>> -> memref<4x128x8x128xf32, #tpu.memory_space<hbm>>
      %dma_start3A_856 = arith.constant 0 : i32
      %dma_start3A_857 = arith.constant 0 : i32
      %dma_start3A_858 = arith.constant 0 : i32
      %dma_start3A_859 = tpu.memref_slice %dma_start3A_855[%dma_start3A_822, %dma_start3A_856, %dma_start3A_857, %dma_start3A_858] : memref<4x128x8x128xf32, #tpu.memory_space<hbm>> -> memref<1x128x8x128xf32, #tpu.memory_space<hbm>>
      %dma_start3A_860 = tpu.memref_squeeze %dma_start3A_859 : memref<1x128x8x128xf32, #tpu.memory_space<hbm>> -> memref<128x8x128xf32, #tpu.memory_space<hbm>>
      %dma_start3A_861 = arith.constant 0 : i32
      %dma_start3A_862 = arith.constant 0 : i32
      %dma_start3A_863 = tpu.memref_slice %dma_start3A_860[%rem3A_762, %dma_start3A_861, %dma_start3A_862] : memref<128x8x128xf32, #tpu.memory_space<hbm>> -> memref<1x8x128xf32, #tpu.memory_space<hbm>>
      %dma_start3A_864 = tpu.memref_squeeze %dma_start3A_863 : memref<1x8x128xf32, #tpu.memory_space<hbm>> -> memref<8x128xf32, #tpu.memory_space<hbm>>
      %dma_start3A_865 = arith.constant 0 : i32
      %dma_start3A_866 = arith.constant 0 : i32
      %dma_start3A_867 = arith.constant 0 : i32
      %dma_start3A_868 = tpu.memref_slice %arg7[%dma_start3A_820, %dma_start3A_865, %dma_start3A_866, %dma_start3A_867] : memref<2x4x8x136xf32, #tpu.memory_space<vmem>> -> memref<1x4x8x136xf32, #tpu.memory_space<vmem>>
      %dma_start3A_869 = tpu.memref_squeeze %dma_start3A_868 : memref<1x4x8x136xf32, #tpu.memory_space<vmem>> -> memref<4x8x136xf32, #tpu.memory_space<vmem>>
      %dma_start3A_870 = arith.constant 0 : i32
      %dma_start3A_871 = arith.constant 0 : i32
      %dma_start3A_872 = tpu.memref_slice %dma_start3A_869[%dma_start3A_821, %dma_start3A_870, %dma_start3A_871] : memref<4x8x136xf32, #tpu.memory_space<vmem>> -> memref<1x8x136xf32, #tpu.memory_space<vmem>>
      %dma_start3A_873 = tpu.memref_squeeze %dma_start3A_872 : memref<1x8x136xf32, #tpu.memory_space<vmem>> -> memref<8x136xf32, #tpu.memory_space<vmem>>
      %dma_start3A_874 = arith.constant 0 : i32
      %dma_start3A_875 = arith.constant 0 : i32
      %dma_start3A_876 = tpu.memref_slice %dma_start3A_873[%dma_start3A_874, %dma_start3A_875] : memref<8x136xf32, #tpu.memory_space<vmem>> -> memref<8x128xf32, #tpu.memory_space<vmem>>
      tpu.enqueue_dma source(%dma_start3A_876 : memref<8x128xf32, #tpu.memory_space<vmem>>) target(%dma_start3A_864 : memref<8x128xf32, #tpu.memory_space<hbm>>) target_semaphore(%arg10 : memref<!tpu.dma_semaphore, #tpu.memory_space<semaphore_mem>>)
      %dma_start3A_877 = arith.constant 0 : i32
      %dma_start3A_878 = arith.constant 2 : i32
      %dma_start3A_879 = arith.constant 2 : i32
      %dma_start3A_880 = arith.constant 0 : i32
      %dma_start3A_881 = arith.constant 0 : i32
      %dma_start3A_882 = arith.constant 0 : i32
      %dma_start3A_883 = tpu.memref_slice %arg7[%dma_start3A_877, %dma_start3A_880, %dma_start3A_881, %dma_start3A_882] : memref<2x4x8x136xf32, #tpu.memory_space<vmem>> -> memref<1x4x8x136xf32, #tpu.memory_space<vmem>>
      %dma_start3A_884 = tpu.memref_squeeze %dma_start3A_883 : memref<1x4x8x136xf32, #tpu.memory_space<vmem>> -> memref<4x8x136xf32, #tpu.memory_space<vmem>>
      %dma_start3A_885 = arith.constant 0 : i32
      %dma_start3A_886 = arith.constant 0 : i32
      %dma_start3A_887 = tpu.memref_slice %dma_start3A_884[%dma_start3A_878, %dma_start3A_885, %dma_start3A_886] : memref<4x8x136xf32, #tpu.memory_space<vmem>> -> memref<1x8x136xf32, #tpu.memory_space<vmem>>
      %dma_start3A_888 = tpu.memref_squeeze %dma_start3A_887 : memref<1x8x136xf32, #tpu.memory_space<vmem>> -> memref<8x136xf32, #tpu.memory_space<vmem>>
      %dma_start3A_889 = arith.constant 0 : i32
      %dma_start3A_890 = arith.constant 0 : i32
      %dma_start3A_891 = tpu.memref_slice %dma_start3A_888[%dma_start3A_889, %dma_start3A_890] : memref<8x136xf32, #tpu.memory_space<vmem>> -> memref<8x128xf32, #tpu.memory_space<vmem>>
      %dma_start3A_892 = arith.constant 0 : i32
      %dma_start3A_893 = arith.constant 0 : i32
      %dma_start3A_894 = arith.constant 0 : i32
      %dma_start3A_895 = arith.constant 0 : i32
      %dma_start3A_896 = tpu.memref_slice %arg4[%select_n3A_760, %dma_start3A_892, %dma_start3A_893, %dma_start3A_894, %dma_start3A_895] : memref<26x4x128x8x128xf32, #tpu.memory_space<hbm>> -> memref<1x4x128x8x128xf32, #tpu.memory_space<hbm>>
      %dma_start3A_897 = tpu.memref_squeeze %dma_start3A_896 : memref<1x4x128x8x128xf32, #tpu.memory_space<hbm>> -> memref<4x128x8x128xf32, #tpu.memory_space<hbm>>
      %dma_start3A_898 = arith.constant 0 : i32
      %dma_start3A_899 = arith.constant 0 : i32
      %dma_start3A_900 = arith.constant 0 : i32
      %dma_start3A_901 = tpu.memref_slice %dma_start3A_897[%dma_start3A_879, %dma_start3A_898, %dma_start3A_899, %dma_start3A_900] : memref<4x128x8x128xf32, #tpu.memory_space<hbm>> -> memref<1x128x8x128xf32, #tpu.memory_space<hbm>>
      %dma_start3A_902 = tpu.memref_squeeze %dma_start3A_901 : memref<1x128x8x128xf32, #tpu.memory_space<hbm>> -> memref<128x8x128xf32, #tpu.memory_space<hbm>>
      %dma_start3A_903 = arith.constant 0 : i32
      %dma_start3A_904 = arith.constant 0 : i32
      %dma_start3A_905 = tpu.memref_slice %dma_start3A_902[%rem3A_762, %dma_start3A_903, %dma_start3A_904] : memref<128x8x128xf32, #tpu.memory_space<hbm>> -> memref<1x8x128xf32, #tpu.memory_space<hbm>>
      %dma_start3A_906 = tpu.memref_squeeze %dma_start3A_905 : memref<1x8x128xf32, #tpu.memory_space<hbm>> -> memref<8x128xf32, #tpu.memory_space<hbm>>
      %dma_start3A_907 = arith.constant 0 : i32
      %dma_start3A_908 = arith.constant 0 : i32
      %dma_start3A_909 = arith.constant 0 : i32
      %dma_start3A_910 = arith.constant 0 : i32
      %dma_start3A_911 = tpu.memref_slice %arg4[%select_n3A_760, %dma_start3A_907, %dma_start3A_908, %dma_start3A_909, %dma_start3A_910] : memref<26x4x128x8x128xf32, #tpu.memory_space<hbm>> -> memref<1x4x128x8x128xf32, #tpu.memory_space<hbm>>
      %dma_start3A_912 = tpu.memref_squeeze %dma_start3A_911 : memref<1x4x128x8x128xf32, #tpu.memory_space<hbm>> -> memref<4x128x8x128xf32, #tpu.memory_space<hbm>>
      %dma_start3A_913 = arith.constant 0 : i32
      %dma_start3A_914 = arith.constant 0 : i32
      %dma_start3A_915 = arith.constant 0 : i32
      %dma_start3A_916 = tpu.memref_slice %dma_start3A_912[%dma_start3A_879, %dma_start3A_913, %dma_start3A_914, %dma_start3A_915] : memref<4x128x8x128xf32, #tpu.memory_space<hbm>> -> memref<1x128x8x128xf32, #tpu.memory_space<hbm>>
      %dma_start3A_917 = tpu.memref_squeeze %dma_start3A_916 : memref<1x128x8x128xf32, #tpu.memory_space<hbm>> -> memref<128x8x128xf32, #tpu.memory_space<hbm>>
      %dma_start3A_918 = arith.constant 0 : i32
      %dma_start3A_919 = arith.constant 0 : i32
      %dma_start3A_920 = tpu.memref_slice %dma_start3A_917[%rem3A_762, %dma_start3A_918, %dma_start3A_919] : memref<128x8x128xf32, #tpu.memory_space<hbm>> -> memref<1x8x128xf32, #tpu.memory_space<hbm>>
      %dma_start3A_921 = tpu.memref_squeeze %dma_start3A_920 : memref<1x8x128xf32, #tpu.memory_space<hbm>> -> memref<8x128xf32, #tpu.memory_space<hbm>>
      %dma_start3A_922 = arith.constant 0 : i32
      %dma_start3A_923 = arith.constant 0 : i32
      %dma_start3A_924 = arith.constant 0 : i32
      %dma_start3A_925 = tpu.memref_slice %arg7[%dma_start3A_877, %dma_start3A_922, %dma_start3A_923, %dma_start3A_924] : memref<2x4x8x136xf32, #tpu.memory_space<vmem>> -> memref<1x4x8x136xf32, #tpu.memory_space<vmem>>
      %dma_start3A_926 = tpu.memref_squeeze %dma_start3A_925 : memref<1x4x8x136xf32, #tpu.memory_space<vmem>> -> memref<4x8x136xf32, #tpu.memory_space<vmem>>
      %dma_start3A_927 = arith.constant 0 : i32
      %dma_start3A_928 = arith.constant 0 : i32
      %dma_start3A_929 = tpu.memref_slice %dma_start3A_926[%dma_start3A_878, %dma_start3A_927, %dma_start3A_928] : memref<4x8x136xf32, #tpu.memory_space<vmem>> -> memref<1x8x136xf32, #tpu.memory_space<vmem>>
      %dma_start3A_930 = tpu.memref_squeeze %dma_start3A_929 : memref<1x8x136xf32, #tpu.memory_space<vmem>> -> memref<8x136xf32, #tpu.memory_space<vmem>>
      %dma_start3A_931 = arith.constant 0 : i32
      %dma_start3A_932 = arith.constant 0 : i32
      %dma_start3A_933 = tpu.memref_slice %dma_start3A_930[%dma_start3A_931, %dma_start3A_932] : memref<8x136xf32, #tpu.memory_space<vmem>> -> memref<8x128xf32, #tpu.memory_space<vmem>>
      tpu.enqueue_dma source(%dma_start3A_933 : memref<8x128xf32, #tpu.memory_space<vmem>>) target(%dma_start3A_921 : memref<8x128xf32, #tpu.memory_space<hbm>>) target_semaphore(%arg10 : memref<!tpu.dma_semaphore, #tpu.memory_space<semaphore_mem>>)
      %dma_start3A_934 = arith.constant 0 : i32
      %dma_start3A_935 = arith.constant 3 : i32
      %dma_start3A_936 = arith.constant 3 : i32
      %dma_start3A_937 = arith.constant 0 : i32
      %dma_start3A_938 = arith.constant 0 : i32
      %dma_start3A_939 = arith.constant 0 : i32
      %dma_start3A_940 = tpu.memref_slice %arg7[%dma_start3A_934, %dma_start3A_937, %dma_start3A_938, %dma_start3A_939] : memref<2x4x8x136xf32, #tpu.memory_space<vmem>> -> memref<1x4x8x136xf32, #tpu.memory_space<vmem>>
      %dma_start3A_941 = tpu.memref_squeeze %dma_start3A_940 : memref<1x4x8x136xf32, #tpu.memory_space<vmem>> -> memref<4x8x136xf32, #tpu.memory_space<vmem>>
      %dma_start3A_942 = arith.constant 0 : i32
      %dma_start3A_943 = arith.constant 0 : i32
      %dma_start3A_944 = tpu.memref_slice %dma_start3A_941[%dma_start3A_935, %dma_start3A_942, %dma_start3A_943] : memref<4x8x136xf32, #tpu.memory_space<vmem>> -> memref<1x8x136xf32, #tpu.memory_space<vmem>>
      %dma_start3A_945 = tpu.memref_squeeze %dma_start3A_944 : memref<1x8x136xf32, #tpu.memory_space<vmem>> -> memref<8x136xf32, #tpu.memory_space<vmem>>
      %dma_start3A_946 = arith.constant 0 : i32
      %dma_start3A_947 = arith.constant 0 : i32
      %dma_start3A_948 = tpu.memref_slice %dma_start3A_945[%dma_start3A_946, %dma_start3A_947] : memref<8x136xf32, #tpu.memory_space<vmem>> -> memref<8x128xf32, #tpu.memory_space<vmem>>
      %dma_start3A_949 = arith.constant 0 : i32
      %dma_start3A_950 = arith.constant 0 : i32
      %dma_start3A_951 = arith.constant 0 : i32
      %dma_start3A_952 = arith.constant 0 : i32
      %dma_start3A_953 = tpu.memref_slice %arg4[%select_n3A_760, %dma_start3A_949, %dma_start3A_950, %dma_start3A_951, %dma_start3A_952] : memref<26x4x128x8x128xf32, #tpu.memory_space<hbm>> -> memref<1x4x128x8x128xf32, #tpu.memory_space<hbm>>
      %dma_start3A_954 = tpu.memref_squeeze %dma_start3A_953 : memref<1x4x128x8x128xf32, #tpu.memory_space<hbm>> -> memref<4x128x8x128xf32, #tpu.memory_space<hbm>>
      %dma_start3A_955 = arith.constant 0 : i32
      %dma_start3A_956 = arith.constant 0 : i32
      %dma_start3A_957 = arith.constant 0 : i32
      %dma_start3A_958 = tpu.memref_slice %dma_start3A_954[%dma_start3A_936, %dma_start3A_955, %dma_start3A_956, %dma_start3A_957] : memref<4x128x8x128xf32, #tpu.memory_space<hbm>> -> memref<1x128x8x128xf32, #tpu.memory_space<hbm>>
      %dma_start3A_959 = tpu.memref_squeeze %dma_start3A_958 : memref<1x128x8x128xf32, #tpu.memory_space<hbm>> -> memref<128x8x128xf32, #tpu.memory_space<hbm>>
      %dma_start3A_960 = arith.constant 0 : i32
      %dma_start3A_961 = arith.constant 0 : i32
      %dma_start3A_962 = tpu.memref_slice %dma_start3A_959[%rem3A_762, %dma_start3A_960, %dma_start3A_961] : memref<128x8x128xf32, #tpu.memory_space<hbm>> -> memref<1x8x128xf32, #tpu.memory_space<hbm>>
      %dma_start3A_963 = tpu.memref_squeeze %dma_start3A_962 : memref<1x8x128xf32, #tpu.memory_space<hbm>> -> memref<8x128xf32, #tpu.memory_space<hbm>>
      %dma_start3A_964 = arith.constant 0 : i32
      %dma_start3A_965 = arith.constant 0 : i32
      %dma_start3A_966 = arith.constant 0 : i32
      %dma_start3A_967 = arith.constant 0 : i32
      %dma_start3A_968 = tpu.memref_slice %arg4[%select_n3A_760, %dma_start3A_964, %dma_start3A_965, %dma_start3A_966, %dma_start3A_967] : memref<26x4x128x8x128xf32, #tpu.memory_space<hbm>> -> memref<1x4x128x8x128xf32, #tpu.memory_space<hbm>>
      %dma_start3A_969 = tpu.memref_squeeze %dma_start3A_968 : memref<1x4x128x8x128xf32, #tpu.memory_space<hbm>> -> memref<4x128x8x128xf32, #tpu.memory_space<hbm>>
      %dma_start3A_970 = arith.constant 0 : i32
      %dma_start3A_971 = arith.constant 0 : i32
      %dma_start3A_972 = arith.constant 0 : i32
      %dma_start3A_973 = tpu.memref_slice %dma_start3A_969[%dma_start3A_936, %dma_start3A_970, %dma_start3A_971, %dma_start3A_972] : memref<4x128x8x128xf32, #tpu.memory_space<hbm>> -> memref<1x128x8x128xf32, #tpu.memory_space<hbm>>
      %dma_start3A_974 = tpu.memref_squeeze %dma_start3A_973 : memref<1x128x8x128xf32, #tpu.memory_space<hbm>> -> memref<128x8x128xf32, #tpu.memory_space<hbm>>
      %dma_start3A_975 = arith.constant 0 : i32
      %dma_start3A_976 = arith.constant 0 : i32
      %dma_start3A_977 = tpu.memref_slice %dma_start3A_974[%rem3A_762, %dma_start3A_975, %dma_start3A_976] : memref<128x8x128xf32, #tpu.memory_space<hbm>> -> memref<1x8x128xf32, #tpu.memory_space<hbm>>
      %dma_start3A_978 = tpu.memref_squeeze %dma_start3A_977 : memref<1x8x128xf32, #tpu.memory_space<hbm>> -> memref<8x128xf32, #tpu.memory_space<hbm>>
      %dma_start3A_979 = arith.constant 0 : i32
      %dma_start3A_980 = arith.constant 0 : i32
      %dma_start3A_981 = arith.constant 0 : i32
      %dma_start3A_982 = tpu.memref_slice %arg7[%dma_start3A_934, %dma_start3A_979, %dma_start3A_980, %dma_start3A_981] : memref<2x4x8x136xf32, #tpu.memory_space<vmem>> -> memref<1x4x8x136xf32, #tpu.memory_space<vmem>>
      %dma_start3A_983 = tpu.memref_squeeze %dma_start3A_982 : memref<1x4x8x136xf32, #tpu.memory_space<vmem>> -> memref<4x8x136xf32, #tpu.memory_space<vmem>>
      %dma_start3A_984 = arith.constant 0 : i32
      %dma_start3A_985 = arith.constant 0 : i32
      %dma_start3A_986 = tpu.memref_slice %dma_start3A_983[%dma_start3A_935, %dma_start3A_984, %dma_start3A_985] : memref<4x8x136xf32, #tpu.memory_space<vmem>> -> memref<1x8x136xf32, #tpu.memory_space<vmem>>
      %dma_start3A_987 = tpu.memref_squeeze %dma_start3A_986 : memref<1x8x136xf32, #tpu.memory_space<vmem>> -> memref<8x136xf32, #tpu.memory_space<vmem>>
      %dma_start3A_988 = arith.constant 0 : i32
      %dma_start3A_989 = arith.constant 0 : i32
      %dma_start3A_990 = tpu.memref_slice %dma_start3A_987[%dma_start3A_988, %dma_start3A_989] : memref<8x136xf32, #tpu.memory_space<vmem>> -> memref<8x128xf32, #tpu.memory_space<vmem>>
      tpu.enqueue_dma source(%dma_start3A_990 : memref<8x128xf32, #tpu.memory_space<vmem>>) target(%dma_start3A_978 : memref<8x128xf32, #tpu.memory_space<hbm>>) target_semaphore(%arg10 : memref<!tpu.dma_semaphore, #tpu.memory_space<semaphore_mem>>)
      %add3A_991 = arith.constant 1 : i32
      %add3A_992 = arith.addi %add3A_703, %add3A_991 : i32
      %dma_wait3A_993 = arith.constant 1 : i32
      %dma_wait3A_994 = arith.constant 1 : i32
      %dma_wait3A_995 = arith.constant 0 : i32
      %dma_wait3A_996 = arith.constant 0 : i32
      %dma_wait3A_997 = tpu.memref_slice %arg6[%dma_wait3A_994, %dma_wait3A_995, %dma_wait3A_996] : memref<2x128x32xf32, #tpu.memory_space<vmem>> -> memref<1x128x32xf32, #tpu.memory_space<vmem>>
      %dma_wait3A_998 = tpu.memref_squeeze %dma_wait3A_997 : memref<1x128x32xf32, #tpu.memory_space<vmem>> -> memref<128x32xf32, #tpu.memory_space<vmem>>
      %dma_wait3A_999 = arith.constant 0 : i32
      %dma_wait3A_1000 = tpu.memref_slice %arg5[%dma_wait3A_993, %dma_wait3A_999] : memref<2x128xi32, #tpu.memory_space<vmem>> -> memref<1x128xi32, #tpu.memory_space<vmem>>
      %dma_wait3A_1001 = tpu.memref_squeeze %dma_wait3A_1000 : memref<1x128xi32, #tpu.memory_space<vmem>> -> memref<128xi32, #tpu.memory_space<vmem>>
      %dma_wait3A_1002 = arith.constant 0 : i32
      %dma_wait3A_1003 = arith.constant 0 : i32
      %dma_wait3A_1004 = tpu.memref_slice %arg3[%dma_wait3A_1002, %dma_wait3A_1003] : memref<1000000x32xf32, #tpu.memory_space<hbm>> -> memref<1000000x32xf32, #tpu.memory_space<hbm>>
      tpu.wait_indirect_dma semaphore(%arg12 : memref<!tpu.dma_semaphore, #tpu.memory_space<semaphore_mem>>) src(%dma_wait3A_1004 : memref<1000000x32xf32, #tpu.memory_space<hbm>>) dst(%dma_wait3A_998 : memref<128x32xf32, #tpu.memory_space<vmem>>)
      %add3A_1005 = arith.constant 1 : i32
      %add3A_1006 = arith.addi %add3A_992, %add3A_1005 : i32
      %lt3A_1007 = arith.cmpi slt, %add3A_1006, %add3A_4 : i32
      %convert_element_type3A_1008 = arith.extui %lt3A_1007 : i1 to i32
      %cond3A_1009 = arith.constant 0 : i32
      %cond3A_1010 = arith.cmpi ne, %convert_element_type3A_1008, %cond3A_1009 : i32
      scf.if %cond3A_1010 {
        %add3A_1282 = arith.constant 1 : i32
        %add3A_1283 = arith.addi %add3A_992, %add3A_1282 : i32
        %jit3A_1284 = arith.constant 128 : i32
        %div3A_1285 = arith.divsi %add3A_1283, %jit3A_1284 : i32
        %sign3A_1286 = arith.constant 0 : i32
        %sign3A_1287 = arith.cmpi sgt, %add3A_1283, %sign3A_1286 : i32
        %sign3A_1288 = arith.extui %sign3A_1287 : i1 to i32
        %sign3A_1289 = arith.constant 0 : i32
        %sign3A_1290 = arith.cmpi slt, %add3A_1283, %sign3A_1289 : i32
        %sign3A_1291 = arith.extui %sign3A_1290 : i1 to i32
        %sign3A_1292 = arith.subi %sign3A_1288, %sign3A_1291 : i32
        %sign3A_1293 = arith.constant 0 : i32
        %sign3A_1294 = arith.cmpi sgt, %jit3A_1284, %sign3A_1293 : i32
        %sign3A_1295 = arith.extui %sign3A_1294 : i1 to i32
        %sign3A_1296 = arith.constant 0 : i32
        %sign3A_1297 = arith.cmpi slt, %jit3A_1284, %sign3A_1296 : i32
        %sign3A_1298 = arith.extui %sign3A_1297 : i1 to i32
        %sign3A_1299 = arith.subi %sign3A_1295, %sign3A_1298 : i32
        %ne3A_1300 = arith.cmpi ne, %sign3A_1292, %sign3A_1299 : i32
        %rem3A_1301 = arith.remsi %add3A_1283, %jit3A_1284 : i32
        %ne3A_1302 = arith.constant 0 : i32
        %ne3A_1303 = arith.cmpi ne, %rem3A_1301, %ne3A_1302 : i32
        %and3A_1304 = arith.andi %ne3A_1300, %ne3A_1303 : i1
        %sub3A_1305 = arith.constant 1 : i32
        %sub3A_1306 = arith.subi %div3A_1285, %sub3A_1305 : i32
        %select_n3A_1307 = arith.select %and3A_1304, %sub3A_1306, %div3A_1285 : i32
        %rem3A_1308 = arith.constant 128 : i32
        %rem3A_1309 = arith.remsi %add3A_1283, %rem3A_1308 : i32
        %mul3A_1310 = arith.constant 128 : i32
        %mul3A_1311 = arith.muli %rem3A_1309, %mul3A_1310 : i32
        %multiple_of3A_1312 = tpu.assume_multiple %mul3A_1311, 128 : i32
        %dma_wait3A_1313 = arith.constant 0 : i32
        %dma_wait3A_1314 = arith.constant 0 : i32
        %dma_wait3A_1315 = tpu.memref_slice %arg5[%dma_wait3A_1313, %dma_wait3A_1314] : memref<2x128xi32, #tpu.memory_space<vmem>> -> memref<1x128xi32, #tpu.memory_space<vmem>>
        %dma_wait3A_1316 = tpu.memref_squeeze %dma_wait3A_1315 : memref<1x128xi32, #tpu.memory_space<vmem>> -> memref<128xi32, #tpu.memory_space<vmem>>
        %dma_wait3A_1317 = arith.constant 0 : i32
        %dma_wait3A_1318 = tpu.memref_slice %arg2[%select_n3A_1307, %dma_wait3A_1317] : memref<26x16384xi32, #tpu.memory_space<hbm>> -> memref<1x16384xi32, #tpu.memory_space<hbm>>
        %dma_wait3A_1319 = tpu.memref_squeeze %dma_wait3A_1318 : memref<1x16384xi32, #tpu.memory_space<hbm>> -> memref<16384xi32, #tpu.memory_space<hbm>>
        %dma_wait3A_1320 = tpu.memref_slice %dma_wait3A_1319[%multiple_of3A_1312] : memref<16384xi32, #tpu.memory_space<hbm>> -> memref<128xi32, #tpu.memory_space<hbm>>
        %dma_wait3A_1321 = arith.constant 0 : i32
        %dma_wait3A_1322 = tpu.memref_slice %arg5[%dma_wait3A_1313, %dma_wait3A_1321] : memref<2x128xi32, #tpu.memory_space<vmem>> -> memref<1x128xi32, #tpu.memory_space<vmem>>
        %dma_wait3A_1323 = tpu.memref_squeeze %dma_wait3A_1322 : memref<1x128xi32, #tpu.memory_space<vmem>> -> memref<128xi32, #tpu.memory_space<vmem>>
        %dma_wait3A_1324 = arith.constant 0 : i32
        %dma_wait3A_1325 = tpu.memref_slice %arg2[%select_n3A_1307, %dma_wait3A_1324] : memref<26x16384xi32, #tpu.memory_space<hbm>> -> memref<1x16384xi32, #tpu.memory_space<hbm>>
        %dma_wait3A_1326 = tpu.memref_squeeze %dma_wait3A_1325 : memref<1x16384xi32, #tpu.memory_space<hbm>> -> memref<16384xi32, #tpu.memory_space<hbm>>
        %dma_wait3A_1327 = tpu.memref_slice %dma_wait3A_1326[%multiple_of3A_1312] : memref<16384xi32, #tpu.memory_space<hbm>> -> memref<128xi32, #tpu.memory_space<hbm>>
        tpu.wait_dma2 semaphore(%arg8 : memref<!tpu.dma_semaphore, #tpu.memory_space<semaphore_mem>>) src(%dma_wait3A_1327 : memref<128xi32, #tpu.memory_space<hbm>>) dst(%dma_wait3A_1323 : memref<128xi32, #tpu.memory_space<vmem>>)
        %dma_start3A_1328 = arith.constant 0 : i32
        %dma_start3A_1329 = arith.constant 0 : i32
        %dma_start3A_1330 = arith.constant 0 : i32
        %dma_start3A_1331 = arith.constant 0 : i32
        %dma_start3A_1332 = tpu.memref_slice %arg6[%dma_start3A_1329, %dma_start3A_1330, %dma_start3A_1331] : memref<2x128x32xf32, #tpu.memory_space<vmem>> -> memref<1x128x32xf32, #tpu.memory_space<vmem>>
        %dma_start3A_1333 = tpu.memref_squeeze %dma_start3A_1332 : memref<1x128x32xf32, #tpu.memory_space<vmem>> -> memref<128x32xf32, #tpu.memory_space<vmem>>
        %dma_start3A_1334 = arith.constant 0 : i32
        %dma_start3A_1335 = tpu.memref_slice %arg5[%dma_start3A_1328, %dma_start3A_1334] : memref<2x128xi32, #tpu.memory_space<vmem>> -> memref<1x128xi32, #tpu.memory_space<vmem>>
        %dma_start3A_1336 = tpu.memref_squeeze %dma_start3A_1335 : memref<1x128xi32, #tpu.memory_space<vmem>> -> memref<128xi32, #tpu.memory_space<vmem>>
        %dma_start3A_1337 = arith.constant 0 : i32
        %dma_start3A_1338 = arith.constant 0 : i32
        %dma_start3A_1339 = tpu.memref_slice %arg3[%dma_start3A_1337, %dma_start3A_1338] : memref<1000000x32xf32, #tpu.memory_space<hbm>> -> memref<1000000x32xf32, #tpu.memory_space<hbm>>
        tpu.enqueue_indirect_dma source(%dma_start3A_1339 : memref<1000000x32xf32, #tpu.memory_space<hbm>>) target(%dma_start3A_1333 : memref<128x32xf32, #tpu.memory_space<vmem>>) offsets(%dma_start3A_1336 : memref<128xi32, #tpu.memory_space<vmem>>) semaphore(%arg12 : memref<!tpu.dma_semaphore, #tpu.memory_space<semaphore_mem>>)
      } else {
      }
      %add3A_1011 = arith.constant 2 : i32
      %add3A_1012 = arith.addi %add3A_992, %add3A_1011 : i32
      %lt3A_1013 = arith.cmpi slt, %add3A_1012, %add3A_4 : i32
      %convert_element_type3A_1014 = arith.extui %lt3A_1013 : i1 to i32
      %cond3A_1015 = arith.constant 0 : i32
      %cond3A_1016 = arith.cmpi ne, %convert_element_type3A_1014, %cond3A_1015 : i32
      scf.if %cond3A_1016 {
        %add3A_1282 = arith.constant 2 : i32
        %add3A_1283 = arith.addi %add3A_992, %add3A_1282 : i32
        %jit3A_1284 = arith.constant 128 : i32
        %div3A_1285 = arith.divsi %add3A_1283, %jit3A_1284 : i32
        %sign3A_1286 = arith.constant 0 : i32
        %sign3A_1287 = arith.cmpi sgt, %add3A_1283, %sign3A_1286 : i32
        %sign3A_1288 = arith.extui %sign3A_1287 : i1 to i32
        %sign3A_1289 = arith.constant 0 : i32
        %sign3A_1290 = arith.cmpi slt, %add3A_1283, %sign3A_1289 : i32
        %sign3A_1291 = arith.extui %sign3A_1290 : i1 to i32
        %sign3A_1292 = arith.subi %sign3A_1288, %sign3A_1291 : i32
        %sign3A_1293 = arith.constant 0 : i32
        %sign3A_1294 = arith.cmpi sgt, %jit3A_1284, %sign3A_1293 : i32
        %sign3A_1295 = arith.extui %sign3A_1294 : i1 to i32
        %sign3A_1296 = arith.constant 0 : i32
        %sign3A_1297 = arith.cmpi slt, %jit3A_1284, %sign3A_1296 : i32
        %sign3A_1298 = arith.extui %sign3A_1297 : i1 to i32
        %sign3A_1299 = arith.subi %sign3A_1295, %sign3A_1298 : i32
        %ne3A_1300 = arith.cmpi ne, %sign3A_1292, %sign3A_1299 : i32
        %rem3A_1301 = arith.remsi %add3A_1283, %jit3A_1284 : i32
        %ne3A_1302 = arith.constant 0 : i32
        %ne3A_1303 = arith.cmpi ne, %rem3A_1301, %ne3A_1302 : i32
        %and3A_1304 = arith.andi %ne3A_1300, %ne3A_1303 : i1
        %sub3A_1305 = arith.constant 1 : i32
        %sub3A_1306 = arith.subi %div3A_1285, %sub3A_1305 : i32
        %select_n3A_1307 = arith.select %and3A_1304, %sub3A_1306, %div3A_1285 : i32
        %rem3A_1308 = arith.constant 128 : i32
        %rem3A_1309 = arith.remsi %add3A_1283, %rem3A_1308 : i32
        %mul3A_1310 = arith.constant 128 : i32
        %mul3A_1311 = arith.muli %rem3A_1309, %mul3A_1310 : i32
        %multiple_of3A_1312 = tpu.assume_multiple %mul3A_1311, 128 : i32
        %dma_start3A_1313 = arith.constant 1 : i32
        %dma_start3A_1314 = arith.constant 0 : i32
        %dma_start3A_1315 = tpu.memref_slice %arg5[%dma_start3A_1313, %dma_start3A_1314] : memref<2x128xi32, #tpu.memory_space<vmem>> -> memref<1x128xi32, #tpu.memory_space<vmem>>
        %dma_start3A_1316 = tpu.memref_squeeze %dma_start3A_1315 : memref<1x128xi32, #tpu.memory_space<vmem>> -> memref<128xi32, #tpu.memory_space<vmem>>
        %dma_start3A_1317 = arith.constant 0 : i32
        %dma_start3A_1318 = tpu.memref_slice %arg2[%select_n3A_1307, %dma_start3A_1317] : memref<26x16384xi32, #tpu.memory_space<hbm>> -> memref<1x16384xi32, #tpu.memory_space<hbm>>
        %dma_start3A_1319 = tpu.memref_squeeze %dma_start3A_1318 : memref<1x16384xi32, #tpu.memory_space<hbm>> -> memref<16384xi32, #tpu.memory_space<hbm>>
        %dma_start3A_1320 = tpu.memref_slice %dma_start3A_1319[%multiple_of3A_1312] : memref<16384xi32, #tpu.memory_space<hbm>> -> memref<128xi32, #tpu.memory_space<hbm>>
        %dma_start3A_1321 = arith.constant 0 : i32
        %dma_start3A_1322 = tpu.memref_slice %arg5[%dma_start3A_1313, %dma_start3A_1321] : memref<2x128xi32, #tpu.memory_space<vmem>> -> memref<1x128xi32, #tpu.memory_space<vmem>>
        %dma_start3A_1323 = tpu.memref_squeeze %dma_start3A_1322 : memref<1x128xi32, #tpu.memory_space<vmem>> -> memref<128xi32, #tpu.memory_space<vmem>>
        %dma_start3A_1324 = arith.constant 0 : i32
        %dma_start3A_1325 = tpu.memref_slice %arg2[%select_n3A_1307, %dma_start3A_1324] : memref<26x16384xi32, #tpu.memory_space<hbm>> -> memref<1x16384xi32, #tpu.memory_space<hbm>>
        %dma_start3A_1326 = tpu.memref_squeeze %dma_start3A_1325 : memref<1x16384xi32, #tpu.memory_space<hbm>> -> memref<16384xi32, #tpu.memory_space<hbm>>
        %dma_start3A_1327 = tpu.memref_slice %dma_start3A_1326[%multiple_of3A_1312] : memref<16384xi32, #tpu.memory_space<hbm>> -> memref<128xi32, #tpu.memory_space<hbm>>
        tpu.enqueue_dma source(%dma_start3A_1327 : memref<128xi32, #tpu.memory_space<hbm>>) target(%dma_start3A_1323 : memref<128xi32, #tpu.memory_space<vmem>>) target_semaphore(%arg9 : memref<!tpu.dma_semaphore, #tpu.memory_space<semaphore_mem>>)
      } else {
      }
      %ge3A_1017 = arith.constant 1 : i32
      %ge3A_1018 = arith.cmpi sge, %scan3A_700, %ge3A_1017 : i32
      %convert_element_type3A_1019 = arith.extui %ge3A_1018 : i1 to i32
      %cond3A_1020 = arith.constant 0 : i32
      %cond3A_1021 = arith.cmpi ne, %convert_element_type3A_1019, %cond3A_1020 : i32
      scf.if %cond3A_1021 {
        %sub3A_1282 = arith.constant 2 : i32
        %sub3A_1283 = arith.subi %add3A_992, %sub3A_1282 : i32
        %jit3A_1284 = arith.constant 128 : i32
        %div3A_1285 = arith.divsi %sub3A_1283, %jit3A_1284 : i32
        %sign3A_1286 = arith.constant 0 : i32
        %sign3A_1287 = arith.cmpi sgt, %sub3A_1283, %sign3A_1286 : i32
        %sign3A_1288 = arith.extui %sign3A_1287 : i1 to i32
        %sign3A_1289 = arith.constant 0 : i32
        %sign3A_1290 = arith.cmpi slt, %sub3A_1283, %sign3A_1289 : i32
        %sign3A_1291 = arith.extui %sign3A_1290 : i1 to i32
        %sign3A_1292 = arith.subi %sign3A_1288, %sign3A_1291 : i32
        %sign3A_1293 = arith.constant 0 : i32
        %sign3A_1294 = arith.cmpi sgt, %jit3A_1284, %sign3A_1293 : i32
        %sign3A_1295 = arith.extui %sign3A_1294 : i1 to i32
        %sign3A_1296 = arith.constant 0 : i32
        %sign3A_1297 = arith.cmpi slt, %jit3A_1284, %sign3A_1296 : i32
        %sign3A_1298 = arith.extui %sign3A_1297 : i1 to i32
        %sign3A_1299 = arith.subi %sign3A_1295, %sign3A_1298 : i32
        %ne3A_1300 = arith.cmpi ne, %sign3A_1292, %sign3A_1299 : i32
        %rem3A_1301 = arith.remsi %sub3A_1283, %jit3A_1284 : i32
        %ne3A_1302 = arith.constant 0 : i32
        %ne3A_1303 = arith.cmpi ne, %rem3A_1301, %ne3A_1302 : i32
        %and3A_1304 = arith.andi %ne3A_1300, %ne3A_1303 : i1
        %sub3A_1305 = arith.constant 1 : i32
        %sub3A_1306 = arith.subi %div3A_1285, %sub3A_1305 : i32
        %select_n3A_1307 = arith.select %and3A_1304, %sub3A_1306, %div3A_1285 : i32
        %rem3A_1308 = arith.constant 128 : i32
        %rem3A_1309 = arith.remsi %sub3A_1283, %rem3A_1308 : i32
        %dma_wait3A_1310 = arith.constant 1 : i32
        %dma_wait3A_1311 = arith.constant 0 : i32
        %dma_wait3A_1312 = arith.constant 0 : i32
        %dma_wait3A_1313 = arith.constant 0 : i32
        %dma_wait3A_1314 = arith.constant 0 : i32
        %dma_wait3A_1315 = arith.constant 0 : i32
        %dma_wait3A_1316 = tpu.memref_slice %arg7[%dma_wait3A_1310, %dma_wait3A_1313, %dma_wait3A_1314, %dma_wait3A_1315] : memref<2x4x8x136xf32, #tpu.memory_space<vmem>> -> memref<1x4x8x136xf32, #tpu.memory_space<vmem>>
        %dma_wait3A_1317 = tpu.memref_squeeze %dma_wait3A_1316 : memref<1x4x8x136xf32, #tpu.memory_space<vmem>> -> memref<4x8x136xf32, #tpu.memory_space<vmem>>
        %dma_wait3A_1318 = arith.constant 0 : i32
        %dma_wait3A_1319 = arith.constant 0 : i32
        %dma_wait3A_1320 = tpu.memref_slice %dma_wait3A_1317[%dma_wait3A_1311, %dma_wait3A_1318, %dma_wait3A_1319] : memref<4x8x136xf32, #tpu.memory_space<vmem>> -> memref<1x8x136xf32, #tpu.memory_space<vmem>>
        %dma_wait3A_1321 = tpu.memref_squeeze %dma_wait3A_1320 : memref<1x8x136xf32, #tpu.memory_space<vmem>> -> memref<8x136xf32, #tpu.memory_space<vmem>>
        %dma_wait3A_1322 = arith.constant 0 : i32
        %dma_wait3A_1323 = arith.constant 0 : i32
        %dma_wait3A_1324 = tpu.memref_slice %dma_wait3A_1321[%dma_wait3A_1322, %dma_wait3A_1323] : memref<8x136xf32, #tpu.memory_space<vmem>> -> memref<8x128xf32, #tpu.memory_space<vmem>>
        %dma_wait3A_1325 = arith.constant 0 : i32
        %dma_wait3A_1326 = arith.constant 0 : i32
        %dma_wait3A_1327 = arith.constant 0 : i32
        %dma_wait3A_1328 = arith.constant 0 : i32
        %dma_wait3A_1329 = tpu.memref_slice %arg4[%select_n3A_1307, %dma_wait3A_1325, %dma_wait3A_1326, %dma_wait3A_1327, %dma_wait3A_1328] : memref<26x4x128x8x128xf32, #tpu.memory_space<hbm>> -> memref<1x4x128x8x128xf32, #tpu.memory_space<hbm>>
        %dma_wait3A_1330 = tpu.memref_squeeze %dma_wait3A_1329 : memref<1x4x128x8x128xf32, #tpu.memory_space<hbm>> -> memref<4x128x8x128xf32, #tpu.memory_space<hbm>>
        %dma_wait3A_1331 = arith.constant 0 : i32
        %dma_wait3A_1332 = arith.constant 0 : i32
        %dma_wait3A_1333 = arith.constant 0 : i32
        %dma_wait3A_1334 = tpu.memref_slice %dma_wait3A_1330[%dma_wait3A_1312, %dma_wait3A_1331, %dma_wait3A_1332, %dma_wait3A_1333] : memref<4x128x8x128xf32, #tpu.memory_space<hbm>> -> memref<1x128x8x128xf32, #tpu.memory_space<hbm>>
        %dma_wait3A_1335 = tpu.memref_squeeze %dma_wait3A_1334 : memref<1x128x8x128xf32, #tpu.memory_space<hbm>> -> memref<128x8x128xf32, #tpu.memory_space<hbm>>
        %dma_wait3A_1336 = arith.constant 0 : i32
        %dma_wait3A_1337 = arith.constant 0 : i32
        %dma_wait3A_1338 = tpu.memref_slice %dma_wait3A_1335[%rem3A_1309, %dma_wait3A_1336, %dma_wait3A_1337] : memref<128x8x128xf32, #tpu.memory_space<hbm>> -> memref<1x8x128xf32, #tpu.memory_space<hbm>>
        %dma_wait3A_1339 = tpu.memref_squeeze %dma_wait3A_1338 : memref<1x8x128xf32, #tpu.memory_space<hbm>> -> memref<8x128xf32, #tpu.memory_space<hbm>>
        %dma_wait3A_1340 = arith.constant 0 : i32
        %dma_wait3A_1341 = arith.constant 0 : i32
        %dma_wait3A_1342 = arith.constant 0 : i32
        %dma_wait3A_1343 = arith.constant 0 : i32
        %dma_wait3A_1344 = tpu.memref_slice %arg4[%select_n3A_1307, %dma_wait3A_1340, %dma_wait3A_1341, %dma_wait3A_1342, %dma_wait3A_1343] : memref<26x4x128x8x128xf32, #tpu.memory_space<hbm>> -> memref<1x4x128x8x128xf32, #tpu.memory_space<hbm>>
        %dma_wait3A_1345 = tpu.memref_squeeze %dma_wait3A_1344 : memref<1x4x128x8x128xf32, #tpu.memory_space<hbm>> -> memref<4x128x8x128xf32, #tpu.memory_space<hbm>>
        %dma_wait3A_1346 = arith.constant 0 : i32
        %dma_wait3A_1347 = arith.constant 0 : i32
        %dma_wait3A_1348 = arith.constant 0 : i32
        %dma_wait3A_1349 = tpu.memref_slice %dma_wait3A_1345[%dma_wait3A_1312, %dma_wait3A_1346, %dma_wait3A_1347, %dma_wait3A_1348] : memref<4x128x8x128xf32, #tpu.memory_space<hbm>> -> memref<1x128x8x128xf32, #tpu.memory_space<hbm>>
        %dma_wait3A_1350 = tpu.memref_squeeze %dma_wait3A_1349 : memref<1x128x8x128xf32, #tpu.memory_space<hbm>> -> memref<128x8x128xf32, #tpu.memory_space<hbm>>
        %dma_wait3A_1351 = arith.constant 0 : i32
        %dma_wait3A_1352 = arith.constant 0 : i32
        %dma_wait3A_1353 = tpu.memref_slice %dma_wait3A_1350[%rem3A_1309, %dma_wait3A_1351, %dma_wait3A_1352] : memref<128x8x128xf32, #tpu.memory_space<hbm>> -> memref<1x8x128xf32, #tpu.memory_space<hbm>>
        %dma_wait3A_1354 = tpu.memref_squeeze %dma_wait3A_1353 : memref<1x8x128xf32, #tpu.memory_space<hbm>> -> memref<8x128xf32, #tpu.memory_space<hbm>>
        %dma_wait3A_1355 = arith.constant 0 : i32
        %dma_wait3A_1356 = arith.constant 0 : i32
        %dma_wait3A_1357 = arith.constant 0 : i32
        %dma_wait3A_1358 = tpu.memref_slice %arg7[%dma_wait3A_1310, %dma_wait3A_1355, %dma_wait3A_1356, %dma_wait3A_1357] : memref<2x4x8x136xf32, #tpu.memory_space<vmem>> -> memref<1x4x8x136xf32, #tpu.memory_space<vmem>>
        %dma_wait3A_1359 = tpu.memref_squeeze %dma_wait3A_1358 : memref<1x4x8x136xf32, #tpu.memory_space<vmem>> -> memref<4x8x136xf32, #tpu.memory_space<vmem>>
        %dma_wait3A_1360 = arith.constant 0 : i32
        %dma_wait3A_1361 = arith.constant 0 : i32
        %dma_wait3A_1362 = tpu.memref_slice %dma_wait3A_1359[%dma_wait3A_1311, %dma_wait3A_1360, %dma_wait3A_1361] : memref<4x8x136xf32, #tpu.memory_space<vmem>> -> memref<1x8x136xf32, #tpu.memory_space<vmem>>
        %dma_wait3A_1363 = tpu.memref_squeeze %dma_wait3A_1362 : memref<1x8x136xf32, #tpu.memory_space<vmem>> -> memref<8x136xf32, #tpu.memory_space<vmem>>
        %dma_wait3A_1364 = arith.constant 0 : i32
        %dma_wait3A_1365 = arith.constant 0 : i32
        %dma_wait3A_1366 = tpu.memref_slice %dma_wait3A_1363[%dma_wait3A_1364, %dma_wait3A_1365] : memref<8x136xf32, #tpu.memory_space<vmem>> -> memref<8x128xf32, #tpu.memory_space<vmem>>
        tpu.wait_dma2 semaphore(%arg11 : memref<!tpu.dma_semaphore, #tpu.memory_space<semaphore_mem>>) src(%dma_wait3A_1366 : memref<8x128xf32, #tpu.memory_space<vmem>>) dst(%dma_wait3A_1354 : memref<8x128xf32, #tpu.memory_space<hbm>>)
        %dma_wait3A_1367 = arith.constant 1 : i32
        %dma_wait3A_1368 = arith.constant 1 : i32
        %dma_wait3A_1369 = arith.constant 1 : i32
        %dma_wait3A_1370 = arith.constant 0 : i32
        %dma_wait3A_1371 = arith.constant 0 : i32
        %dma_wait3A_1372 = arith.constant 0 : i32
        %dma_wait3A_1373 = tpu.memref_slice %arg7[%dma_wait3A_1367, %dma_wait3A_1370, %dma_wait3A_1371, %dma_wait3A_1372] : memref<2x4x8x136xf32, #tpu.memory_space<vmem>> -> memref<1x4x8x136xf32, #tpu.memory_space<vmem>>
        %dma_wait3A_1374 = tpu.memref_squeeze %dma_wait3A_1373 : memref<1x4x8x136xf32, #tpu.memory_space<vmem>> -> memref<4x8x136xf32, #tpu.memory_space<vmem>>
        %dma_wait3A_1375 = arith.constant 0 : i32
        %dma_wait3A_1376 = arith.constant 0 : i32
        %dma_wait3A_1377 = tpu.memref_slice %dma_wait3A_1374[%dma_wait3A_1368, %dma_wait3A_1375, %dma_wait3A_1376] : memref<4x8x136xf32, #tpu.memory_space<vmem>> -> memref<1x8x136xf32, #tpu.memory_space<vmem>>
        %dma_wait3A_1378 = tpu.memref_squeeze %dma_wait3A_1377 : memref<1x8x136xf32, #tpu.memory_space<vmem>> -> memref<8x136xf32, #tpu.memory_space<vmem>>
        %dma_wait3A_1379 = arith.constant 0 : i32
        %dma_wait3A_1380 = arith.constant 0 : i32
        %dma_wait3A_1381 = tpu.memref_slice %dma_wait3A_1378[%dma_wait3A_1379, %dma_wait3A_1380] : memref<8x136xf32, #tpu.memory_space<vmem>> -> memref<8x128xf32, #tpu.memory_space<vmem>>
        %dma_wait3A_1382 = arith.constant 0 : i32
        %dma_wait3A_1383 = arith.constant 0 : i32
        %dma_wait3A_1384 = arith.constant 0 : i32
        %dma_wait3A_1385 = arith.constant 0 : i32
        %dma_wait3A_1386 = tpu.memref_slice %arg4[%select_n3A_1307, %dma_wait3A_1382, %dma_wait3A_1383, %dma_wait3A_1384, %dma_wait3A_1385] : memref<26x4x128x8x128xf32, #tpu.memory_space<hbm>> -> memref<1x4x128x8x128xf32, #tpu.memory_space<hbm>>
        %dma_wait3A_1387 = tpu.memref_squeeze %dma_wait3A_1386 : memref<1x4x128x8x128xf32, #tpu.memory_space<hbm>> -> memref<4x128x8x128xf32, #tpu.memory_space<hbm>>
        %dma_wait3A_1388 = arith.constant 0 : i32
        %dma_wait3A_1389 = arith.constant 0 : i32
        %dma_wait3A_1390 = arith.constant 0 : i32
        %dma_wait3A_1391 = tpu.memref_slice %dma_wait3A_1387[%dma_wait3A_1369, %dma_wait3A_1388, %dma_wait3A_1389, %dma_wait3A_1390] : memref<4x128x8x128xf32, #tpu.memory_space<hbm>> -> memref<1x128x8x128xf32, #tpu.memory_space<hbm>>
        %dma_wait3A_1392 = tpu.memref_squeeze %dma_wait3A_1391 : memref<1x128x8x128xf32, #tpu.memory_space<hbm>> -> memref<128x8x128xf32, #tpu.memory_space<hbm>>
        %dma_wait3A_1393 = arith.constant 0 : i32
        %dma_wait3A_1394 = arith.constant 0 : i32
        %dma_wait3A_1395 = tpu.memref_slice %dma_wait3A_1392[%rem3A_1309, %dma_wait3A_1393, %dma_wait3A_1394] : memref<128x8x128xf32, #tpu.memory_space<hbm>> -> memref<1x8x128xf32, #tpu.memory_space<hbm>>
        %dma_wait3A_1396 = tpu.memref_squeeze %dma_wait3A_1395 : memref<1x8x128xf32, #tpu.memory_space<hbm>> -> memref<8x128xf32, #tpu.memory_space<hbm>>
        %dma_wait3A_1397 = arith.constant 0 : i32
        %dma_wait3A_1398 = arith.constant 0 : i32
        %dma_wait3A_1399 = arith.constant 0 : i32
        %dma_wait3A_1400 = arith.constant 0 : i32
        %dma_wait3A_1401 = tpu.memref_slice %arg4[%select_n3A_1307, %dma_wait3A_1397, %dma_wait3A_1398, %dma_wait3A_1399, %dma_wait3A_1400] : memref<26x4x128x8x128xf32, #tpu.memory_space<hbm>> -> memref<1x4x128x8x128xf32, #tpu.memory_space<hbm>>
        %dma_wait3A_1402 = tpu.memref_squeeze %dma_wait3A_1401 : memref<1x4x128x8x128xf32, #tpu.memory_space<hbm>> -> memref<4x128x8x128xf32, #tpu.memory_space<hbm>>
        %dma_wait3A_1403 = arith.constant 0 : i32
        %dma_wait3A_1404 = arith.constant 0 : i32
        %dma_wait3A_1405 = arith.constant 0 : i32
        %dma_wait3A_1406 = tpu.memref_slice %dma_wait3A_1402[%dma_wait3A_1369, %dma_wait3A_1403, %dma_wait3A_1404, %dma_wait3A_1405] : memref<4x128x8x128xf32, #tpu.memory_space<hbm>> -> memref<1x128x8x128xf32, #tpu.memory_space<hbm>>
        %dma_wait3A_1407 = tpu.memref_squeeze %dma_wait3A_1406 : memref<1x128x8x128xf32, #tpu.memory_space<hbm>> -> memref<128x8x128xf32, #tpu.memory_space<hbm>>
        %dma_wait3A_1408 = arith.constant 0 : i32
        %dma_wait3A_1409 = arith.constant 0 : i32
        %dma_wait3A_1410 = tpu.memref_slice %dma_wait3A_1407[%rem3A_1309, %dma_wait3A_1408, %dma_wait3A_1409] : memref<128x8x128xf32, #tpu.memory_space<hbm>> -> memref<1x8x128xf32, #tpu.memory_space<hbm>>
        %dma_wait3A_1411 = tpu.memref_squeeze %dma_wait3A_1410 : memref<1x8x128xf32, #tpu.memory_space<hbm>> -> memref<8x128xf32, #tpu.memory_space<hbm>>
        %dma_wait3A_1412 = arith.constant 0 : i32
        %dma_wait3A_1413 = arith.constant 0 : i32
        %dma_wait3A_1414 = arith.constant 0 : i32
        %dma_wait3A_1415 = tpu.memref_slice %arg7[%dma_wait3A_1367, %dma_wait3A_1412, %dma_wait3A_1413, %dma_wait3A_1414] : memref<2x4x8x136xf32, #tpu.memory_space<vmem>> -> memref<1x4x8x136xf32, #tpu.memory_space<vmem>>
        %dma_wait3A_1416 = tpu.memref_squeeze %dma_wait3A_1415 : memref<1x4x8x136xf32, #tpu.memory_space<vmem>> -> memref<4x8x136xf32, #tpu.memory_space<vmem>>
        %dma_wait3A_1417 = arith.constant 0 : i32
        %dma_wait3A_1418 = arith.constant 0 : i32
        %dma_wait3A_1419 = tpu.memref_slice %dma_wait3A_1416[%dma_wait3A_1368, %dma_wait3A_1417, %dma_wait3A_1418] : memref<4x8x136xf32, #tpu.memory_space<vmem>> -> memref<1x8x136xf32, #tpu.memory_space<vmem>>
        %dma_wait3A_1420 = tpu.memref_squeeze %dma_wait3A_1419 : memref<1x8x136xf32, #tpu.memory_space<vmem>> -> memref<8x136xf32, #tpu.memory_space<vmem>>
        %dma_wait3A_1421 = arith.constant 0 : i32
        %dma_wait3A_1422 = arith.constant 0 : i32
        %dma_wait3A_1423 = tpu.memref_slice %dma_wait3A_1420[%dma_wait3A_1421, %dma_wait3A_1422] : memref<8x136xf32, #tpu.memory_space<vmem>> -> memref<8x128xf32, #tpu.memory_space<vmem>>
        tpu.wait_dma2 semaphore(%arg11 : memref<!tpu.dma_semaphore, #tpu.memory_space<semaphore_mem>>) src(%dma_wait3A_1423 : memref<8x128xf32, #tpu.memory_space<vmem>>) dst(%dma_wait3A_1411 : memref<8x128xf32, #tpu.memory_space<hbm>>)
        %dma_wait3A_1424 = arith.constant 1 : i32
        %dma_wait3A_1425 = arith.constant 2 : i32
        %dma_wait3A_1426 = arith.constant 2 : i32
        %dma_wait3A_1427 = arith.constant 0 : i32
        %dma_wait3A_1428 = arith.constant 0 : i32
        %dma_wait3A_1429 = arith.constant 0 : i32
        %dma_wait3A_1430 = tpu.memref_slice %arg7[%dma_wait3A_1424, %dma_wait3A_1427, %dma_wait3A_1428, %dma_wait3A_1429] : memref<2x4x8x136xf32, #tpu.memory_space<vmem>> -> memref<1x4x8x136xf32, #tpu.memory_space<vmem>>
        %dma_wait3A_1431 = tpu.memref_squeeze %dma_wait3A_1430 : memref<1x4x8x136xf32, #tpu.memory_space<vmem>> -> memref<4x8x136xf32, #tpu.memory_space<vmem>>
        %dma_wait3A_1432 = arith.constant 0 : i32
        %dma_wait3A_1433 = arith.constant 0 : i32
        %dma_wait3A_1434 = tpu.memref_slice %dma_wait3A_1431[%dma_wait3A_1425, %dma_wait3A_1432, %dma_wait3A_1433] : memref<4x8x136xf32, #tpu.memory_space<vmem>> -> memref<1x8x136xf32, #tpu.memory_space<vmem>>
        %dma_wait3A_1435 = tpu.memref_squeeze %dma_wait3A_1434 : memref<1x8x136xf32, #tpu.memory_space<vmem>> -> memref<8x136xf32, #tpu.memory_space<vmem>>
        %dma_wait3A_1436 = arith.constant 0 : i32
        %dma_wait3A_1437 = arith.constant 0 : i32
        %dma_wait3A_1438 = tpu.memref_slice %dma_wait3A_1435[%dma_wait3A_1436, %dma_wait3A_1437] : memref<8x136xf32, #tpu.memory_space<vmem>> -> memref<8x128xf32, #tpu.memory_space<vmem>>
        %dma_wait3A_1439 = arith.constant 0 : i32
        %dma_wait3A_1440 = arith.constant 0 : i32
        %dma_wait3A_1441 = arith.constant 0 : i32
        %dma_wait3A_1442 = arith.constant 0 : i32
        %dma_wait3A_1443 = tpu.memref_slice %arg4[%select_n3A_1307, %dma_wait3A_1439, %dma_wait3A_1440, %dma_wait3A_1441, %dma_wait3A_1442] : memref<26x4x128x8x128xf32, #tpu.memory_space<hbm>> -> memref<1x4x128x8x128xf32, #tpu.memory_space<hbm>>
        %dma_wait3A_1444 = tpu.memref_squeeze %dma_wait3A_1443 : memref<1x4x128x8x128xf32, #tpu.memory_space<hbm>> -> memref<4x128x8x128xf32, #tpu.memory_space<hbm>>
        %dma_wait3A_1445 = arith.constant 0 : i32
        %dma_wait3A_1446 = arith.constant 0 : i32
        %dma_wait3A_1447 = arith.constant 0 : i32
        %dma_wait3A_1448 = tpu.memref_slice %dma_wait3A_1444[%dma_wait3A_1426, %dma_wait3A_1445, %dma_wait3A_1446, %dma_wait3A_1447] : memref<4x128x8x128xf32, #tpu.memory_space<hbm>> -> memref<1x128x8x128xf32, #tpu.memory_space<hbm>>
        %dma_wait3A_1449 = tpu.memref_squeeze %dma_wait3A_1448 : memref<1x128x8x128xf32, #tpu.memory_space<hbm>> -> memref<128x8x128xf32, #tpu.memory_space<hbm>>
        %dma_wait3A_1450 = arith.constant 0 : i32
        %dma_wait3A_1451 = arith.constant 0 : i32
        %dma_wait3A_1452 = tpu.memref_slice %dma_wait3A_1449[%rem3A_1309, %dma_wait3A_1450, %dma_wait3A_1451] : memref<128x8x128xf32, #tpu.memory_space<hbm>> -> memref<1x8x128xf32, #tpu.memory_space<hbm>>
        %dma_wait3A_1453 = tpu.memref_squeeze %dma_wait3A_1452 : memref<1x8x128xf32, #tpu.memory_space<hbm>> -> memref<8x128xf32, #tpu.memory_space<hbm>>
        %dma_wait3A_1454 = arith.constant 0 : i32
        %dma_wait3A_1455 = arith.constant 0 : i32
        %dma_wait3A_1456 = arith.constant 0 : i32
        %dma_wait3A_1457 = arith.constant 0 : i32
        %dma_wait3A_1458 = tpu.memref_slice %arg4[%select_n3A_1307, %dma_wait3A_1454, %dma_wait3A_1455, %dma_wait3A_1456, %dma_wait3A_1457] : memref<26x4x128x8x128xf32, #tpu.memory_space<hbm>> -> memref<1x4x128x8x128xf32, #tpu.memory_space<hbm>>
        %dma_wait3A_1459 = tpu.memref_squeeze %dma_wait3A_1458 : memref<1x4x128x8x128xf32, #tpu.memory_space<hbm>> -> memref<4x128x8x128xf32, #tpu.memory_space<hbm>>
        %dma_wait3A_1460 = arith.constant 0 : i32
        %dma_wait3A_1461 = arith.constant 0 : i32
        %dma_wait3A_1462 = arith.constant 0 : i32
        %dma_wait3A_1463 = tpu.memref_slice %dma_wait3A_1459[%dma_wait3A_1426, %dma_wait3A_1460, %dma_wait3A_1461, %dma_wait3A_1462] : memref<4x128x8x128xf32, #tpu.memory_space<hbm>> -> memref<1x128x8x128xf32, #tpu.memory_space<hbm>>
        %dma_wait3A_1464 = tpu.memref_squeeze %dma_wait3A_1463 : memref<1x128x8x128xf32, #tpu.memory_space<hbm>> -> memref<128x8x128xf32, #tpu.memory_space<hbm>>
        %dma_wait3A_1465 = arith.constant 0 : i32
        %dma_wait3A_1466 = arith.constant 0 : i32
        %dma_wait3A_1467 = tpu.memref_slice %dma_wait3A_1464[%rem3A_1309, %dma_wait3A_1465, %dma_wait3A_1466] : memref<128x8x128xf32, #tpu.memory_space<hbm>> -> memref<1x8x128xf32, #tpu.memory_space<hbm>>
        %dma_wait3A_1468 = tpu.memref_squeeze %dma_wait3A_1467 : memref<1x8x128xf32, #tpu.memory_space<hbm>> -> memref<8x128xf32, #tpu.memory_space<hbm>>
        %dma_wait3A_1469 = arith.constant 0 : i32
        %dma_wait3A_1470 = arith.constant 0 : i32
        %dma_wait3A_1471 = arith.constant 0 : i32
        %dma_wait3A_1472 = tpu.memref_slice %arg7[%dma_wait3A_1424, %dma_wait3A_1469, %dma_wait3A_1470, %dma_wait3A_1471] : memref<2x4x8x136xf32, #tpu.memory_space<vmem>> -> memref<1x4x8x136xf32, #tpu.memory_space<vmem>>
        %dma_wait3A_1473 = tpu.memref_squeeze %dma_wait3A_1472 : memref<1x4x8x136xf32, #tpu.memory_space<vmem>> -> memref<4x8x136xf32, #tpu.memory_space<vmem>>
        %dma_wait3A_1474 = arith.constant 0 : i32
        %dma_wait3A_1475 = arith.constant 0 : i32
        %dma_wait3A_1476 = tpu.memref_slice %dma_wait3A_1473[%dma_wait3A_1425, %dma_wait3A_1474, %dma_wait3A_1475] : memref<4x8x136xf32, #tpu.memory_space<vmem>> -> memref<1x8x136xf32, #tpu.memory_space<vmem>>
        %dma_wait3A_1477 = tpu.memref_squeeze %dma_wait3A_1476 : memref<1x8x136xf32, #tpu.memory_space<vmem>> -> memref<8x136xf32, #tpu.memory_space<vmem>>
        %dma_wait3A_1478 = arith.constant 0 : i32
        %dma_wait3A_1479 = arith.constant 0 : i32
        %dma_wait3A_1480 = tpu.memref_slice %dma_wait3A_1477[%dma_wait3A_1478, %dma_wait3A_1479] : memref<8x136xf32, #tpu.memory_space<vmem>> -> memref<8x128xf32, #tpu.memory_space<vmem>>
        tpu.wait_dma2 semaphore(%arg11 : memref<!tpu.dma_semaphore, #tpu.memory_space<semaphore_mem>>) src(%dma_wait3A_1480 : memref<8x128xf32, #tpu.memory_space<vmem>>) dst(%dma_wait3A_1468 : memref<8x128xf32, #tpu.memory_space<hbm>>)
        %dma_wait3A_1481 = arith.constant 1 : i32
        %dma_wait3A_1482 = arith.constant 3 : i32
        %dma_wait3A_1483 = arith.constant 3 : i32
        %dma_wait3A_1484 = arith.constant 0 : i32
        %dma_wait3A_1485 = arith.constant 0 : i32
        %dma_wait3A_1486 = arith.constant 0 : i32
        %dma_wait3A_1487 = tpu.memref_slice %arg7[%dma_wait3A_1481, %dma_wait3A_1484, %dma_wait3A_1485, %dma_wait3A_1486] : memref<2x4x8x136xf32, #tpu.memory_space<vmem>> -> memref<1x4x8x136xf32, #tpu.memory_space<vmem>>
        %dma_wait3A_1488 = tpu.memref_squeeze %dma_wait3A_1487 : memref<1x4x8x136xf32, #tpu.memory_space<vmem>> -> memref<4x8x136xf32, #tpu.memory_space<vmem>>
        %dma_wait3A_1489 = arith.constant 0 : i32
        %dma_wait3A_1490 = arith.constant 0 : i32
        %dma_wait3A_1491 = tpu.memref_slice %dma_wait3A_1488[%dma_wait3A_1482, %dma_wait3A_1489, %dma_wait3A_1490] : memref<4x8x136xf32, #tpu.memory_space<vmem>> -> memref<1x8x136xf32, #tpu.memory_space<vmem>>
        %dma_wait3A_1492 = tpu.memref_squeeze %dma_wait3A_1491 : memref<1x8x136xf32, #tpu.memory_space<vmem>> -> memref<8x136xf32, #tpu.memory_space<vmem>>
        %dma_wait3A_1493 = arith.constant 0 : i32
        %dma_wait3A_1494 = arith.constant 0 : i32
        %dma_wait3A_1495 = tpu.memref_slice %dma_wait3A_1492[%dma_wait3A_1493, %dma_wait3A_1494] : memref<8x136xf32, #tpu.memory_space<vmem>> -> memref<8x128xf32, #tpu.memory_space<vmem>>
        %dma_wait3A_1496 = arith.constant 0 : i32
        %dma_wait3A_1497 = arith.constant 0 : i32
        %dma_wait3A_1498 = arith.constant 0 : i32
        %dma_wait3A_1499 = arith.constant 0 : i32
        %dma_wait3A_1500 = tpu.memref_slice %arg4[%select_n3A_1307, %dma_wait3A_1496, %dma_wait3A_1497, %dma_wait3A_1498, %dma_wait3A_1499] : memref<26x4x128x8x128xf32, #tpu.memory_space<hbm>> -> memref<1x4x128x8x128xf32, #tpu.memory_space<hbm>>
        %dma_wait3A_1501 = tpu.memref_squeeze %dma_wait3A_1500 : memref<1x4x128x8x128xf32, #tpu.memory_space<hbm>> -> memref<4x128x8x128xf32, #tpu.memory_space<hbm>>
        %dma_wait3A_1502 = arith.constant 0 : i32
        %dma_wait3A_1503 = arith.constant 0 : i32
        %dma_wait3A_1504 = arith.constant 0 : i32
        %dma_wait3A_1505 = tpu.memref_slice %dma_wait3A_1501[%dma_wait3A_1483, %dma_wait3A_1502, %dma_wait3A_1503, %dma_wait3A_1504] : memref<4x128x8x128xf32, #tpu.memory_space<hbm>> -> memref<1x128x8x128xf32, #tpu.memory_space<hbm>>
        %dma_wait3A_1506 = tpu.memref_squeeze %dma_wait3A_1505 : memref<1x128x8x128xf32, #tpu.memory_space<hbm>> -> memref<128x8x128xf32, #tpu.memory_space<hbm>>
        %dma_wait3A_1507 = arith.constant 0 : i32
        %dma_wait3A_1508 = arith.constant 0 : i32
        %dma_wait3A_1509 = tpu.memref_slice %dma_wait3A_1506[%rem3A_1309, %dma_wait3A_1507, %dma_wait3A_1508] : memref<128x8x128xf32, #tpu.memory_space<hbm>> -> memref<1x8x128xf32, #tpu.memory_space<hbm>>
        %dma_wait3A_1510 = tpu.memref_squeeze %dma_wait3A_1509 : memref<1x8x128xf32, #tpu.memory_space<hbm>> -> memref<8x128xf32, #tpu.memory_space<hbm>>
        %dma_wait3A_1511 = arith.constant 0 : i32
        %dma_wait3A_1512 = arith.constant 0 : i32
        %dma_wait3A_1513 = arith.constant 0 : i32
        %dma_wait3A_1514 = arith.constant 0 : i32
        %dma_wait3A_1515 = tpu.memref_slice %arg4[%select_n3A_1307, %dma_wait3A_1511, %dma_wait3A_1512, %dma_wait3A_1513, %dma_wait3A_1514] : memref<26x4x128x8x128xf32, #tpu.memory_space<hbm>> -> memref<1x4x128x8x128xf32, #tpu.memory_space<hbm>>
        %dma_wait3A_1516 = tpu.memref_squeeze %dma_wait3A_1515 : memref<1x4x128x8x128xf32, #tpu.memory_space<hbm>> -> memref<4x128x8x128xf32, #tpu.memory_space<hbm>>
        %dma_wait3A_1517 = arith.constant 0 : i32
        %dma_wait3A_1518 = arith.constant 0 : i32
        %dma_wait3A_1519 = arith.constant 0 : i32
        %dma_wait3A_1520 = tpu.memref_slice %dma_wait3A_1516[%dma_wait3A_1483, %dma_wait3A_1517, %dma_wait3A_1518, %dma_wait3A_1519] : memref<4x128x8x128xf32, #tpu.memory_space<hbm>> -> memref<1x128x8x128xf32, #tpu.memory_space<hbm>>
        %dma_wait3A_1521 = tpu.memref_squeeze %dma_wait3A_1520 : memref<1x128x8x128xf32, #tpu.memory_space<hbm>> -> memref<128x8x128xf32, #tpu.memory_space<hbm>>
        %dma_wait3A_1522 = arith.constant 0 : i32
        %dma_wait3A_1523 = arith.constant 0 : i32
        %dma_wait3A_1524 = tpu.memref_slice %dma_wait3A_1521[%rem3A_1309, %dma_wait3A_1522, %dma_wait3A_1523] : memref<128x8x128xf32, #tpu.memory_space<hbm>> -> memref<1x8x128xf32, #tpu.memory_space<hbm>>
        %dma_wait3A_1525 = tpu.memref_squeeze %dma_wait3A_1524 : memref<1x8x128xf32, #tpu.memory_space<hbm>> -> memref<8x128xf32, #tpu.memory_space<hbm>>
        %dma_wait3A_1526 = arith.constant 0 : i32
        %dma_wait3A_1527 = arith.constant 0 : i32
        %dma_wait3A_1528 = arith.constant 0 : i32
        %dma_wait3A_1529 = tpu.memref_slice %arg7[%dma_wait3A_1481, %dma_wait3A_1526, %dma_wait3A_1527, %dma_wait3A_1528] : memref<2x4x8x136xf32, #tpu.memory_space<vmem>> -> memref<1x4x8x136xf32, #tpu.memory_space<vmem>>
        %dma_wait3A_1530 = tpu.memref_squeeze %dma_wait3A_1529 : memref<1x4x8x136xf32, #tpu.memory_space<vmem>> -> memref<4x8x136xf32, #tpu.memory_space<vmem>>
        %dma_wait3A_1531 = arith.constant 0 : i32
        %dma_wait3A_1532 = arith.constant 0 : i32
        %dma_wait3A_1533 = tpu.memref_slice %dma_wait3A_1530[%dma_wait3A_1482, %dma_wait3A_1531, %dma_wait3A_1532] : memref<4x8x136xf32, #tpu.memory_space<vmem>> -> memref<1x8x136xf32, #tpu.memory_space<vmem>>
        %dma_wait3A_1534 = tpu.memref_squeeze %dma_wait3A_1533 : memref<1x8x136xf32, #tpu.memory_space<vmem>> -> memref<8x136xf32, #tpu.memory_space<vmem>>
        %dma_wait3A_1535 = arith.constant 0 : i32
        %dma_wait3A_1536 = arith.constant 0 : i32
        %dma_wait3A_1537 = tpu.memref_slice %dma_wait3A_1534[%dma_wait3A_1535, %dma_wait3A_1536] : memref<8x136xf32, #tpu.memory_space<vmem>> -> memref<8x128xf32, #tpu.memory_space<vmem>>
        tpu.wait_dma2 semaphore(%arg11 : memref<!tpu.dma_semaphore, #tpu.memory_space<semaphore_mem>>) src(%dma_wait3A_1537 : memref<8x128xf32, #tpu.memory_space<vmem>>) dst(%dma_wait3A_1525 : memref<8x128xf32, #tpu.memory_space<hbm>>)
      } else {
      }
      %scan3A_1022 = arith.constant 0 : i32
      %scan3A_1023 = arith.constant 0 : i32
      %scan3A_1024 = arith.constant 128 : i32
      %scan3A_1025 = arith.addi %scan3A_1023, %scan3A_1024 : i32
      %scan3A_1026 = arith.constant 8 : i32
      scf.for %scan3A_1282 = %scan3A_1023 to %scan3A_1025 step %scan3A_1026  : i32 {
        %broadcast_in_dim3A = arith.constant 1 : i32
        %broadcast_in_dim3A_1283 = vector.broadcast %broadcast_in_dim3A : i32 to vector<16xi32>
        %mul3A_1284 = vector.broadcast %scan3A_1282 : i32 to vector<16xi32>
        %mul3A_1285 = arith.muli %broadcast_in_dim3A_1283, %mul3A_1284 : vector<16xi32>
        %get3A = arith.constant 1 : i32
        %get3A_1286 = arith.index_cast %get3A : i32 to index
        %get3A_1287 = arith.index_cast %scan3A_1282 : i32 to index
        %get3A_1288 = arith.constant 0 : index
        %get3A_1289 = tpu.vector_load %arg6[%get3A_1286, %get3A_1287, %get3A_1288] {strides = array<i32>} : memref<2x128x32xf32, #tpu.memory_space<vmem>>, vector<16xf32>,
        %get3A_1290 = arith.constant 1 : i32
        %get3A_1291 = arith.index_cast %get3A_1290 : i32 to index
        %get3A_1292 = arith.index_cast %scan3A_1282 : i32 to index
        %get3A_1293 = arith.constant 16 : index
        %get3A_1294 = tpu.vector_load %arg6[%get3A_1291, %get3A_1292, %get3A_1293] {strides = array<i32>} : memref<2x128x32xf32, #tpu.memory_space<vmem>>, vector<16xf32>,
        %scatter3A = arith.constant 1 : i32
        %scatter3A_1295 = arith.constant 0 : i32
        %scatter3A_1296 = arith.constant 0 : i32
        %scatter3A_1297 = arith.constant 0 : i32
        %scatter3A_1298 = tpu.memref_slice %arg7[%scatter3A, %scatter3A_1295, %scatter3A_1296, %scatter3A_1297] : memref<2x4x8x136xf32, #tpu.memory_space<vmem>> -> memref<1x4x8x136xf32, #tpu.memory_space<vmem>>
        %scatter3A_1299 = tpu.memref_squeeze %scatter3A_1298 : memref<1x4x8x136xf32, #tpu.memory_space<vmem>> -> memref<4x8x136xf32, #tpu.memory_space<vmem>>
        tpu.vector_store_idx %scatter3A_1299[%select_n3A, %rem3A_33, %mul3A_1285], %get3A_1289 : memref<4x8x136xf32, #tpu.memory_space<vmem>>[vector<16xi32>, vector<16xi32>, vector<16xi32>], vector<16xf32>,
        %scatter3A_1300 = arith.constant 1 : i32
        %scatter3A_1301 = arith.constant 0 : i32
        %scatter3A_1302 = arith.constant 0 : i32
        %scatter3A_1303 = arith.constant 0 : i32
        %scatter3A_1304 = tpu.memref_slice %arg7[%scatter3A_1300, %scatter3A_1301, %scatter3A_1302, %scatter3A_1303] : memref<2x4x8x136xf32, #tpu.memory_space<vmem>> -> memref<1x4x8x136xf32, #tpu.memory_space<vmem>>
        %scatter3A_1305 = tpu.memref_squeeze %scatter3A_1304 : memref<1x4x8x136xf32, #tpu.memory_space<vmem>> -> memref<4x8x136xf32, #tpu.memory_space<vmem>>
        tpu.vector_store_idx %scatter3A_1305[%add3A_30, %rem3A_33, %mul3A_1285], %get3A_1294 : memref<4x8x136xf32, #tpu.memory_space<vmem>>[vector<16xi32>, vector<16xi32>, vector<16xi32>], vector<16xf32>,
        %scan3A_1306 = arith.constant 1 : i32
        %scan3A_1307 = arith.addi %scan3A_1282, %scan3A_1306 : i32
        %broadcast_in_dim3A_1308 = arith.constant 1 : i32
        %broadcast_in_dim3A_1309 = vector.broadcast %broadcast_in_dim3A_1308 : i32 to vector<16xi32>
        %mul3A_1310 = vector.broadcast %scan3A_1307 : i32 to vector<16xi32>
        %mul3A_1311 = arith.muli %broadcast_in_dim3A_1309, %mul3A_1310 : vector<16xi32>
        %get3A_1312 = arith.constant 1 : i32
        %get3A_1313 = arith.index_cast %get3A_1312 : i32 to index
        %get3A_1314 = arith.index_cast %scan3A_1307 : i32 to index
        %get3A_1315 = arith.constant 0 : index
        %get3A_1316 = tpu.vector_load %arg6[%get3A_1313, %get3A_1314, %get3A_1315] {strides = array<i32>} : memref<2x128x32xf32, #tpu.memory_space<vmem>>, vector<16xf32>,
        %get3A_1317 = arith.constant 1 : i32
        %get3A_1318 = arith.index_cast %get3A_1317 : i32 to index
        %get3A_1319 = arith.index_cast %scan3A_1307 : i32 to index
        %get3A_1320 = arith.constant 16 : index
        %get3A_1321 = tpu.vector_load %arg6[%get3A_1318, %get3A_1319, %get3A_1320] {strides = array<i32>} : memref<2x128x32xf32, #tpu.memory_space<vmem>>, vector<16xf32>,
        %scatter3A_1322 = arith.constant 1 : i32
        %scatter3A_1323 = arith.constant 0 : i32
        %scatter3A_1324 = arith.constant 0 : i32
        %scatter3A_1325 = arith.constant 0 : i32
        %scatter3A_1326 = tpu.memref_slice %arg7[%scatter3A_1322, %scatter3A_1323, %scatter3A_1324, %scatter3A_1325] : memref<2x4x8x136xf32, #tpu.memory_space<vmem>> -> memref<1x4x8x136xf32, #tpu.memory_space<vmem>>
        %scatter3A_1327 = tpu.memref_squeeze %scatter3A_1326 : memref<1x4x8x136xf32, #tpu.memory_space<vmem>> -> memref<4x8x136xf32, #tpu.memory_space<vmem>>
        tpu.vector_store_idx %scatter3A_1327[%select_n3A, %rem3A_33, %mul3A_1311], %get3A_1316 : memref<4x8x136xf32, #tpu.memory_space<vmem>>[vector<16xi32>, vector<16xi32>, vector<16xi32>], vector<16xf32>,
        %scatter3A_1328 = arith.constant 1 : i32
        %scatter3A_1329 = arith.constant 0 : i32
        %scatter3A_1330 = arith.constant 0 : i32
        %scatter3A_1331 = arith.constant 0 : i32
        %scatter3A_1332 = tpu.memref_slice %arg7[%scatter3A_1328, %scatter3A_1329, %scatter3A_1330, %scatter3A_1331] : memref<2x4x8x136xf32, #tpu.memory_space<vmem>> -> memref<1x4x8x136xf32, #tpu.memory_space<vmem>>
        %scatter3A_1333 = tpu.memref_squeeze %scatter3A_1332 : memref<1x4x8x136xf32, #tpu.memory_space<vmem>> -> memref<4x8x136xf32, #tpu.memory_space<vmem>>
        tpu.vector_store_idx %scatter3A_1333[%add3A_30, %rem3A_33, %mul3A_1311], %get3A_1321 : memref<4x8x136xf32, #tpu.memory_space<vmem>>[vector<16xi32>, vector<16xi32>, vector<16xi32>], vector<16xf32>,
        %scan3A_1334 = arith.constant 2 : i32
        %scan3A_1335 = arith.addi %scan3A_1282, %scan3A_1334 : i32
        %broadcast_in_dim3A_1336 = arith.constant 1 : i32
        %broadcast_in_dim3A_1337 = vector.broadcast %broadcast_in_dim3A_1336 : i32 to vector<16xi32>
        %mul3A_1338 = vector.broadcast %scan3A_1335 : i32 to vector<16xi32>
        %mul3A_1339 = arith.muli %broadcast_in_dim3A_1337, %mul3A_1338 : vector<16xi32>
        %get3A_1340 = arith.constant 1 : i32
        %get3A_1341 = arith.index_cast %get3A_1340 : i32 to index
        %get3A_1342 = arith.index_cast %scan3A_1335 : i32 to index
        %get3A_1343 = arith.constant 0 : index
        %get3A_1344 = tpu.vector_load %arg6[%get3A_1341, %get3A_1342, %get3A_1343] {strides = array<i32>} : memref<2x128x32xf32, #tpu.memory_space<vmem>>, vector<16xf32>,
        %get3A_1345 = arith.constant 1 : i32
        %get3A_1346 = arith.index_cast %get3A_1345 : i32 to index
        %get3A_1347 = arith.index_cast %scan3A_1335 : i32 to index
        %get3A_1348 = arith.constant 16 : index
        %get3A_1349 = tpu.vector_load %arg6[%get3A_1346, %get3A_1347, %get3A_1348] {strides = array<i32>} : memref<2x128x32xf32, #tpu.memory_space<vmem>>, vector<16xf32>,
        %scatter3A_1350 = arith.constant 1 : i32
        %scatter3A_1351 = arith.constant 0 : i32
        %scatter3A_1352 = arith.constant 0 : i32
        %scatter3A_1353 = arith.constant 0 : i32
        %scatter3A_1354 = tpu.memref_slice %arg7[%scatter3A_1350, %scatter3A_1351, %scatter3A_1352, %scatter3A_1353] : memref<2x4x8x136xf32, #tpu.memory_space<vmem>> -> memref<1x4x8x136xf32, #tpu.memory_space<vmem>>
        %scatter3A_1355 = tpu.memref_squeeze %scatter3A_1354 : memref<1x4x8x136xf32, #tpu.memory_space<vmem>> -> memref<4x8x136xf32, #tpu.memory_space<vmem>>
        tpu.vector_store_idx %scatter3A_1355[%select_n3A, %rem3A_33, %mul3A_1339], %get3A_1344 : memref<4x8x136xf32, #tpu.memory_space<vmem>>[vector<16xi32>, vector<16xi32>, vector<16xi32>], vector<16xf32>,
        %scatter3A_1356 = arith.constant 1 : i32
        %scatter3A_1357 = arith.constant 0 : i32
        %scatter3A_1358 = arith.constant 0 : i32
        %scatter3A_1359 = arith.constant 0 : i32
        %scatter3A_1360 = tpu.memref_slice %arg7[%scatter3A_1356, %scatter3A_1357, %scatter3A_1358, %scatter3A_1359] : memref<2x4x8x136xf32, #tpu.memory_space<vmem>> -> memref<1x4x8x136xf32, #tpu.memory_space<vmem>>
        %scatter3A_1361 = tpu.memref_squeeze %scatter3A_1360 : memref<1x4x8x136xf32, #tpu.memory_space<vmem>> -> memref<4x8x136xf32, #tpu.memory_space<vmem>>
        tpu.vector_store_idx %scatter3A_1361[%add3A_30, %rem3A_33, %mul3A_1339], %get3A_1349 : memref<4x8x136xf32, #tpu.memory_space<vmem>>[vector<16xi32>, vector<16xi32>, vector<16xi32>], vector<16xf32>,
        %scan3A_1362 = arith.constant 3 : i32
        %scan3A_1363 = arith.addi %scan3A_1282, %scan3A_1362 : i32
        %broadcast_in_dim3A_1364 = arith.constant 1 : i32
        %broadcast_in_dim3A_1365 = vector.broadcast %broadcast_in_dim3A_1364 : i32 to vector<16xi32>
        %mul3A_1366 = vector.broadcast %scan3A_1363 : i32 to vector<16xi32>
        %mul3A_1367 = arith.muli %broadcast_in_dim3A_1365, %mul3A_1366 : vector<16xi32>
        %get3A_1368 = arith.constant 1 : i32
        %get3A_1369 = arith.index_cast %get3A_1368 : i32 to index
        %get3A_1370 = arith.index_cast %scan3A_1363 : i32 to index
        %get3A_1371 = arith.constant 0 : index
        %get3A_1372 = tpu.vector_load %arg6[%get3A_1369, %get3A_1370, %get3A_1371] {strides = array<i32>} : memref<2x128x32xf32, #tpu.memory_space<vmem>>, vector<16xf32>,
        %get3A_1373 = arith.constant 1 : i32
        %get3A_1374 = arith.index_cast %get3A_1373 : i32 to index
        %get3A_1375 = arith.index_cast %scan3A_1363 : i32 to index
        %get3A_1376 = arith.constant 16 : index
        %get3A_1377 = tpu.vector_load %arg6[%get3A_1374, %get3A_1375, %get3A_1376] {strides = array<i32>} : memref<2x128x32xf32, #tpu.memory_space<vmem>>, vector<16xf32>,
        %scatter3A_1378 = arith.constant 1 : i32
        %scatter3A_1379 = arith.constant 0 : i32
        %scatter3A_1380 = arith.constant 0 : i32
        %scatter3A_1381 = arith.constant 0 : i32
        %scatter3A_1382 = tpu.memref_slice %arg7[%scatter3A_1378, %scatter3A_1379, %scatter3A_1380, %scatter3A_1381] : memref<2x4x8x136xf32, #tpu.memory_space<vmem>> -> memref<1x4x8x136xf32, #tpu.memory_space<vmem>>
        %scatter3A_1383 = tpu.memref_squeeze %scatter3A_1382 : memref<1x4x8x136xf32, #tpu.memory_space<vmem>> -> memref<4x8x136xf32, #tpu.memory_space<vmem>>
        tpu.vector_store_idx %scatter3A_1383[%select_n3A, %rem3A_33, %mul3A_1367], %get3A_1372 : memref<4x8x136xf32, #tpu.memory_space<vmem>>[vector<16xi32>, vector<16xi32>, vector<16xi32>], vector<16xf32>,
        %scatter3A_1384 = arith.constant 1 : i32
        %scatter3A_1385 = arith.constant 0 : i32
        %scatter3A_1386 = arith.constant 0 : i32
        %scatter3A_1387 = arith.constant 0 : i32
        %scatter3A_1388 = tpu.memref_slice %arg7[%scatter3A_1384, %scatter3A_1385, %scatter3A_1386, %scatter3A_1387] : memref<2x4x8x136xf32, #tpu.memory_space<vmem>> -> memref<1x4x8x136xf32, #tpu.memory_space<vmem>>
        %scatter3A_1389 = tpu.memref_squeeze %scatter3A_1388 : memref<1x4x8x136xf32, #tpu.memory_space<vmem>> -> memref<4x8x136xf32, #tpu.memory_space<vmem>>
        tpu.vector_store_idx %scatter3A_1389[%add3A_30, %rem3A_33, %mul3A_1367], %get3A_1377 : memref<4x8x136xf32, #tpu.memory_space<vmem>>[vector<16xi32>, vector<16xi32>, vector<16xi32>], vector<16xf32>,
        %scan3A_1390 = arith.constant 4 : i32
        %scan3A_1391 = arith.addi %scan3A_1282, %scan3A_1390 : i32
        %broadcast_in_dim3A_1392 = arith.constant 1 : i32
        %broadcast_in_dim3A_1393 = vector.broadcast %broadcast_in_dim3A_1392 : i32 to vector<16xi32>
        %mul3A_1394 = vector.broadcast %scan3A_1391 : i32 to vector<16xi32>
        %mul3A_1395 = arith.muli %broadcast_in_dim3A_1393, %mul3A_1394 : vector<16xi32>
        %get3A_1396 = arith.constant 1 : i32
        %get3A_1397 = arith.index_cast %get3A_1396 : i32 to index
        %get3A_1398 = arith.index_cast %scan3A_1391 : i32 to index
        %get3A_1399 = arith.constant 0 : index
        %get3A_1400 = tpu.vector_load %arg6[%get3A_1397, %get3A_1398, %get3A_1399] {strides = array<i32>} : memref<2x128x32xf32, #tpu.memory_space<vmem>>, vector<16xf32>,
        %get3A_1401 = arith.constant 1 : i32
        %get3A_1402 = arith.index_cast %get3A_1401 : i32 to index
        %get3A_1403 = arith.index_cast %scan3A_1391 : i32 to index
        %get3A_1404 = arith.constant 16 : index
        %get3A_1405 = tpu.vector_load %arg6[%get3A_1402, %get3A_1403, %get3A_1404] {strides = array<i32>} : memref<2x128x32xf32, #tpu.memory_space<vmem>>, vector<16xf32>,
        %scatter3A_1406 = arith.constant 1 : i32
        %scatter3A_1407 = arith.constant 0 : i32
        %scatter3A_1408 = arith.constant 0 : i32
        %scatter3A_1409 = arith.constant 0 : i32
        %scatter3A_1410 = tpu.memref_slice %arg7[%scatter3A_1406, %scatter3A_1407, %scatter3A_1408, %scatter3A_1409] : memref<2x4x8x136xf32, #tpu.memory_space<vmem>> -> memref<1x4x8x136xf32, #tpu.memory_space<vmem>>
        %scatter3A_1411 = tpu.memref_squeeze %scatter3A_1410 : memref<1x4x8x136xf32, #tpu.memory_space<vmem>> -> memref<4x8x136xf32, #tpu.memory_space<vmem>>
        tpu.vector_store_idx %scatter3A_1411[%select_n3A, %rem3A_33, %mul3A_1395], %get3A_1400 : memref<4x8x136xf32, #tpu.memory_space<vmem>>[vector<16xi32>, vector<16xi32>, vector<16xi32>], vector<16xf32>,
        %scatter3A_1412 = arith.constant 1 : i32
        %scatter3A_1413 = arith.constant 0 : i32
        %scatter3A_1414 = arith.constant 0 : i32
        %scatter3A_1415 = arith.constant 0 : i32
        %scatter3A_1416 = tpu.memref_slice %arg7[%scatter3A_1412, %scatter3A_1413, %scatter3A_1414, %scatter3A_1415] : memref<2x4x8x136xf32, #tpu.memory_space<vmem>> -> memref<1x4x8x136xf32, #tpu.memory_space<vmem>>
        %scatter3A_1417 = tpu.memref_squeeze %scatter3A_1416 : memref<1x4x8x136xf32, #tpu.memory_space<vmem>> -> memref<4x8x136xf32, #tpu.memory_space<vmem>>
        tpu.vector_store_idx %scatter3A_1417[%add3A_30, %rem3A_33, %mul3A_1395], %get3A_1405 : memref<4x8x136xf32, #tpu.memory_space<vmem>>[vector<16xi32>, vector<16xi32>, vector<16xi32>], vector<16xf32>,
        %scan3A_1418 = arith.constant 5 : i32
        %scan3A_1419 = arith.addi %scan3A_1282, %scan3A_1418 : i32
        %broadcast_in_dim3A_1420 = arith.constant 1 : i32
        %broadcast_in_dim3A_1421 = vector.broadcast %broadcast_in_dim3A_1420 : i32 to vector<16xi32>
        %mul3A_1422 = vector.broadcast %scan3A_1419 : i32 to vector<16xi32>
        %mul3A_1423 = arith.muli %broadcast_in_dim3A_1421, %mul3A_1422 : vector<16xi32>
        %get3A_1424 = arith.constant 1 : i32
        %get3A_1425 = arith.index_cast %get3A_1424 : i32 to index
        %get3A_1426 = arith.index_cast %scan3A_1419 : i32 to index
        %get3A_1427 = arith.constant 0 : index
        %get3A_1428 = tpu.vector_load %arg6[%get3A_1425, %get3A_1426, %get3A_1427] {strides = array<i32>} : memref<2x128x32xf32, #tpu.memory_space<vmem>>, vector<16xf32>,
        %get3A_1429 = arith.constant 1 : i32
        %get3A_1430 = arith.index_cast %get3A_1429 : i32 to index
        %get3A_1431 = arith.index_cast %scan3A_1419 : i32 to index
        %get3A_1432 = arith.constant 16 : index
        %get3A_1433 = tpu.vector_load %arg6[%get3A_1430, %get3A_1431, %get3A_1432] {strides = array<i32>} : memref<2x128x32xf32, #tpu.memory_space<vmem>>, vector<16xf32>,
        %scatter3A_1434 = arith.constant 1 : i32
        %scatter3A_1435 = arith.constant 0 : i32
        %scatter3A_1436 = arith.constant 0 : i32
        %scatter3A_1437 = arith.constant 0 : i32
        %scatter3A_1438 = tpu.memref_slice %arg7[%scatter3A_1434, %scatter3A_1435, %scatter3A_1436, %scatter3A_1437] : memref<2x4x8x136xf32, #tpu.memory_space<vmem>> -> memref<1x4x8x136xf32, #tpu.memory_space<vmem>>
        %scatter3A_1439 = tpu.memref_squeeze %scatter3A_1438 : memref<1x4x8x136xf32, #tpu.memory_space<vmem>> -> memref<4x8x136xf32, #tpu.memory_space<vmem>>
        tpu.vector_store_idx %scatter3A_1439[%select_n3A, %rem3A_33, %mul3A_1423], %get3A_1428 : memref<4x8x136xf32, #tpu.memory_space<vmem>>[vector<16xi32>, vector<16xi32>, vector<16xi32>], vector<16xf32>,
        %scatter3A_1440 = arith.constant 1 : i32
        %scatter3A_1441 = arith.constant 0 : i32
        %scatter3A_1442 = arith.constant 0 : i32
        %scatter3A_1443 = arith.constant 0 : i32
        %scatter3A_1444 = tpu.memref_slice %arg7[%scatter3A_1440, %scatter3A_1441, %scatter3A_1442, %scatter3A_1443] : memref<2x4x8x136xf32, #tpu.memory_space<vmem>> -> memref<1x4x8x136xf32, #tpu.memory_space<vmem>>
        %scatter3A_1445 = tpu.memref_squeeze %scatter3A_1444 : memref<1x4x8x136xf32, #tpu.memory_space<vmem>> -> memref<4x8x136xf32, #tpu.memory_space<vmem>>
        tpu.vector_store_idx %scatter3A_1445[%add3A_30, %rem3A_33, %mul3A_1423], %get3A_1433 : memref<4x8x136xf32, #tpu.memory_space<vmem>>[vector<16xi32>, vector<16xi32>, vector<16xi32>], vector<16xf32>,
        %scan3A_1446 = arith.constant 6 : i32
        %scan3A_1447 = arith.addi %scan3A_1282, %scan3A_1446 : i32
        %broadcast_in_dim3A_1448 = arith.constant 1 : i32
        %broadcast_in_dim3A_1449 = vector.broadcast %broadcast_in_dim3A_1448 : i32 to vector<16xi32>
        %mul3A_1450 = vector.broadcast %scan3A_1447 : i32 to vector<16xi32>
        %mul3A_1451 = arith.muli %broadcast_in_dim3A_1449, %mul3A_1450 : vector<16xi32>
        %get3A_1452 = arith.constant 1 : i32
        %get3A_1453 = arith.index_cast %get3A_1452 : i32 to index
        %get3A_1454 = arith.index_cast %scan3A_1447 : i32 to index
        %get3A_1455 = arith.constant 0 : index
        %get3A_1456 = tpu.vector_load %arg6[%get3A_1453, %get3A_1454, %get3A_1455] {strides = array<i32>} : memref<2x128x32xf32, #tpu.memory_space<vmem>>, vector<16xf32>,
        %get3A_1457 = arith.constant 1 : i32
        %get3A_1458 = arith.index_cast %get3A_1457 : i32 to index
        %get3A_1459 = arith.index_cast %scan3A_1447 : i32 to index
        %get3A_1460 = arith.constant 16 : index
        %get3A_1461 = tpu.vector_load %arg6[%get3A_1458, %get3A_1459, %get3A_1460] {strides = array<i32>} : memref<2x128x32xf32, #tpu.memory_space<vmem>>, vector<16xf32>,
        %scatter3A_1462 = arith.constant 1 : i32
        %scatter3A_1463 = arith.constant 0 : i32
        %scatter3A_1464 = arith.constant 0 : i32
        %scatter3A_1465 = arith.constant 0 : i32
        %scatter3A_1466 = tpu.memref_slice %arg7[%scatter3A_1462, %scatter3A_1463, %scatter3A_1464, %scatter3A_1465] : memref<2x4x8x136xf32, #tpu.memory_space<vmem>> -> memref<1x4x8x136xf32, #tpu.memory_space<vmem>>
        %scatter3A_1467 = tpu.memref_squeeze %scatter3A_1466 : memref<1x4x8x136xf32, #tpu.memory_space<vmem>> -> memref<4x8x136xf32, #tpu.memory_space<vmem>>
        tpu.vector_store_idx %scatter3A_1467[%select_n3A, %rem3A_33, %mul3A_1451], %get3A_1456 : memref<4x8x136xf32, #tpu.memory_space<vmem>>[vector<16xi32>, vector<16xi32>, vector<16xi32>], vector<16xf32>,
        %scatter3A_1468 = arith.constant 1 : i32
        %scatter3A_1469 = arith.constant 0 : i32
        %scatter3A_1470 = arith.constant 0 : i32
        %scatter3A_1471 = arith.constant 0 : i32
        %scatter3A_1472 = tpu.memref_slice %arg7[%scatter3A_1468, %scatter3A_1469, %scatter3A_1470, %scatter3A_1471] : memref<2x4x8x136xf32, #tpu.memory_space<vmem>> -> memref<1x4x8x136xf32, #tpu.memory_space<vmem>>
        %scatter3A_1473 = tpu.memref_squeeze %scatter3A_1472 : memref<1x4x8x136xf32, #tpu.memory_space<vmem>> -> memref<4x8x136xf32, #tpu.memory_space<vmem>>
        tpu.vector_store_idx %scatter3A_1473[%add3A_30, %rem3A_33, %mul3A_1451], %get3A_1461 : memref<4x8x136xf32, #tpu.memory_space<vmem>>[vector<16xi32>, vector<16xi32>, vector<16xi32>], vector<16xf32>,
        %scan3A_1474 = arith.constant 7 : i32
        %scan3A_1475 = arith.addi %scan3A_1282, %scan3A_1474 : i32
        %broadcast_in_dim3A_1476 = arith.constant 1 : i32
        %broadcast_in_dim3A_1477 = vector.broadcast %broadcast_in_dim3A_1476 : i32 to vector<16xi32>
        %mul3A_1478 = vector.broadcast %scan3A_1475 : i32 to vector<16xi32>
        %mul3A_1479 = arith.muli %broadcast_in_dim3A_1477, %mul3A_1478 : vector<16xi32>
        %get3A_1480 = arith.constant 1 : i32
        %get3A_1481 = arith.index_cast %get3A_1480 : i32 to index
        %get3A_1482 = arith.index_cast %scan3A_1475 : i32 to index
        %get3A_1483 = arith.constant 0 : index
        %get3A_1484 = tpu.vector_load %arg6[%get3A_1481, %get3A_1482, %get3A_1483] {strides = array<i32>} : memref<2x128x32xf32, #tpu.memory_space<vmem>>, vector<16xf32>,
        %get3A_1485 = arith.constant 1 : i32
        %get3A_1486 = arith.index_cast %get3A_1485 : i32 to index
        %get3A_1487 = arith.index_cast %scan3A_1475 : i32 to index
        %get3A_1488 = arith.constant 16 : index
        %get3A_1489 = tpu.vector_load %arg6[%get3A_1486, %get3A_1487, %get3A_1488] {strides = array<i32>} : memref<2x128x32xf32, #tpu.memory_space<vmem>>, vector<16xf32>,
        %scatter3A_1490 = arith.constant 1 : i32
        %scatter3A_1491 = arith.constant 0 : i32
        %scatter3A_1492 = arith.constant 0 : i32
        %scatter3A_1493 = arith.constant 0 : i32
        %scatter3A_1494 = tpu.memref_slice %arg7[%scatter3A_1490, %scatter3A_1491, %scatter3A_1492, %scatter3A_1493] : memref<2x4x8x136xf32, #tpu.memory_space<vmem>> -> memref<1x4x8x136xf32, #tpu.memory_space<vmem>>
        %scatter3A_1495 = tpu.memref_squeeze %scatter3A_1494 : memref<1x4x8x136xf32, #tpu.memory_space<vmem>> -> memref<4x8x136xf32, #tpu.memory_space<vmem>>
        tpu.vector_store_idx %scatter3A_1495[%select_n3A, %rem3A_33, %mul3A_1479], %get3A_1484 : memref<4x8x136xf32, #tpu.memory_space<vmem>>[vector<16xi32>, vector<16xi32>, vector<16xi32>], vector<16xf32>,
        %scatter3A_1496 = arith.constant 1 : i32
        %scatter3A_1497 = arith.constant 0 : i32
        %scatter3A_1498 = arith.constant 0 : i32
        %scatter3A_1499 = arith.constant 0 : i32
        %scatter3A_1500 = tpu.memref_slice %arg7[%scatter3A_1496, %scatter3A_1497, %scatter3A_1498, %scatter3A_1499] : memref<2x4x8x136xf32, #tpu.memory_space<vmem>> -> memref<1x4x8x136xf32, #tpu.memory_space<vmem>>
        %scatter3A_1501 = tpu.memref_squeeze %scatter3A_1500 : memref<1x4x8x136xf32, #tpu.memory_space<vmem>> -> memref<4x8x136xf32, #tpu.memory_space<vmem>>
        tpu.vector_store_idx %scatter3A_1501[%add3A_30, %rem3A_33, %mul3A_1479], %get3A_1489 : memref<4x8x136xf32, #tpu.memory_space<vmem>>[vector<16xi32>, vector<16xi32>, vector<16xi32>], vector<16xf32>,
      }
      %scan3A_1027 = arith.constant 128 : i32
      %jit3A_1028 = arith.constant 128 : i32
      %div3A_1029 = arith.divsi %add3A_992, %jit3A_1028 : i32
      %sign3A_1030 = arith.constant 0 : i32
      %sign3A_1031 = arith.cmpi sgt, %add3A_992, %sign3A_1030 : i32
      %sign3A_1032 = arith.extui %sign3A_1031 : i1 to i32
      %sign3A_1033 = arith.constant 0 : i32
      %sign3A_1034 = arith.cmpi slt, %add3A_992, %sign3A_1033 : i32
      %sign3A_1035 = arith.extui %sign3A_1034 : i1 to i32
      %sign3A_1036 = arith.subi %sign3A_1032, %sign3A_1035 : i32
      %sign3A_1037 = arith.constant 0 : i32
      %sign3A_1038 = arith.cmpi sgt, %jit3A_1028, %sign3A_1037 : i32
      %sign3A_1039 = arith.extui %sign3A_1038 : i1 to i32
      %sign3A_1040 = arith.constant 0 : i32
      %sign3A_1041 = arith.cmpi slt, %jit3A_1028, %sign3A_1040 : i32
      %sign3A_1042 = arith.extui %sign3A_1041 : i1 to i32
      %sign3A_1043 = arith.subi %sign3A_1039, %sign3A_1042 : i32
      %ne3A_1044 = arith.cmpi ne, %sign3A_1036, %sign3A_1043 : i32
      %rem3A_1045 = arith.remsi %add3A_992, %jit3A_1028 : i32
      %ne3A_1046 = arith.constant 0 : i32
      %ne3A_1047 = arith.cmpi ne, %rem3A_1045, %ne3A_1046 : i32
      %and3A_1048 = arith.andi %ne3A_1044, %ne3A_1047 : i1
      %sub3A_1049 = arith.constant 1 : i32
      %sub3A_1050 = arith.subi %div3A_1029, %sub3A_1049 : i32
      %select_n3A_1051 = arith.select %and3A_1048, %sub3A_1050, %div3A_1029 : i32
      %rem3A_1052 = arith.constant 128 : i32
      %rem3A_1053 = arith.remsi %add3A_992, %rem3A_1052 : i32
      %dma_start3A_1054 = arith.constant 1 : i32
      %dma_start3A_1055 = arith.constant 0 : i32
      %dma_start3A_1056 = arith.constant 0 : i32
      %dma_start3A_1057 = arith.constant 0 : i32
      %dma_start3A_1058 = arith.constant 0 : i32
      %dma_start3A_1059 = arith.constant 0 : i32
      %dma_start3A_1060 = tpu.memref_slice %arg7[%dma_start3A_1054, %dma_start3A_1057, %dma_start3A_1058, %dma_start3A_1059] : memref<2x4x8x136xf32, #tpu.memory_space<vmem>> -> memref<1x4x8x136xf32, #tpu.memory_space<vmem>>
      %dma_start3A_1061 = tpu.memref_squeeze %dma_start3A_1060 : memref<1x4x8x136xf32, #tpu.memory_space<vmem>> -> memref<4x8x136xf32, #tpu.memory_space<vmem>>
      %dma_start3A_1062 = arith.constant 0 : i32
      %dma_start3A_1063 = arith.constant 0 : i32
      %dma_start3A_1064 = tpu.memref_slice %dma_start3A_1061[%dma_start3A_1055, %dma_start3A_1062, %dma_start3A_1063] : memref<4x8x136xf32, #tpu.memory_space<vmem>> -> memref<1x8x136xf32, #tpu.memory_space<vmem>>
      %dma_start3A_1065 = tpu.memref_squeeze %dma_start3A_1064 : memref<1x8x136xf32, #tpu.memory_space<vmem>> -> memref<8x136xf32, #tpu.memory_space<vmem>>
      %dma_start3A_1066 = arith.constant 0 : i32
      %dma_start3A_1067 = arith.constant 0 : i32
      %dma_start3A_1068 = tpu.memref_slice %dma_start3A_1065[%dma_start3A_1066, %dma_start3A_1067] : memref<8x136xf32, #tpu.memory_space<vmem>> -> memref<8x128xf32, #tpu.memory_space<vmem>>
      %dma_start3A_1069 = arith.constant 0 : i32
      %dma_start3A_1070 = arith.constant 0 : i32
      %dma_start3A_1071 = arith.constant 0 : i32
      %dma_start3A_1072 = arith.constant 0 : i32
      %dma_start3A_1073 = tpu.memref_slice %arg4[%select_n3A_1051, %dma_start3A_1069, %dma_start3A_1070, %dma_start3A_1071, %dma_start3A_1072] : memref<26x4x128x8x128xf32, #tpu.memory_space<hbm>> -> memref<1x4x128x8x128xf32, #tpu.memory_space<hbm>>
      %dma_start3A_1074 = tpu.memref_squeeze %dma_start3A_1073 : memref<1x4x128x8x128xf32, #tpu.memory_space<hbm>> -> memref<4x128x8x128xf32, #tpu.memory_space<hbm>>
      %dma_start3A_1075 = arith.constant 0 : i32
      %dma_start3A_1076 = arith.constant 0 : i32
      %dma_start3A_1077 = arith.constant 0 : i32
      %dma_start3A_1078 = tpu.memref_slice %dma_start3A_1074[%dma_start3A_1056, %dma_start3A_1075, %dma_start3A_1076, %dma_start3A_1077] : memref<4x128x8x128xf32, #tpu.memory_space<hbm>> -> memref<1x128x8x128xf32, #tpu.memory_space<hbm>>
      %dma_start3A_1079 = tpu.memref_squeeze %dma_start3A_1078 : memref<1x128x8x128xf32, #tpu.memory_space<hbm>> -> memref<128x8x128xf32, #tpu.memory_space<hbm>>
      %dma_start3A_1080 = arith.constant 0 : i32
      %dma_start3A_1081 = arith.constant 0 : i32
      %dma_start3A_1082 = tpu.memref_slice %dma_start3A_1079[%rem3A_1053, %dma_start3A_1080, %dma_start3A_1081] : memref<128x8x128xf32, #tpu.memory_space<hbm>> -> memref<1x8x128xf32, #tpu.memory_space<hbm>>
      %dma_start3A_1083 = tpu.memref_squeeze %dma_start3A_1082 : memref<1x8x128xf32, #tpu.memory_space<hbm>> -> memref<8x128xf32, #tpu.memory_space<hbm>>
      %dma_start3A_1084 = arith.constant 0 : i32
      %dma_start3A_1085 = arith.constant 0 : i32
      %dma_start3A_1086 = arith.constant 0 : i32
      %dma_start3A_1087 = arith.constant 0 : i32
      %dma_start3A_1088 = tpu.memref_slice %arg4[%select_n3A_1051, %dma_start3A_1084, %dma_start3A_1085, %dma_start3A_1086, %dma_start3A_1087] : memref<26x4x128x8x128xf32, #tpu.memory_space<hbm>> -> memref<1x4x128x8x128xf32, #tpu.memory_space<hbm>>
      %dma_start3A_1089 = tpu.memref_squeeze %dma_start3A_1088 : memref<1x4x128x8x128xf32, #tpu.memory_space<hbm>> -> memref<4x128x8x128xf32, #tpu.memory_space<hbm>>
      %dma_start3A_1090 = arith.constant 0 : i32
      %dma_start3A_1091 = arith.constant 0 : i32
      %dma_start3A_1092 = arith.constant 0 : i32
      %dma_start3A_1093 = tpu.memref_slice %dma_start3A_1089[%dma_start3A_1056, %dma_start3A_1090, %dma_start3A_1091, %dma_start3A_1092] : memref<4x128x8x128xf32, #tpu.memory_space<hbm>> -> memref<1x128x8x128xf32, #tpu.memory_space<hbm>>
      %dma_start3A_1094 = tpu.memref_squeeze %dma_start3A_1093 : memref<1x128x8x128xf32, #tpu.memory_space<hbm>> -> memref<128x8x128xf32, #tpu.memory_space<hbm>>
      %dma_start3A_1095 = arith.constant 0 : i32
      %dma_start3A_1096 = arith.constant 0 : i32
      %dma_start3A_1097 = tpu.memref_slice %dma_start3A_1094[%rem3A_1053, %dma_start3A_1095, %dma_start3A_1096] : memref<128x8x128xf32, #tpu.memory_space<hbm>> -> memref<1x8x128xf32, #tpu.memory_space<hbm>>
      %dma_start3A_1098 = tpu.memref_squeeze %dma_start3A_1097 : memref<1x8x128xf32, #tpu.memory_space<hbm>> -> memref<8x128xf32, #tpu.memory_space<hbm>>
      %dma_start3A_1099 = arith.constant 0 : i32
      %dma_start3A_1100 = arith.constant 0 : i32
      %dma_start3A_1101 = arith.constant 0 : i32
      %dma_start3A_1102 = tpu.memref_slice %arg7[%dma_start3A_1054, %dma_start3A_1099, %dma_start3A_1100, %dma_start3A_1101] : memref<2x4x8x136xf32, #tpu.memory_space<vmem>> -> memref<1x4x8x136xf32, #tpu.memory_space<vmem>>
      %dma_start3A_1103 = tpu.memref_squeeze %dma_start3A_1102 : memref<1x4x8x136xf32, #tpu.memory_space<vmem>> -> memref<4x8x136xf32, #tpu.memory_space<vmem>>
      %dma_start3A_1104 = arith.constant 0 : i32
      %dma_start3A_1105 = arith.constant 0 : i32
      %dma_start3A_1106 = tpu.memref_slice %dma_start3A_1103[%dma_start3A_1055, %dma_start3A_1104, %dma_start3A_1105] : memref<4x8x136xf32, #tpu.memory_space<vmem>> -> memref<1x8x136xf32, #tpu.memory_space<vmem>>
      %dma_start3A_1107 = tpu.memref_squeeze %dma_start3A_1106 : memref<1x8x136xf32, #tpu.memory_space<vmem>> -> memref<8x136xf32, #tpu.memory_space<vmem>>
      %dma_start3A_1108 = arith.constant 0 : i32
      %dma_start3A_1109 = arith.constant 0 : i32
      %dma_start3A_1110 = tpu.memref_slice %dma_start3A_1107[%dma_start3A_1108, %dma_start3A_1109] : memref<8x136xf32, #tpu.memory_space<vmem>> -> memref<8x128xf32, #tpu.memory_space<vmem>>
      tpu.enqueue_dma source(%dma_start3A_1110 : memref<8x128xf32, #tpu.memory_space<vmem>>) target(%dma_start3A_1098 : memref<8x128xf32, #tpu.memory_space<hbm>>) target_semaphore(%arg11 : memref<!tpu.dma_semaphore, #tpu.memory_space<semaphore_mem>>)
      %dma_start3A_1111 = arith.constant 1 : i32
      %dma_start3A_1112 = arith.constant 1 : i32
      %dma_start3A_1113 = arith.constant 1 : i32
      %dma_start3A_1114 = arith.constant 0 : i32
      %dma_start3A_1115 = arith.constant 0 : i32
      %dma_start3A_1116 = arith.constant 0 : i32
      %dma_start3A_1117 = tpu.memref_slice %arg7[%dma_start3A_1111, %dma_start3A_1114, %dma_start3A_1115, %dma_start3A_1116] : memref<2x4x8x136xf32, #tpu.memory_space<vmem>> -> memref<1x4x8x136xf32, #tpu.memory_space<vmem>>
      %dma_start3A_1118 = tpu.memref_squeeze %dma_start3A_1117 : memref<1x4x8x136xf32, #tpu.memory_space<vmem>> -> memref<4x8x136xf32, #tpu.memory_space<vmem>>
      %dma_start3A_1119 = arith.constant 0 : i32
      %dma_start3A_1120 = arith.constant 0 : i32
      %dma_start3A_1121 = tpu.memref_slice %dma_start3A_1118[%dma_start3A_1112, %dma_start3A_1119, %dma_start3A_1120] : memref<4x8x136xf32, #tpu.memory_space<vmem>> -> memref<1x8x136xf32, #tpu.memory_space<vmem>>
      %dma_start3A_1122 = tpu.memref_squeeze %dma_start3A_1121 : memref<1x8x136xf32, #tpu.memory_space<vmem>> -> memref<8x136xf32, #tpu.memory_space<vmem>>
      %dma_start3A_1123 = arith.constant 0 : i32
      %dma_start3A_1124 = arith.constant 0 : i32
      %dma_start3A_1125 = tpu.memref_slice %dma_start3A_1122[%dma_start3A_1123, %dma_start3A_1124] : memref<8x136xf32, #tpu.memory_space<vmem>> -> memref<8x128xf32, #tpu.memory_space<vmem>>
      %dma_start3A_1126 = arith.constant 0 : i32
      %dma_start3A_1127 = arith.constant 0 : i32
      %dma_start3A_1128 = arith.constant 0 : i32
      %dma_start3A_1129 = arith.constant 0 : i32
      %dma_start3A_1130 = tpu.memref_slice %arg4[%select_n3A_1051, %dma_start3A_1126, %dma_start3A_1127, %dma_start3A_1128, %dma_start3A_1129] : memref<26x4x128x8x128xf32, #tpu.memory_space<hbm>> -> memref<1x4x128x8x128xf32, #tpu.memory_space<hbm>>
      %dma_start3A_1131 = tpu.memref_squeeze %dma_start3A_1130 : memref<1x4x128x8x128xf32, #tpu.memory_space<hbm>> -> memref<4x128x8x128xf32, #tpu.memory_space<hbm>>
      %dma_start3A_1132 = arith.constant 0 : i32
      %dma_start3A_1133 = arith.constant 0 : i32
      %dma_start3A_1134 = arith.constant 0 : i32
      %dma_start3A_1135 = tpu.memref_slice %dma_start3A_1131[%dma_start3A_1113, %dma_start3A_1132, %dma_start3A_1133, %dma_start3A_1134] : memref<4x128x8x128xf32, #tpu.memory_space<hbm>> -> memref<1x128x8x128xf32, #tpu.memory_space<hbm>>
      %dma_start3A_1136 = tpu.memref_squeeze %dma_start3A_1135 : memref<1x128x8x128xf32, #tpu.memory_space<hbm>> -> memref<128x8x128xf32, #tpu.memory_space<hbm>>
      %dma_start3A_1137 = arith.constant 0 : i32
      %dma_start3A_1138 = arith.constant 0 : i32
      %dma_start3A_1139 = tpu.memref_slice %dma_start3A_1136[%rem3A_1053, %dma_start3A_1137, %dma_start3A_1138] : memref<128x8x128xf32, #tpu.memory_space<hbm>> -> memref<1x8x128xf32, #tpu.memory_space<hbm>>
      %dma_start3A_1140 = tpu.memref_squeeze %dma_start3A_1139 : memref<1x8x128xf32, #tpu.memory_space<hbm>> -> memref<8x128xf32, #tpu.memory_space<hbm>>
      %dma_start3A_1141 = arith.constant 0 : i32
      %dma_start3A_1142 = arith.constant 0 : i32
      %dma_start3A_1143 = arith.constant 0 : i32
      %dma_start3A_1144 = arith.constant 0 : i32
      %dma_start3A_1145 = tpu.memref_slice %arg4[%select_n3A_1051, %dma_start3A_1141, %dma_start3A_1142, %dma_start3A_1143, %dma_start3A_1144] : memref<26x4x128x8x128xf32, #tpu.memory_space<hbm>> -> memref<1x4x128x8x128xf32, #tpu.memory_space<hbm>>
      %dma_start3A_1146 = tpu.memref_squeeze %dma_start3A_1145 : memref<1x4x128x8x128xf32, #tpu.memory_space<hbm>> -> memref<4x128x8x128xf32, #tpu.memory_space<hbm>>
      %dma_start3A_1147 = arith.constant 0 : i32
      %dma_start3A_1148 = arith.constant 0 : i32
      %dma_start3A_1149 = arith.constant 0 : i32
      %dma_start3A_1150 = tpu.memref_slice %dma_start3A_1146[%dma_start3A_1113, %dma_start3A_1147, %dma_start3A_1148, %dma_start3A_1149] : memref<4x128x8x128xf32, #tpu.memory_space<hbm>> -> memref<1x128x8x128xf32, #tpu.memory_space<hbm>>
      %dma_start3A_1151 = tpu.memref_squeeze %dma_start3A_1150 : memref<1x128x8x128xf32, #tpu.memory_space<hbm>> -> memref<128x8x128xf32, #tpu.memory_space<hbm>>
      %dma_start3A_1152 = arith.constant 0 : i32
      %dma_start3A_1153 = arith.constant 0 : i32
      %dma_start3A_1154 = tpu.memref_slice %dma_start3A_1151[%rem3A_1053, %dma_start3A_1152, %dma_start3A_1153] : memref<128x8x128xf32, #tpu.memory_space<hbm>> -> memref<1x8x128xf32, #tpu.memory_space<hbm>>
      %dma_start3A_1155 = tpu.memref_squeeze %dma_start3A_1154 : memref<1x8x128xf32, #tpu.memory_space<hbm>> -> memref<8x128xf32, #tpu.memory_space<hbm>>
      %dma_start3A_1156 = arith.constant 0 : i32
      %dma_start3A_1157 = arith.constant 0 : i32
      %dma_start3A_1158 = arith.constant 0 : i32
      %dma_start3A_1159 = tpu.memref_slice %arg7[%dma_start3A_1111, %dma_start3A_1156, %dma_start3A_1157, %dma_start3A_1158] : memref<2x4x8x136xf32, #tpu.memory_space<vmem>> -> memref<1x4x8x136xf32, #tpu.memory_space<vmem>>
      %dma_start3A_1160 = tpu.memref_squeeze %dma_start3A_1159 : memref<1x4x8x136xf32, #tpu.memory_space<vmem>> -> memref<4x8x136xf32, #tpu.memory_space<vmem>>
      %dma_start3A_1161 = arith.constant 0 : i32
      %dma_start3A_1162 = arith.constant 0 : i32
      %dma_start3A_1163 = tpu.memref_slice %dma_start3A_1160[%dma_start3A_1112, %dma_start3A_1161, %dma_start3A_1162] : memref<4x8x136xf32, #tpu.memory_space<vmem>> -> memref<1x8x136xf32, #tpu.memory_space<vmem>>
      %dma_start3A_1164 = tpu.memref_squeeze %dma_start3A_1163 : memref<1x8x136xf32, #tpu.memory_space<vmem>> -> memref<8x136xf32, #tpu.memory_space<vmem>>
      %dma_start3A_1165 = arith.constant 0 : i32
      %dma_start3A_1166 = arith.constant 0 : i32
      %dma_start3A_1167 = tpu.memref_slice %dma_start3A_1164[%dma_start3A_1165, %dma_start3A_1166] : memref<8x136xf32, #tpu.memory_space<vmem>> -> memref<8x128xf32, #tpu.memory_space<vmem>>
      tpu.enqueue_dma source(%dma_start3A_1167 : memref<8x128xf32, #tpu.memory_space<vmem>>) target(%dma_start3A_1155 : memref<8x128xf32, #tpu.memory_space<hbm>>) target_semaphore(%arg11 : memref<!tpu.dma_semaphore, #tpu.memory_space<semaphore_mem>>)
      %dma_start3A_1168 = arith.constant 1 : i32
      %dma_start3A_1169 = arith.constant 2 : i32
      %dma_start3A_1170 = arith.constant 2 : i32
      %dma_start3A_1171 = arith.constant 0 : i32
      %dma_start3A_1172 = arith.constant 0 : i32
      %dma_start3A_1173 = arith.constant 0 : i32
      %dma_start3A_1174 = tpu.memref_slice %arg7[%dma_start3A_1168, %dma_start3A_1171, %dma_start3A_1172, %dma_start3A_1173] : memref<2x4x8x136xf32, #tpu.memory_space<vmem>> -> memref<1x4x8x136xf32, #tpu.memory_space<vmem>>
      %dma_start3A_1175 = tpu.memref_squeeze %dma_start3A_1174 : memref<1x4x8x136xf32, #tpu.memory_space<vmem>> -> memref<4x8x136xf32, #tpu.memory_space<vmem>>
      %dma_start3A_1176 = arith.constant 0 : i32
      %dma_start3A_1177 = arith.constant 0 : i32
      %dma_start3A_1178 = tpu.memref_slice %dma_start3A_1175[%dma_start3A_1169, %dma_start3A_1176, %dma_start3A_1177] : memref<4x8x136xf32, #tpu.memory_space<vmem>> -> memref<1x8x136xf32, #tpu.memory_space<vmem>>
      %dma_start3A_1179 = tpu.memref_squeeze %dma_start3A_1178 : memref<1x8x136xf32, #tpu.memory_space<vmem>> -> memref<8x136xf32, #tpu.memory_space<vmem>>
      %dma_start3A_1180 = arith.constant 0 : i32
      %dma_start3A_1181 = arith.constant 0 : i32
      %dma_start3A_1182 = tpu.memref_slice %dma_start3A_1179[%dma_start3A_1180, %dma_start3A_1181] : memref<8x136xf32, #tpu.memory_space<vmem>> -> memref<8x128xf32, #tpu.memory_space<vmem>>
      %dma_start3A_1183 = arith.constant 0 : i32
      %dma_start3A_1184 = arith.constant 0 : i32
      %dma_start3A_1185 = arith.constant 0 : i32
      %dma_start3A_1186 = arith.constant 0 : i32
      %dma_start3A_1187 = tpu.memref_slice %arg4[%select_n3A_1051, %dma_start3A_1183, %dma_start3A_1184, %dma_start3A_1185, %dma_start3A_1186] : memref<26x4x128x8x128xf32, #tpu.memory_space<hbm>> -> memref<1x4x128x8x128xf32, #tpu.memory_space<hbm>>
      %dma_start3A_1188 = tpu.memref_squeeze %dma_start3A_1187 : memref<1x4x128x8x128xf32, #tpu.memory_space<hbm>> -> memref<4x128x8x128xf32, #tpu.memory_space<hbm>>
      %dma_start3A_1189 = arith.constant 0 : i32
      %dma_start3A_1190 = arith.constant 0 : i32
      %dma_start3A_1191 = arith.constant 0 : i32
      %dma_start3A_1192 = tpu.memref_slice %dma_start3A_1188[%dma_start3A_1170, %dma_start3A_1189, %dma_start3A_1190, %dma_start3A_1191] : memref<4x128x8x128xf32, #tpu.memory_space<hbm>> -> memref<1x128x8x128xf32, #tpu.memory_space<hbm>>
      %dma_start3A_1193 = tpu.memref_squeeze %dma_start3A_1192 : memref<1x128x8x128xf32, #tpu.memory_space<hbm>> -> memref<128x8x128xf32, #tpu.memory_space<hbm>>
      %dma_start3A_1194 = arith.constant 0 : i32
      %dma_start3A_1195 = arith.constant 0 : i32
      %dma_start3A_1196 = tpu.memref_slice %dma_start3A_1193[%rem3A_1053, %dma_start3A_1194, %dma_start3A_1195] : memref<128x8x128xf32, #tpu.memory_space<hbm>> -> memref<1x8x128xf32, #tpu.memory_space<hbm>>
      %dma_start3A_1197 = tpu.memref_squeeze %dma_start3A_1196 : memref<1x8x128xf32, #tpu.memory_space<hbm>> -> memref<8x128xf32, #tpu.memory_space<hbm>>
      %dma_start3A_1198 = arith.constant 0 : i32
      %dma_start3A_1199 = arith.constant 0 : i32
      %dma_start3A_1200 = arith.constant 0 : i32
      %dma_start3A_1201 = arith.constant 0 : i32
      %dma_start3A_1202 = tpu.memref_slice %arg4[%select_n3A_1051, %dma_start3A_1198, %dma_start3A_1199, %dma_start3A_1200, %dma_start3A_1201] : memref<26x4x128x8x128xf32, #tpu.memory_space<hbm>> -> memref<1x4x128x8x128xf32, #tpu.memory_space<hbm>>
      %dma_start3A_1203 = tpu.memref_squeeze %dma_start3A_1202 : memref<1x4x128x8x128xf32, #tpu.memory_space<hbm>> -> memref<4x128x8x128xf32, #tpu.memory_space<hbm>>
      %dma_start3A_1204 = arith.constant 0 : i32
      %dma_start3A_1205 = arith.constant 0 : i32
      %dma_start3A_1206 = arith.constant 0 : i32
      %dma_start3A_1207 = tpu.memref_slice %dma_start3A_1203[%dma_start3A_1170, %dma_start3A_1204, %dma_start3A_1205, %dma_start3A_1206] : memref<4x128x8x128xf32, #tpu.memory_space<hbm>> -> memref<1x128x8x128xf32, #tpu.memory_space<hbm>>
      %dma_start3A_1208 = tpu.memref_squeeze %dma_start3A_1207 : memref<1x128x8x128xf32, #tpu.memory_space<hbm>> -> memref<128x8x128xf32, #tpu.memory_space<hbm>>
      %dma_start3A_1209 = arith.constant 0 : i32
      %dma_start3A_1210 = arith.constant 0 : i32
      %dma_start3A_1211 = tpu.memref_slice %dma_start3A_1208[%rem3A_1053, %dma_start3A_1209, %dma_start3A_1210] : memref<128x8x128xf32, #tpu.memory_space<hbm>> -> memref<1x8x128xf32, #tpu.memory_space<hbm>>
      %dma_start3A_1212 = tpu.memref_squeeze %dma_start3A_1211 : memref<1x8x128xf32, #tpu.memory_space<hbm>> -> memref<8x128xf32, #tpu.memory_space<hbm>>
      %dma_start3A_1213 = arith.constant 0 : i32
      %dma_start3A_1214 = arith.constant 0 : i32
      %dma_start3A_1215 = arith.constant 0 : i32
      %dma_start3A_1216 = tpu.memref_slice %arg7[%dma_start3A_1168, %dma_start3A_1213, %dma_start3A_1214, %dma_start3A_1215] : memref<2x4x8x136xf32, #tpu.memory_space<vmem>> -> memref<1x4x8x136xf32, #tpu.memory_space<vmem>>
      %dma_start3A_1217 = tpu.memref_squeeze %dma_start3A_1216 : memref<1x4x8x136xf32, #tpu.memory_space<vmem>> -> memref<4x8x136xf32, #tpu.memory_space<vmem>>
      %dma_start3A_1218 = arith.constant 0 : i32
      %dma_start3A_1219 = arith.constant 0 : i32
      %dma_start3A_1220 = tpu.memref_slice %dma_start3A_1217[%dma_start3A_1169, %dma_start3A_1218, %dma_start3A_1219] : memref<4x8x136xf32, #tpu.memory_space<vmem>> -> memref<1x8x136xf32, #tpu.memory_space<vmem>>
      %dma_start3A_1221 = tpu.memref_squeeze %dma_start3A_1220 : memref<1x8x136xf32, #tpu.memory_space<vmem>> -> memref<8x136xf32, #tpu.memory_space<vmem>>
      %dma_start3A_1222 = arith.constant 0 : i32
      %dma_start3A_1223 = arith.constant 0 : i32
      %dma_start3A_1224 = tpu.memref_slice %dma_start3A_1221[%dma_start3A_1222, %dma_start3A_1223] : memref<8x136xf32, #tpu.memory_space<vmem>> -> memref<8x128xf32, #tpu.memory_space<vmem>>
      tpu.enqueue_dma source(%dma_start3A_1224 : memref<8x128xf32, #tpu.memory_space<vmem>>) target(%dma_start3A_1212 : memref<8x128xf32, #tpu.memory_space<hbm>>) target_semaphore(%arg11 : memref<!tpu.dma_semaphore, #tpu.memory_space<semaphore_mem>>)
      %dma_start3A_1225 = arith.constant 1 : i32
      %dma_start3A_1226 = arith.constant 3 : i32
      %dma_start3A_1227 = arith.constant 3 : i32
      %dma_start3A_1228 = arith.constant 0 : i32
      %dma_start3A_1229 = arith.constant 0 : i32
      %dma_start3A_1230 = arith.constant 0 : i32
      %dma_start3A_1231 = tpu.memref_slice %arg7[%dma_start3A_1225, %dma_start3A_1228, %dma_start3A_1229, %dma_start3A_1230] : memref<2x4x8x136xf32, #tpu.memory_space<vmem>> -> memref<1x4x8x136xf32, #tpu.memory_space<vmem>>
      %dma_start3A_1232 = tpu.memref_squeeze %dma_start3A_1231 : memref<1x4x8x136xf32, #tpu.memory_space<vmem>> -> memref<4x8x136xf32, #tpu.memory_space<vmem>>
      %dma_start3A_1233 = arith.constant 0 : i32
      %dma_start3A_1234 = arith.constant 0 : i32
      %dma_start3A_1235 = tpu.memref_slice %dma_start3A_1232[%dma_start3A_1226, %dma_start3A_1233, %dma_start3A_1234] : memref<4x8x136xf32, #tpu.memory_space<vmem>> -> memref<1x8x136xf32, #tpu.memory_space<vmem>>
      %dma_start3A_1236 = tpu.memref_squeeze %dma_start3A_1235 : memref<1x8x136xf32, #tpu.memory_space<vmem>> -> memref<8x136xf32, #tpu.memory_space<vmem>>
      %dma_start3A_1237 = arith.constant 0 : i32
      %dma_start3A_1238 = arith.constant 0 : i32
      %dma_start3A_1239 = tpu.memref_slice %dma_start3A_1236[%dma_start3A_1237, %dma_start3A_1238] : memref<8x136xf32, #tpu.memory_space<vmem>> -> memref<8x128xf32, #tpu.memory_space<vmem>>
      %dma_start3A_1240 = arith.constant 0 : i32
      %dma_start3A_1241 = arith.constant 0 : i32
      %dma_start3A_1242 = arith.constant 0 : i32
      %dma_start3A_1243 = arith.constant 0 : i32
      %dma_start3A_1244 = tpu.memref_slice %arg4[%select_n3A_1051, %dma_start3A_1240, %dma_start3A_1241, %dma_start3A_1242, %dma_start3A_1243] : memref<26x4x128x8x128xf32, #tpu.memory_space<hbm>> -> memref<1x4x128x8x128xf32, #tpu.memory_space<hbm>>
      %dma_start3A_1245 = tpu.memref_squeeze %dma_start3A_1244 : memref<1x4x128x8x128xf32, #tpu.memory_space<hbm>> -> memref<4x128x8x128xf32, #tpu.memory_space<hbm>>
      %dma_start3A_1246 = arith.constant 0 : i32
      %dma_start3A_1247 = arith.constant 0 : i32
      %dma_start3A_1248 = arith.constant 0 : i32
      %dma_start3A_1249 = tpu.memref_slice %dma_start3A_1245[%dma_start3A_1227, %dma_start3A_1246, %dma_start3A_1247, %dma_start3A_1248] : memref<4x128x8x128xf32, #tpu.memory_space<hbm>> -> memref<1x128x8x128xf32, #tpu.memory_space<hbm>>
      %dma_start3A_1250 = tpu.memref_squeeze %dma_start3A_1249 : memref<1x128x8x128xf32, #tpu.memory_space<hbm>> -> memref<128x8x128xf32, #tpu.memory_space<hbm>>
      %dma_start3A_1251 = arith.constant 0 : i32
      %dma_start3A_1252 = arith.constant 0 : i32
      %dma_start3A_1253 = tpu.memref_slice %dma_start3A_1250[%rem3A_1053, %dma_start3A_1251, %dma_start3A_1252] : memref<128x8x128xf32, #tpu.memory_space<hbm>> -> memref<1x8x128xf32, #tpu.memory_space<hbm>>
      %dma_start3A_1254 = tpu.memref_squeeze %dma_start3A_1253 : memref<1x8x128xf32, #tpu.memory_space<hbm>> -> memref<8x128xf32, #tpu.memory_space<hbm>>
      %dma_start3A_1255 = arith.constant 0 : i32
      %dma_start3A_1256 = arith.constant 0 : i32
      %dma_start3A_1257 = arith.constant 0 : i32
      %dma_start3A_1258 = arith.constant 0 : i32
      %dma_start3A_1259 = tpu.memref_slice %arg4[%select_n3A_1051, %dma_start3A_1255, %dma_start3A_1256, %dma_start3A_1257, %dma_start3A_1258] : memref<26x4x128x8x128xf32, #tpu.memory_space<hbm>> -> memref<1x4x128x8x128xf32, #tpu.memory_space<hbm>>
      %dma_start3A_1260 = tpu.memref_squeeze %dma_start3A_1259 : memref<1x4x128x8x128xf32, #tpu.memory_space<hbm>> -> memref<4x128x8x128xf32, #tpu.memory_space<hbm>>
      %dma_start3A_1261 = arith.constant 0 : i32
      %dma_start3A_1262 = arith.constant 0 : i32
      %dma_start3A_1263 = arith.constant 0 : i32
      %dma_start3A_1264 = tpu.memref_slice %dma_start3A_1260[%dma_start3A_1227, %dma_start3A_1261, %dma_start3A_1262, %dma_start3A_1263] : memref<4x128x8x128xf32, #tpu.memory_space<hbm>> -> memref<1x128x8x128xf32, #tpu.memory_space<hbm>>
      %dma_start3A_1265 = tpu.memref_squeeze %dma_start3A_1264 : memref<1x128x8x128xf32, #tpu.memory_space<hbm>> -> memref<128x8x128xf32, #tpu.memory_space<hbm>>
      %dma_start3A_1266 = arith.constant 0 : i32
      %dma_start3A_1267 = arith.constant 0 : i32
      %dma_start3A_1268 = tpu.memref_slice %dma_start3A_1265[%rem3A_1053, %dma_start3A_1266, %dma_start3A_1267] : memref<128x8x128xf32, #tpu.memory_space<hbm>> -> memref<1x8x128xf32, #tpu.memory_space<hbm>>
      %dma_start3A_1269 = tpu.memref_squeeze %dma_start3A_1268 : memref<1x8x128xf32, #tpu.memory_space<hbm>> -> memref<8x128xf32, #tpu.memory_space<hbm>>
      %dma_start3A_1270 = arith.constant 0 : i32
      %dma_start3A_1271 = arith.constant 0 : i32
      %dma_start3A_1272 = arith.constant 0 : i32
      %dma_start3A_1273 = tpu.memref_slice %arg7[%dma_start3A_1225, %dma_start3A_1270, %dma_start3A_1271, %dma_start3A_1272] : memref<2x4x8x136xf32, #tpu.memory_space<vmem>> -> memref<1x4x8x136xf32, #tpu.memory_space<vmem>>
      %dma_start3A_1274 = tpu.memref_squeeze %dma_start3A_1273 : memref<1x4x8x136xf32, #tpu.memory_space<vmem>> -> memref<4x8x136xf32, #tpu.memory_space<vmem>>
      %dma_start3A_1275 = arith.constant 0 : i32
      %dma_start3A_1276 = arith.constant 0 : i32
      %dma_start3A_1277 = tpu.memref_slice %dma_start3A_1274[%dma_start3A_1226, %dma_start3A_1275, %dma_start3A_1276] : memref<4x8x136xf32, #tpu.memory_space<vmem>> -> memref<1x8x136xf32, #tpu.memory_space<vmem>>
      %dma_start3A_1278 = tpu.memref_squeeze %dma_start3A_1277 : memref<1x8x136xf32, #tpu.memory_space<vmem>> -> memref<8x136xf32, #tpu.memory_space<vmem>>
      %dma_start3A_1279 = arith.constant 0 : i32
      %dma_start3A_1280 = arith.constant 0 : i32
      %dma_start3A_1281 = tpu.memref_slice %dma_start3A_1278[%dma_start3A_1279, %dma_start3A_1280] : memref<8x136xf32, #tpu.memory_space<vmem>> -> memref<8x128xf32, #tpu.memory_space<vmem>>
      tpu.enqueue_dma source(%dma_start3A_1281 : memref<8x128xf32, #tpu.memory_space<vmem>>) target(%dma_start3A_1269 : memref<8x128xf32, #tpu.memory_space<hbm>>) target_semaphore(%arg11 : memref<!tpu.dma_semaphore, #tpu.memory_space<semaphore_mem>>)
    }
    %scan3A_183 = arith.constant 52 : i32
    %sub3A_184 = arith.constant 2 : i32
    %sub3A_185 = arith.subi %add3A_4, %sub3A_184 : i32
    %add3A_186 = arith.constant 0 : i32
    %add3A_187 = arith.addi %sub3A_185, %add3A_186 : i32
    %jit3A_188 = arith.constant 128 : i32
    %div3A_189 = arith.divsi %add3A_187, %jit3A_188 : i32
    %sign3A_190 = arith.constant 0 : i32
    %sign3A_191 = arith.cmpi sgt, %add3A_187, %sign3A_190 : i32
    %sign3A_192 = arith.extui %sign3A_191 : i1 to i32
    %sign3A_193 = arith.constant 0 : i32
    %sign3A_194 = arith.cmpi slt, %add3A_187, %sign3A_193 : i32
    %sign3A_195 = arith.extui %sign3A_194 : i1 to i32
    %sign3A_196 = arith.subi %sign3A_192, %sign3A_195 : i32
    %sign3A_197 = arith.constant 0 : i32
    %sign3A_198 = arith.cmpi sgt, %jit3A_188, %sign3A_197 : i32
    %sign3A_199 = arith.extui %sign3A_198 : i1 to i32
    %sign3A_200 = arith.constant 0 : i32
    %sign3A_201 = arith.cmpi slt, %jit3A_188, %sign3A_200 : i32
    %sign3A_202 = arith.extui %sign3A_201 : i1 to i32
    %sign3A_203 = arith.subi %sign3A_199, %sign3A_202 : i32
    %ne3A_204 = arith.cmpi ne, %sign3A_196, %sign3A_203 : i32
    %rem3A_205 = arith.remsi %add3A_187, %jit3A_188 : i32
    %ne3A_206 = arith.constant 0 : i32
    %ne3A_207 = arith.cmpi ne, %rem3A_205, %ne3A_206 : i32
    %and3A_208 = arith.andi %ne3A_204, %ne3A_207 : i1
    %sub3A_209 = arith.constant 1 : i32
    %sub3A_210 = arith.subi %div3A_189, %sub3A_209 : i32
    %select_n3A_211 = arith.select %and3A_208, %sub3A_210, %div3A_189 : i32
    %rem3A_212 = arith.constant 128 : i32
    %rem3A_213 = arith.remsi %add3A_187, %rem3A_212 : i32
    %dma_wait3A_214 = arith.constant 0 : i32
    %dma_wait3A_215 = arith.constant 0 : i32
    %dma_wait3A_216 = arith.constant 0 : i32
    %dma_wait3A_217 = arith.constant 0 : i32
    %dma_wait3A_218 = arith.constant 0 : i32
    %dma_wait3A_219 = arith.constant 0 : i32
    %dma_wait3A_220 = tpu.memref_slice %arg7[%dma_wait3A_214, %dma_wait3A_217, %dma_wait3A_218, %dma_wait3A_219] : memref<2x4x8x136xf32, #tpu.memory_space<vmem>> -> memref<1x4x8x136xf32, #tpu.memory_space<vmem>>
    %dma_wait3A_221 = tpu.memref_squeeze %dma_wait3A_220 : memref<1x4x8x136xf32, #tpu.memory_space<vmem>> -> memref<4x8x136xf32, #tpu.memory_space<vmem>>
    %dma_wait3A_222 = arith.constant 0 : i32
    %dma_wait3A_223 = arith.constant 0 : i32
    %dma_wait3A_224 = tpu.memref_slice %dma_wait3A_221[%dma_wait3A_215, %dma_wait3A_222, %dma_wait3A_223] : memref<4x8x136xf32, #tpu.memory_space<vmem>> -> memref<1x8x136xf32, #tpu.memory_space<vmem>>
    %dma_wait3A_225 = tpu.memref_squeeze %dma_wait3A_224 : memref<1x8x136xf32, #tpu.memory_space<vmem>> -> memref<8x136xf32, #tpu.memory_space<vmem>>
    %dma_wait3A_226 = arith.constant 0 : i32
    %dma_wait3A_227 = arith.constant 0 : i32
    %dma_wait3A_228 = tpu.memref_slice %dma_wait3A_225[%dma_wait3A_226, %dma_wait3A_227] : memref<8x136xf32, #tpu.memory_space<vmem>> -> memref<8x128xf32, #tpu.memory_space<vmem>>
    %dma_wait3A_229 = arith.constant 0 : i32
    %dma_wait3A_230 = arith.constant 0 : i32
    %dma_wait3A_231 = arith.constant 0 : i32
    %dma_wait3A_232 = arith.constant 0 : i32
    %dma_wait3A_233 = tpu.memref_slice %arg4[%select_n3A_211, %dma_wait3A_229, %dma_wait3A_230, %dma_wait3A_231, %dma_wait3A_232] : memref<26x4x128x8x128xf32, #tpu.memory_space<hbm>> -> memref<1x4x128x8x128xf32, #tpu.memory_space<hbm>>
    %dma_wait3A_234 = tpu.memref_squeeze %dma_wait3A_233 : memref<1x4x128x8x128xf32, #tpu.memory_space<hbm>> -> memref<4x128x8x128xf32, #tpu.memory_space<hbm>>
    %dma_wait3A_235 = arith.constant 0 : i32
    %dma_wait3A_236 = arith.constant 0 : i32
    %dma_wait3A_237 = arith.constant 0 : i32
    %dma_wait3A_238 = tpu.memref_slice %dma_wait3A_234[%dma_wait3A_216, %dma_wait3A_235, %dma_wait3A_236, %dma_wait3A_237] : memref<4x128x8x128xf32, #tpu.memory_space<hbm>> -> memref<1x128x8x128xf32, #tpu.memory_space<hbm>>
    %dma_wait3A_239 = tpu.memref_squeeze %dma_wait3A_238 : memref<1x128x8x128xf32, #tpu.memory_space<hbm>> -> memref<128x8x128xf32, #tpu.memory_space<hbm>>
    %dma_wait3A_240 = arith.constant 0 : i32
    %dma_wait3A_241 = arith.constant 0 : i32
    %dma_wait3A_242 = tpu.memref_slice %dma_wait3A_239[%rem3A_213, %dma_wait3A_240, %dma_wait3A_241] : memref<128x8x128xf32, #tpu.memory_space<hbm>> -> memref<1x8x128xf32, #tpu.memory_space<hbm>>
    %dma_wait3A_243 = tpu.memref_squeeze %dma_wait3A_242 : memref<1x8x128xf32, #tpu.memory_space<hbm>> -> memref<8x128xf32, #tpu.memory_space<hbm>>
    %dma_wait3A_244 = arith.constant 0 : i32
    %dma_wait3A_245 = arith.constant 0 : i32
    %dma_wait3A_246 = arith.constant 0 : i32
    %dma_wait3A_247 = arith.constant 0 : i32
    %dma_wait3A_248 = tpu.memref_slice %arg4[%select_n3A_211, %dma_wait3A_244, %dma_wait3A_245, %dma_wait3A_246, %dma_wait3A_247] : memref<26x4x128x8x128xf32, #tpu.memory_space<hbm>> -> memref<1x4x128x8x128xf32, #tpu.memory_space<hbm>>
    %dma_wait3A_249 = tpu.memref_squeeze %dma_wait3A_248 : memref<1x4x128x8x128xf32, #tpu.memory_space<hbm>> -> memref<4x128x8x128xf32, #tpu.memory_space<hbm>>
    %dma_wait3A_250 = arith.constant 0 : i32
    %dma_wait3A_251 = arith.constant 0 : i32
    %dma_wait3A_252 = arith.constant 0 : i32
    %dma_wait3A_253 = tpu.memref_slice %dma_wait3A_249[%dma_wait3A_216, %dma_wait3A_250, %dma_wait3A_251, %dma_wait3A_252] : memref<4x128x8x128xf32, #tpu.memory_space<hbm>> -> memref<1x128x8x128xf32, #tpu.memory_space<hbm>>
    %dma_wait3A_254 = tpu.memref_squeeze %dma_wait3A_253 : memref<1x128x8x128xf32, #tpu.memory_space<hbm>> -> memref<128x8x128xf32, #tpu.memory_space<hbm>>
    %dma_wait3A_255 = arith.constant 0 : i32
    %dma_wait3A_256 = arith.constant 0 : i32
    %dma_wait3A_257 = tpu.memref_slice %dma_wait3A_254[%rem3A_213, %dma_wait3A_255, %dma_wait3A_256] : memref<128x8x128xf32, #tpu.memory_space<hbm>> -> memref<1x8x128xf32, #tpu.memory_space<hbm>>
    %dma_wait3A_258 = tpu.memref_squeeze %dma_wait3A_257 : memref<1x8x128xf32, #tpu.memory_space<hbm>> -> memref<8x128xf32, #tpu.memory_space<hbm>>
    %dma_wait3A_259 = arith.constant 0 : i32
    %dma_wait3A_260 = arith.constant 0 : i32
    %dma_wait3A_261 = arith.constant 0 : i32
    %dma_wait3A_262 = tpu.memref_slice %arg7[%dma_wait3A_214, %dma_wait3A_259, %dma_wait3A_260, %dma_wait3A_261] : memref<2x4x8x136xf32, #tpu.memory_space<vmem>> -> memref<1x4x8x136xf32, #tpu.memory_space<vmem>>
    %dma_wait3A_263 = tpu.memref_squeeze %dma_wait3A_262 : memref<1x4x8x136xf32, #tpu.memory_space<vmem>> -> memref<4x8x136xf32, #tpu.memory_space<vmem>>
    %dma_wait3A_264 = arith.constant 0 : i32
    %dma_wait3A_265 = arith.constant 0 : i32
    %dma_wait3A_266 = tpu.memref_slice %dma_wait3A_263[%dma_wait3A_215, %dma_wait3A_264, %dma_wait3A_265] : memref<4x8x136xf32, #tpu.memory_space<vmem>> -> memref<1x8x136xf32, #tpu.memory_space<vmem>>
    %dma_wait3A_267 = tpu.memref_squeeze %dma_wait3A_266 : memref<1x8x136xf32, #tpu.memory_space<vmem>> -> memref<8x136xf32, #tpu.memory_space<vmem>>
    %dma_wait3A_268 = arith.constant 0 : i32
    %dma_wait3A_269 = arith.constant 0 : i32
    %dma_wait3A_270 = tpu.memref_slice %dma_wait3A_267[%dma_wait3A_268, %dma_wait3A_269] : memref<8x136xf32, #tpu.memory_space<vmem>> -> memref<8x128xf32, #tpu.memory_space<vmem>>
    tpu.wait_dma2 semaphore(%arg10 : memref<!tpu.dma_semaphore, #tpu.memory_space<semaphore_mem>>) src(%dma_wait3A_270 : memref<8x128xf32, #tpu.memory_space<vmem>>) dst(%dma_wait3A_258 : memref<8x128xf32, #tpu.memory_space<hbm>>)
    %dma_wait3A_271 = arith.constant 0 : i32
    %dma_wait3A_272 = arith.constant 1 : i32
    %dma_wait3A_273 = arith.constant 1 : i32
    %dma_wait3A_274 = arith.constant 0 : i32
    %dma_wait3A_275 = arith.constant 0 : i32
    %dma_wait3A_276 = arith.constant 0 : i32
    %dma_wait3A_277 = tpu.memref_slice %arg7[%dma_wait3A_271, %dma_wait3A_274, %dma_wait3A_275, %dma_wait3A_276] : memref<2x4x8x136xf32, #tpu.memory_space<vmem>> -> memref<1x4x8x136xf32, #tpu.memory_space<vmem>>
    %dma_wait3A_278 = tpu.memref_squeeze %dma_wait3A_277 : memref<1x4x8x136xf32, #tpu.memory_space<vmem>> -> memref<4x8x136xf32, #tpu.memory_space<vmem>>
    %dma_wait3A_279 = arith.constant 0 : i32
    %dma_wait3A_280 = arith.constant 0 : i32
    %dma_wait3A_281 = tpu.memref_slice %dma_wait3A_278[%dma_wait3A_272, %dma_wait3A_279, %dma_wait3A_280] : memref<4x8x136xf32, #tpu.memory_space<vmem>> -> memref<1x8x136xf32, #tpu.memory_space<vmem>>
    %dma_wait3A_282 = tpu.memref_squeeze %dma_wait3A_281 : memref<1x8x136xf32, #tpu.memory_space<vmem>> -> memref<8x136xf32, #tpu.memory_space<vmem>>
    %dma_wait3A_283 = arith.constant 0 : i32
    %dma_wait3A_284 = arith.constant 0 : i32
    %dma_wait3A_285 = tpu.memref_slice %dma_wait3A_282[%dma_wait3A_283, %dma_wait3A_284] : memref<8x136xf32, #tpu.memory_space<vmem>> -> memref<8x128xf32, #tpu.memory_space<vmem>>
    %dma_wait3A_286 = arith.constant 0 : i32
    %dma_wait3A_287 = arith.constant 0 : i32
    %dma_wait3A_288 = arith.constant 0 : i32
    %dma_wait3A_289 = arith.constant 0 : i32
    %dma_wait3A_290 = tpu.memref_slice %arg4[%select_n3A_211, %dma_wait3A_286, %dma_wait3A_287, %dma_wait3A_288, %dma_wait3A_289] : memref<26x4x128x8x128xf32, #tpu.memory_space<hbm>> -> memref<1x4x128x8x128xf32, #tpu.memory_space<hbm>>
    %dma_wait3A_291 = tpu.memref_squeeze %dma_wait3A_290 : memref<1x4x128x8x128xf32, #tpu.memory_space<hbm>> -> memref<4x128x8x128xf32, #tpu.memory_space<hbm>>
    %dma_wait3A_292 = arith.constant 0 : i32
    %dma_wait3A_293 = arith.constant 0 : i32
    %dma_wait3A_294 = arith.constant 0 : i32
    %dma_wait3A_295 = tpu.memref_slice %dma_wait3A_291[%dma_wait3A_273, %dma_wait3A_292, %dma_wait3A_293, %dma_wait3A_294] : memref<4x128x8x128xf32, #tpu.memory_space<hbm>> -> memref<1x128x8x128xf32, #tpu.memory_space<hbm>>
    %dma_wait3A_296 = tpu.memref_squeeze %dma_wait3A_295 : memref<1x128x8x128xf32, #tpu.memory_space<hbm>> -> memref<128x8x128xf32, #tpu.memory_space<hbm>>
    %dma_wait3A_297 = arith.constant 0 : i32
    %dma_wait3A_298 = arith.constant 0 : i32
    %dma_wait3A_299 = tpu.memref_slice %dma_wait3A_296[%rem3A_213, %dma_wait3A_297, %dma_wait3A_298] : memref<128x8x128xf32, #tpu.memory_space<hbm>> -> memref<1x8x128xf32, #tpu.memory_space<hbm>>
    %dma_wait3A_300 = tpu.memref_squeeze %dma_wait3A_299 : memref<1x8x128xf32, #tpu.memory_space<hbm>> -> memref<8x128xf32, #tpu.memory_space<hbm>>
    %dma_wait3A_301 = arith.constant 0 : i32
    %dma_wait3A_302 = arith.constant 0 : i32
    %dma_wait3A_303 = arith.constant 0 : i32
    %dma_wait3A_304 = arith.constant 0 : i32
    %dma_wait3A_305 = tpu.memref_slice %arg4[%select_n3A_211, %dma_wait3A_301, %dma_wait3A_302, %dma_wait3A_303, %dma_wait3A_304] : memref<26x4x128x8x128xf32, #tpu.memory_space<hbm>> -> memref<1x4x128x8x128xf32, #tpu.memory_space<hbm>>
    %dma_wait3A_306 = tpu.memref_squeeze %dma_wait3A_305 : memref<1x4x128x8x128xf32, #tpu.memory_space<hbm>> -> memref<4x128x8x128xf32, #tpu.memory_space<hbm>>
    %dma_wait3A_307 = arith.constant 0 : i32
    %dma_wait3A_308 = arith.constant 0 : i32
    %dma_wait3A_309 = arith.constant 0 : i32
    %dma_wait3A_310 = tpu.memref_slice %dma_wait3A_306[%dma_wait3A_273, %dma_wait3A_307, %dma_wait3A_308, %dma_wait3A_309] : memref<4x128x8x128xf32, #tpu.memory_space<hbm>> -> memref<1x128x8x128xf32, #tpu.memory_space<hbm>>
    %dma_wait3A_311 = tpu.memref_squeeze %dma_wait3A_310 : memref<1x128x8x128xf32, #tpu.memory_space<hbm>> -> memref<128x8x128xf32, #tpu.memory_space<hbm>>
    %dma_wait3A_312 = arith.constant 0 : i32
    %dma_wait3A_313 = arith.constant 0 : i32
    %dma_wait3A_314 = tpu.memref_slice %dma_wait3A_311[%rem3A_213, %dma_wait3A_312, %dma_wait3A_313] : memref<128x8x128xf32, #tpu.memory_space<hbm>> -> memref<1x8x128xf32, #tpu.memory_space<hbm>>
    %dma_wait3A_315 = tpu.memref_squeeze %dma_wait3A_314 : memref<1x8x128xf32, #tpu.memory_space<hbm>> -> memref<8x128xf32, #tpu.memory_space<hbm>>
    %dma_wait3A_316 = arith.constant 0 : i32
    %dma_wait3A_317 = arith.constant 0 : i32
    %dma_wait3A_318 = arith.constant 0 : i32
    %dma_wait3A_319 = tpu.memref_slice %arg7[%dma_wait3A_271, %dma_wait3A_316, %dma_wait3A_317, %dma_wait3A_318] : memref<2x4x8x136xf32, #tpu.memory_space<vmem>> -> memref<1x4x8x136xf32, #tpu.memory_space<vmem>>
    %dma_wait3A_320 = tpu.memref_squeeze %dma_wait3A_319 : memref<1x4x8x136xf32, #tpu.memory_space<vmem>> -> memref<4x8x136xf32, #tpu.memory_space<vmem>>
    %dma_wait3A_321 = arith.constant 0 : i32
    %dma_wait3A_322 = arith.constant 0 : i32
    %dma_wait3A_323 = tpu.memref_slice %dma_wait3A_320[%dma_wait3A_272, %dma_wait3A_321, %dma_wait3A_322] : memref<4x8x136xf32, #tpu.memory_space<vmem>> -> memref<1x8x136xf32, #tpu.memory_space<vmem>>
    %dma_wait3A_324 = tpu.memref_squeeze %dma_wait3A_323 : memref<1x8x136xf32, #tpu.memory_space<vmem>> -> memref<8x136xf32, #tpu.memory_space<vmem>>
    %dma_wait3A_325 = arith.constant 0 : i32
    %dma_wait3A_326 = arith.constant 0 : i32
    %dma_wait3A_327 = tpu.memref_slice %dma_wait3A_324[%dma_wait3A_325, %dma_wait3A_326] : memref<8x136xf32, #tpu.memory_space<vmem>> -> memref<8x128xf32, #tpu.memory_space<vmem>>
    tpu.wait_dma2 semaphore(%arg10 : memref<!tpu.dma_semaphore, #tpu.memory_space<semaphore_mem>>) src(%dma_wait3A_327 : memref<8x128xf32, #tpu.memory_space<vmem>>) dst(%dma_wait3A_315 : memref<8x128xf32, #tpu.memory_space<hbm>>)
    %dma_wait3A_328 = arith.constant 0 : i32
    %dma_wait3A_329 = arith.constant 2 : i32
    %dma_wait3A_330 = arith.constant 2 : i32
    %dma_wait3A_331 = arith.constant 0 : i32
    %dma_wait3A_332 = arith.constant 0 : i32
    %dma_wait3A_333 = arith.constant 0 : i32
    %dma_wait3A_334 = tpu.memref_slice %arg7[%dma_wait3A_328, %dma_wait3A_331, %dma_wait3A_332, %dma_wait3A_333] : memref<2x4x8x136xf32, #tpu.memory_space<vmem>> -> memref<1x4x8x136xf32, #tpu.memory_space<vmem>>
    %dma_wait3A_335 = tpu.memref_squeeze %dma_wait3A_334 : memref<1x4x8x136xf32, #tpu.memory_space<vmem>> -> memref<4x8x136xf32, #tpu.memory_space<vmem>>
    %dma_wait3A_336 = arith.constant 0 : i32
    %dma_wait3A_337 = arith.constant 0 : i32
    %dma_wait3A_338 = tpu.memref_slice %dma_wait3A_335[%dma_wait3A_329, %dma_wait3A_336, %dma_wait3A_337] : memref<4x8x136xf32, #tpu.memory_space<vmem>> -> memref<1x8x136xf32, #tpu.memory_space<vmem>>
    %dma_wait3A_339 = tpu.memref_squeeze %dma_wait3A_338 : memref<1x8x136xf32, #tpu.memory_space<vmem>> -> memref<8x136xf32, #tpu.memory_space<vmem>>
    %dma_wait3A_340 = arith.constant 0 : i32
    %dma_wait3A_341 = arith.constant 0 : i32
    %dma_wait3A_342 = tpu.memref_slice %dma_wait3A_339[%dma_wait3A_340, %dma_wait3A_341] : memref<8x136xf32, #tpu.memory_space<vmem>> -> memref<8x128xf32, #tpu.memory_space<vmem>>
    %dma_wait3A_343 = arith.constant 0 : i32
    %dma_wait3A_344 = arith.constant 0 : i32
    %dma_wait3A_345 = arith.constant 0 : i32
    %dma_wait3A_346 = arith.constant 0 : i32
    %dma_wait3A_347 = tpu.memref_slice %arg4[%select_n3A_211, %dma_wait3A_343, %dma_wait3A_344, %dma_wait3A_345, %dma_wait3A_346] : memref<26x4x128x8x128xf32, #tpu.memory_space<hbm>> -> memref<1x4x128x8x128xf32, #tpu.memory_space<hbm>>
    %dma_wait3A_348 = tpu.memref_squeeze %dma_wait3A_347 : memref<1x4x128x8x128xf32, #tpu.memory_space<hbm>> -> memref<4x128x8x128xf32, #tpu.memory_space<hbm>>
    %dma_wait3A_349 = arith.constant 0 : i32
    %dma_wait3A_350 = arith.constant 0 : i32
    %dma_wait3A_351 = arith.constant 0 : i32
    %dma_wait3A_352 = tpu.memref_slice %dma_wait3A_348[%dma_wait3A_330, %dma_wait3A_349, %dma_wait3A_350, %dma_wait3A_351] : memref<4x128x8x128xf32, #tpu.memory_space<hbm>> -> memref<1x128x8x128xf32, #tpu.memory_space<hbm>>
    %dma_wait3A_353 = tpu.memref_squeeze %dma_wait3A_352 : memref<1x128x8x128xf32, #tpu.memory_space<hbm>> -> memref<128x8x128xf32, #tpu.memory_space<hbm>>
    %dma_wait3A_354 = arith.constant 0 : i32
    %dma_wait3A_355 = arith.constant 0 : i32
    %dma_wait3A_356 = tpu.memref_slice %dma_wait3A_353[%rem3A_213, %dma_wait3A_354, %dma_wait3A_355] : memref<128x8x128xf32, #tpu.memory_space<hbm>> -> memref<1x8x128xf32, #tpu.memory_space<hbm>>
    %dma_wait3A_357 = tpu.memref_squeeze %dma_wait3A_356 : memref<1x8x128xf32, #tpu.memory_space<hbm>> -> memref<8x128xf32, #tpu.memory_space<hbm>>
    %dma_wait3A_358 = arith.constant 0 : i32
    %dma_wait3A_359 = arith.constant 0 : i32
    %dma_wait3A_360 = arith.constant 0 : i32
    %dma_wait3A_361 = arith.constant 0 : i32
    %dma_wait3A_362 = tpu.memref_slice %arg4[%select_n3A_211, %dma_wait3A_358, %dma_wait3A_359, %dma_wait3A_360, %dma_wait3A_361] : memref<26x4x128x8x128xf32, #tpu.memory_space<hbm>> -> memref<1x4x128x8x128xf32, #tpu.memory_space<hbm>>
    %dma_wait3A_363 = tpu.memref_squeeze %dma_wait3A_362 : memref<1x4x128x8x128xf32, #tpu.memory_space<hbm>> -> memref<4x128x8x128xf32, #tpu.memory_space<hbm>>
    %dma_wait3A_364 = arith.constant 0 : i32
    %dma_wait3A_365 = arith.constant 0 : i32
    %dma_wait3A_366 = arith.constant 0 : i32
    %dma_wait3A_367 = tpu.memref_slice %dma_wait3A_363[%dma_wait3A_330, %dma_wait3A_364, %dma_wait3A_365, %dma_wait3A_366] : memref<4x128x8x128xf32, #tpu.memory_space<hbm>> -> memref<1x128x8x128xf32, #tpu.memory_space<hbm>>
    %dma_wait3A_368 = tpu.memref_squeeze %dma_wait3A_367 : memref<1x128x8x128xf32, #tpu.memory_space<hbm>> -> memref<128x8x128xf32, #tpu.memory_space<hbm>>
    %dma_wait3A_369 = arith.constant 0 : i32
    %dma_wait3A_370 = arith.constant 0 : i32
    %dma_wait3A_371 = tpu.memref_slice %dma_wait3A_368[%rem3A_213, %dma_wait3A_369, %dma_wait3A_370] : memref<128x8x128xf32, #tpu.memory_space<hbm>> -> memref<1x8x128xf32, #tpu.memory_space<hbm>>
    %dma_wait3A_372 = tpu.memref_squeeze %dma_wait3A_371 : memref<1x8x128xf32, #tpu.memory_space<hbm>> -> memref<8x128xf32, #tpu.memory_space<hbm>>
    %dma_wait3A_373 = arith.constant 0 : i32
    %dma_wait3A_374 = arith.constant 0 : i32
    %dma_wait3A_375 = arith.constant 0 : i32
    %dma_wait3A_376 = tpu.memref_slice %arg7[%dma_wait3A_328, %dma_wait3A_373, %dma_wait3A_374, %dma_wait3A_375] : memref<2x4x8x136xf32, #tpu.memory_space<vmem>> -> memref<1x4x8x136xf32, #tpu.memory_space<vmem>>
    %dma_wait3A_377 = tpu.memref_squeeze %dma_wait3A_376 : memref<1x4x8x136xf32, #tpu.memory_space<vmem>> -> memref<4x8x136xf32, #tpu.memory_space<vmem>>
    %dma_wait3A_378 = arith.constant 0 : i32
    %dma_wait3A_379 = arith.constant 0 : i32
    %dma_wait3A_380 = tpu.memref_slice %dma_wait3A_377[%dma_wait3A_329, %dma_wait3A_378, %dma_wait3A_379] : memref<4x8x136xf32, #tpu.memory_space<vmem>> -> memref<1x8x136xf32, #tpu.memory_space<vmem>>
    %dma_wait3A_381 = tpu.memref_squeeze %dma_wait3A_380 : memref<1x8x136xf32, #tpu.memory_space<vmem>> -> memref<8x136xf32, #tpu.memory_space<vmem>>
    %dma_wait3A_382 = arith.constant 0 : i32
    %dma_wait3A_383 = arith.constant 0 : i32
    %dma_wait3A_384 = tpu.memref_slice %dma_wait3A_381[%dma_wait3A_382, %dma_wait3A_383] : memref<8x136xf32, #tpu.memory_space<vmem>> -> memref<8x128xf32, #tpu.memory_space<vmem>>
    tpu.wait_dma2 semaphore(%arg10 : memref<!tpu.dma_semaphore, #tpu.memory_space<semaphore_mem>>) src(%dma_wait3A_384 : memref<8x128xf32, #tpu.memory_space<vmem>>) dst(%dma_wait3A_372 : memref<8x128xf32, #tpu.memory_space<hbm>>)
    %dma_wait3A_385 = arith.constant 0 : i32
    %dma_wait3A_386 = arith.constant 3 : i32
    %dma_wait3A_387 = arith.constant 3 : i32
    %dma_wait3A_388 = arith.constant 0 : i32
    %dma_wait3A_389 = arith.constant 0 : i32
    %dma_wait3A_390 = arith.constant 0 : i32
    %dma_wait3A_391 = tpu.memref_slice %arg7[%dma_wait3A_385, %dma_wait3A_388, %dma_wait3A_389, %dma_wait3A_390] : memref<2x4x8x136xf32, #tpu.memory_space<vmem>> -> memref<1x4x8x136xf32, #tpu.memory_space<vmem>>
    %dma_wait3A_392 = tpu.memref_squeeze %dma_wait3A_391 : memref<1x4x8x136xf32, #tpu.memory_space<vmem>> -> memref<4x8x136xf32, #tpu.memory_space<vmem>>
    %dma_wait3A_393 = arith.constant 0 : i32
    %dma_wait3A_394 = arith.constant 0 : i32
    %dma_wait3A_395 = tpu.memref_slice %dma_wait3A_392[%dma_wait3A_386, %dma_wait3A_393, %dma_wait3A_394] : memref<4x8x136xf32, #tpu.memory_space<vmem>> -> memref<1x8x136xf32, #tpu.memory_space<vmem>>
    %dma_wait3A_396 = tpu.memref_squeeze %dma_wait3A_395 : memref<1x8x136xf32, #tpu.memory_space<vmem>> -> memref<8x136xf32, #tpu.memory_space<vmem>>
    %dma_wait3A_397 = arith.constant 0 : i32
    %dma_wait3A_398 = arith.constant 0 : i32
    %dma_wait3A_399 = tpu.memref_slice %dma_wait3A_396[%dma_wait3A_397, %dma_wait3A_398] : memref<8x136xf32, #tpu.memory_space<vmem>> -> memref<8x128xf32, #tpu.memory_space<vmem>>
    %dma_wait3A_400 = arith.constant 0 : i32
    %dma_wait3A_401 = arith.constant 0 : i32
    %dma_wait3A_402 = arith.constant 0 : i32
    %dma_wait3A_403 = arith.constant 0 : i32
    %dma_wait3A_404 = tpu.memref_slice %arg4[%select_n3A_211, %dma_wait3A_400, %dma_wait3A_401, %dma_wait3A_402, %dma_wait3A_403] : memref<26x4x128x8x128xf32, #tpu.memory_space<hbm>> -> memref<1x4x128x8x128xf32, #tpu.memory_space<hbm>>
    %dma_wait3A_405 = tpu.memref_squeeze %dma_wait3A_404 : memref<1x4x128x8x128xf32, #tpu.memory_space<hbm>> -> memref<4x128x8x128xf32, #tpu.memory_space<hbm>>
    %dma_wait3A_406 = arith.constant 0 : i32
    %dma_wait3A_407 = arith.constant 0 : i32
    %dma_wait3A_408 = arith.constant 0 : i32
    %dma_wait3A_409 = tpu.memref_slice %dma_wait3A_405[%dma_wait3A_387, %dma_wait3A_406, %dma_wait3A_407, %dma_wait3A_408] : memref<4x128x8x128xf32, #tpu.memory_space<hbm>> -> memref<1x128x8x128xf32, #tpu.memory_space<hbm>>
    %dma_wait3A_410 = tpu.memref_squeeze %dma_wait3A_409 : memref<1x128x8x128xf32, #tpu.memory_space<hbm>> -> memref<128x8x128xf32, #tpu.memory_space<hbm>>
    %dma_wait3A_411 = arith.constant 0 : i32
    %dma_wait3A_412 = arith.constant 0 : i32
    %dma_wait3A_413 = tpu.memref_slice %dma_wait3A_410[%rem3A_213, %dma_wait3A_411, %dma_wait3A_412] : memref<128x8x128xf32, #tpu.memory_space<hbm>> -> memref<1x8x128xf32, #tpu.memory_space<hbm>>
    %dma_wait3A_414 = tpu.memref_squeeze %dma_wait3A_413 : memref<1x8x128xf32, #tpu.memory_space<hbm>> -> memref<8x128xf32, #tpu.memory_space<hbm>>
    %dma_wait3A_415 = arith.constant 0 : i32
    %dma_wait3A_416 = arith.constant 0 : i32
    %dma_wait3A_417 = arith.constant 0 : i32
    %dma_wait3A_418 = arith.constant 0 : i32
    %dma_wait3A_419 = tpu.memref_slice %arg4[%select_n3A_211, %dma_wait3A_415, %dma_wait3A_416, %dma_wait3A_417, %dma_wait3A_418] : memref<26x4x128x8x128xf32, #tpu.memory_space<hbm>> -> memref<1x4x128x8x128xf32, #tpu.memory_space<hbm>>
    %dma_wait3A_420 = tpu.memref_squeeze %dma_wait3A_419 : memref<1x4x128x8x128xf32, #tpu.memory_space<hbm>> -> memref<4x128x8x128xf32, #tpu.memory_space<hbm>>
    %dma_wait3A_421 = arith.constant 0 : i32
    %dma_wait3A_422 = arith.constant 0 : i32
    %dma_wait3A_423 = arith.constant 0 : i32
    %dma_wait3A_424 = tpu.memref_slice %dma_wait3A_420[%dma_wait3A_387, %dma_wait3A_421, %dma_wait3A_422, %dma_wait3A_423] : memref<4x128x8x128xf32, #tpu.memory_space<hbm>> -> memref<1x128x8x128xf32, #tpu.memory_space<hbm>>
    %dma_wait3A_425 = tpu.memref_squeeze %dma_wait3A_424 : memref<1x128x8x128xf32, #tpu.memory_space<hbm>> -> memref<128x8x128xf32, #tpu.memory_space<hbm>>
    %dma_wait3A_426 = arith.constant 0 : i32
    %dma_wait3A_427 = arith.constant 0 : i32
    %dma_wait3A_428 = tpu.memref_slice %dma_wait3A_425[%rem3A_213, %dma_wait3A_426, %dma_wait3A_427] : memref<128x8x128xf32, #tpu.memory_space<hbm>> -> memref<1x8x128xf32, #tpu.memory_space<hbm>>
    %dma_wait3A_429 = tpu.memref_squeeze %dma_wait3A_428 : memref<1x8x128xf32, #tpu.memory_space<hbm>> -> memref<8x128xf32, #tpu.memory_space<hbm>>
    %dma_wait3A_430 = arith.constant 0 : i32
    %dma_wait3A_431 = arith.constant 0 : i32
    %dma_wait3A_432 = arith.constant 0 : i32
    %dma_wait3A_433 = tpu.memref_slice %arg7[%dma_wait3A_385, %dma_wait3A_430, %dma_wait3A_431, %dma_wait3A_432] : memref<2x4x8x136xf32, #tpu.memory_space<vmem>> -> memref<1x4x8x136xf32, #tpu.memory_space<vmem>>
    %dma_wait3A_434 = tpu.memref_squeeze %dma_wait3A_433 : memref<1x4x8x136xf32, #tpu.memory_space<vmem>> -> memref<4x8x136xf32, #tpu.memory_space<vmem>>
    %dma_wait3A_435 = arith.constant 0 : i32
    %dma_wait3A_436 = arith.constant 0 : i32
    %dma_wait3A_437 = tpu.memref_slice %dma_wait3A_434[%dma_wait3A_386, %dma_wait3A_435, %dma_wait3A_436] : memref<4x8x136xf32, #tpu.memory_space<vmem>> -> memref<1x8x136xf32, #tpu.memory_space<vmem>>
    %dma_wait3A_438 = tpu.memref_squeeze %dma_wait3A_437 : memref<1x8x136xf32, #tpu.memory_space<vmem>> -> memref<8x136xf32, #tpu.memory_space<vmem>>
    %dma_wait3A_439 = arith.constant 0 : i32
    %dma_wait3A_440 = arith.constant 0 : i32
    %dma_wait3A_441 = tpu.memref_slice %dma_wait3A_438[%dma_wait3A_439, %dma_wait3A_440] : memref<8x136xf32, #tpu.memory_space<vmem>> -> memref<8x128xf32, #tpu.memory_space<vmem>>
    tpu.wait_dma2 semaphore(%arg10 : memref<!tpu.dma_semaphore, #tpu.memory_space<semaphore_mem>>) src(%dma_wait3A_441 : memref<8x128xf32, #tpu.memory_space<vmem>>) dst(%dma_wait3A_429 : memref<8x128xf32, #tpu.memory_space<hbm>>)
    %sub3A_442 = arith.constant 2 : i32
    %sub3A_443 = arith.subi %add3A_4, %sub3A_442 : i32
    %add3A_444 = arith.constant 1 : i32
    %add3A_445 = arith.addi %sub3A_443, %add3A_444 : i32
    %jit3A_446 = arith.constant 128 : i32
    %div3A_447 = arith.divsi %add3A_445, %jit3A_446 : i32
    %sign3A_448 = arith.constant 0 : i32
    %sign3A_449 = arith.cmpi sgt, %add3A_445, %sign3A_448 : i32
    %sign3A_450 = arith.extui %sign3A_449 : i1 to i32
    %sign3A_451 = arith.constant 0 : i32
    %sign3A_452 = arith.cmpi slt, %add3A_445, %sign3A_451 : i32
    %sign3A_453 = arith.extui %sign3A_452 : i1 to i32
    %sign3A_454 = arith.subi %sign3A_450, %sign3A_453 : i32
    %sign3A_455 = arith.constant 0 : i32
    %sign3A_456 = arith.cmpi sgt, %jit3A_446, %sign3A_455 : i32
    %sign3A_457 = arith.extui %sign3A_456 : i1 to i32
    %sign3A_458 = arith.constant 0 : i32
    %sign3A_459 = arith.cmpi slt, %jit3A_446, %sign3A_458 : i32
    %sign3A_460 = arith.extui %sign3A_459 : i1 to i32
    %sign3A_461 = arith.subi %sign3A_457, %sign3A_460 : i32
    %ne3A_462 = arith.cmpi ne, %sign3A_454, %sign3A_461 : i32
    %rem3A_463 = arith.remsi %add3A_445, %jit3A_446 : i32
    %ne3A_464 = arith.constant 0 : i32
    %ne3A_465 = arith.cmpi ne, %rem3A_463, %ne3A_464 : i32
    %and3A_466 = arith.andi %ne3A_462, %ne3A_465 : i1
    %sub3A_467 = arith.constant 1 : i32
    %sub3A_468 = arith.subi %div3A_447, %sub3A_467 : i32
    %select_n3A_469 = arith.select %and3A_466, %sub3A_468, %div3A_447 : i32
    %rem3A_470 = arith.constant 128 : i32
    %rem3A_471 = arith.remsi %add3A_445, %rem3A_470 : i32
    %dma_wait3A_472 = arith.constant 1 : i32
    %dma_wait3A_473 = arith.constant 0 : i32
    %dma_wait3A_474 = arith.constant 0 : i32
    %dma_wait3A_475 = arith.constant 0 : i32
    %dma_wait3A_476 = arith.constant 0 : i32
    %dma_wait3A_477 = arith.constant 0 : i32
    %dma_wait3A_478 = tpu.memref_slice %arg7[%dma_wait3A_472, %dma_wait3A_475, %dma_wait3A_476, %dma_wait3A_477] : memref<2x4x8x136xf32, #tpu.memory_space<vmem>> -> memref<1x4x8x136xf32, #tpu.memory_space<vmem>>
    %dma_wait3A_479 = tpu.memref_squeeze %dma_wait3A_478 : memref<1x4x8x136xf32, #tpu.memory_space<vmem>> -> memref<4x8x136xf32, #tpu.memory_space<vmem>>
    %dma_wait3A_480 = arith.constant 0 : i32
    %dma_wait3A_481 = arith.constant 0 : i32
    %dma_wait3A_482 = tpu.memref_slice %dma_wait3A_479[%dma_wait3A_473, %dma_wait3A_480, %dma_wait3A_481] : memref<4x8x136xf32, #tpu.memory_space<vmem>> -> memref<1x8x136xf32, #tpu.memory_space<vmem>>
    %dma_wait3A_483 = tpu.memref_squeeze %dma_wait3A_482 : memref<1x8x136xf32, #tpu.memory_space<vmem>> -> memref<8x136xf32, #tpu.memory_space<vmem>>
    %dma_wait3A_484 = arith.constant 0 : i32
    %dma_wait3A_485 = arith.constant 0 : i32
    %dma_wait3A_486 = tpu.memref_slice %dma_wait3A_483[%dma_wait3A_484, %dma_wait3A_485] : memref<8x136xf32, #tpu.memory_space<vmem>> -> memref<8x128xf32, #tpu.memory_space<vmem>>
    %dma_wait3A_487 = arith.constant 0 : i32
    %dma_wait3A_488 = arith.constant 0 : i32
    %dma_wait3A_489 = arith.constant 0 : i32
    %dma_wait3A_490 = arith.constant 0 : i32
    %dma_wait3A_491 = tpu.memref_slice %arg4[%select_n3A_469, %dma_wait3A_487, %dma_wait3A_488, %dma_wait3A_489, %dma_wait3A_490] : memref<26x4x128x8x128xf32, #tpu.memory_space<hbm>> -> memref<1x4x128x8x128xf32, #tpu.memory_space<hbm>>
    %dma_wait3A_492 = tpu.memref_squeeze %dma_wait3A_491 : memref<1x4x128x8x128xf32, #tpu.memory_space<hbm>> -> memref<4x128x8x128xf32, #tpu.memory_space<hbm>>
    %dma_wait3A_493 = arith.constant 0 : i32
    %dma_wait3A_494 = arith.constant 0 : i32
    %dma_wait3A_495 = arith.constant 0 : i32
    %dma_wait3A_496 = tpu.memref_slice %dma_wait3A_492[%dma_wait3A_474, %dma_wait3A_493, %dma_wait3A_494, %dma_wait3A_495] : memref<4x128x8x128xf32, #tpu.memory_space<hbm>> -> memref<1x128x8x128xf32, #tpu.memory_space<hbm>>
    %dma_wait3A_497 = tpu.memref_squeeze %dma_wait3A_496 : memref<1x128x8x128xf32, #tpu.memory_space<hbm>> -> memref<128x8x128xf32, #tpu.memory_space<hbm>>
    %dma_wait3A_498 = arith.constant 0 : i32
    %dma_wait3A_499 = arith.constant 0 : i32
    %dma_wait3A_500 = tpu.memref_slice %dma_wait3A_497[%rem3A_471, %dma_wait3A_498, %dma_wait3A_499] : memref<128x8x128xf32, #tpu.memory_space<hbm>> -> memref<1x8x128xf32, #tpu.memory_space<hbm>>
    %dma_wait3A_501 = tpu.memref_squeeze %dma_wait3A_500 : memref<1x8x128xf32, #tpu.memory_space<hbm>> -> memref<8x128xf32, #tpu.memory_space<hbm>>
    %dma_wait3A_502 = arith.constant 0 : i32
    %dma_wait3A_503 = arith.constant 0 : i32
    %dma_wait3A_504 = arith.constant 0 : i32
    %dma_wait3A_505 = arith.constant 0 : i32
    %dma_wait3A_506 = tpu.memref_slice %arg4[%select_n3A_469, %dma_wait3A_502, %dma_wait3A_503, %dma_wait3A_504, %dma_wait3A_505] : memref<26x4x128x8x128xf32, #tpu.memory_space<hbm>> -> memref<1x4x128x8x128xf32, #tpu.memory_space<hbm>>
    %dma_wait3A_507 = tpu.memref_squeeze %dma_wait3A_506 : memref<1x4x128x8x128xf32, #tpu.memory_space<hbm>> -> memref<4x128x8x128xf32, #tpu.memory_space<hbm>>
    %dma_wait3A_508 = arith.constant 0 : i32
    %dma_wait3A_509 = arith.constant 0 : i32
    %dma_wait3A_510 = arith.constant 0 : i32
    %dma_wait3A_511 = tpu.memref_slice %dma_wait3A_507[%dma_wait3A_474, %dma_wait3A_508, %dma_wait3A_509, %dma_wait3A_510] : memref<4x128x8x128xf32, #tpu.memory_space<hbm>> -> memref<1x128x8x128xf32, #tpu.memory_space<hbm>>
    %dma_wait3A_512 = tpu.memref_squeeze %dma_wait3A_511 : memref<1x128x8x128xf32, #tpu.memory_space<hbm>> -> memref<128x8x128xf32, #tpu.memory_space<hbm>>
    %dma_wait3A_513 = arith.constant 0 : i32
    %dma_wait3A_514 = arith.constant 0 : i32
    %dma_wait3A_515 = tpu.memref_slice %dma_wait3A_512[%rem3A_471, %dma_wait3A_513, %dma_wait3A_514] : memref<128x8x128xf32, #tpu.memory_space<hbm>> -> memref<1x8x128xf32, #tpu.memory_space<hbm>>
    %dma_wait3A_516 = tpu.memref_squeeze %dma_wait3A_515 : memref<1x8x128xf32, #tpu.memory_space<hbm>> -> memref<8x128xf32, #tpu.memory_space<hbm>>
    %dma_wait3A_517 = arith.constant 0 : i32
    %dma_wait3A_518 = arith.constant 0 : i32
    %dma_wait3A_519 = arith.constant 0 : i32
    %dma_wait3A_520 = tpu.memref_slice %arg7[%dma_wait3A_472, %dma_wait3A_517, %dma_wait3A_518, %dma_wait3A_519] : memref<2x4x8x136xf32, #tpu.memory_space<vmem>> -> memref<1x4x8x136xf32, #tpu.memory_space<vmem>>
    %dma_wait3A_521 = tpu.memref_squeeze %dma_wait3A_520 : memref<1x4x8x136xf32, #tpu.memory_space<vmem>> -> memref<4x8x136xf32, #tpu.memory_space<vmem>>
    %dma_wait3A_522 = arith.constant 0 : i32
    %dma_wait3A_523 = arith.constant 0 : i32
    %dma_wait3A_524 = tpu.memref_slice %dma_wait3A_521[%dma_wait3A_473, %dma_wait3A_522, %dma_wait3A_523] : memref<4x8x136xf32, #tpu.memory_space<vmem>> -> memref<1x8x136xf32, #tpu.memory_space<vmem>>
    %dma_wait3A_525 = tpu.memref_squeeze %dma_wait3A_524 : memref<1x8x136xf32, #tpu.memory_space<vmem>> -> memref<8x136xf32, #tpu.memory_space<vmem>>
    %dma_wait3A_526 = arith.constant 0 : i32
    %dma_wait3A_527 = arith.constant 0 : i32
    %dma_wait3A_528 = tpu.memref_slice %dma_wait3A_525[%dma_wait3A_526, %dma_wait3A_527] : memref<8x136xf32, #tpu.memory_space<vmem>> -> memref<8x128xf32, #tpu.memory_space<vmem>>
    tpu.wait_dma2 semaphore(%arg11 : memref<!tpu.dma_semaphore, #tpu.memory_space<semaphore_mem>>) src(%dma_wait3A_528 : memref<8x128xf32, #tpu.memory_space<vmem>>) dst(%dma_wait3A_516 : memref<8x128xf32, #tpu.memory_space<hbm>>)
    %dma_wait3A_529 = arith.constant 1 : i32
    %dma_wait3A_530 = arith.constant 1 : i32
    %dma_wait3A_531 = arith.constant 1 : i32
    %dma_wait3A_532 = arith.constant 0 : i32
    %dma_wait3A_533 = arith.constant 0 : i32
    %dma_wait3A_534 = arith.constant 0 : i32
    %dma_wait3A_535 = tpu.memref_slice %arg7[%dma_wait3A_529, %dma_wait3A_532, %dma_wait3A_533, %dma_wait3A_534] : memref<2x4x8x136xf32, #tpu.memory_space<vmem>> -> memref<1x4x8x136xf32, #tpu.memory_space<vmem>>
    %dma_wait3A_536 = tpu.memref_squeeze %dma_wait3A_535 : memref<1x4x8x136xf32, #tpu.memory_space<vmem>> -> memref<4x8x136xf32, #tpu.memory_space<vmem>>
    %dma_wait3A_537 = arith.constant 0 : i32
    %dma_wait3A_538 = arith.constant 0 : i32
    %dma_wait3A_539 = tpu.memref_slice %dma_wait3A_536[%dma_wait3A_530, %dma_wait3A_537, %dma_wait3A_538] : memref<4x8x136xf32, #tpu.memory_space<vmem>> -> memref<1x8x136xf32, #tpu.memory_space<vmem>>
    %dma_wait3A_540 = tpu.memref_squeeze %dma_wait3A_539 : memref<1x8x136xf32, #tpu.memory_space<vmem>> -> memref<8x136xf32, #tpu.memory_space<vmem>>
    %dma_wait3A_541 = arith.constant 0 : i32
    %dma_wait3A_542 = arith.constant 0 : i32
    %dma_wait3A_543 = tpu.memref_slice %dma_wait3A_540[%dma_wait3A_541, %dma_wait3A_542] : memref<8x136xf32, #tpu.memory_space<vmem>> -> memref<8x128xf32, #tpu.memory_space<vmem>>
    %dma_wait3A_544 = arith.constant 0 : i32
    %dma_wait3A_545 = arith.constant 0 : i32
    %dma_wait3A_546 = arith.constant 0 : i32
    %dma_wait3A_547 = arith.constant 0 : i32
    %dma_wait3A_548 = tpu.memref_slice %arg4[%select_n3A_469, %dma_wait3A_544, %dma_wait3A_545, %dma_wait3A_546, %dma_wait3A_547] : memref<26x4x128x8x128xf32, #tpu.memory_space<hbm>> -> memref<1x4x128x8x128xf32, #tpu.memory_space<hbm>>
    %dma_wait3A_549 = tpu.memref_squeeze %dma_wait3A_548 : memref<1x4x128x8x128xf32, #tpu.memory_space<hbm>> -> memref<4x128x8x128xf32, #tpu.memory_space<hbm>>
    %dma_wait3A_550 = arith.constant 0 : i32
    %dma_wait3A_551 = arith.constant 0 : i32
    %dma_wait3A_552 = arith.constant 0 : i32
    %dma_wait3A_553 = tpu.memref_slice %dma_wait3A_549[%dma_wait3A_531, %dma_wait3A_550, %dma_wait3A_551, %dma_wait3A_552] : memref<4x128x8x128xf32, #tpu.memory_space<hbm>> -> memref<1x128x8x128xf32, #tpu.memory_space<hbm>>
    %dma_wait3A_554 = tpu.memref_squeeze %dma_wait3A_553 : memref<1x128x8x128xf32, #tpu.memory_space<hbm>> -> memref<128x8x128xf32, #tpu.memory_space<hbm>>
    %dma_wait3A_555 = arith.constant 0 : i32
    %dma_wait3A_556 = arith.constant 0 : i32
    %dma_wait3A_557 = tpu.memref_slice %dma_wait3A_554[%rem3A_471, %dma_wait3A_555, %dma_wait3A_556] : memref<128x8x128xf32, #tpu.memory_space<hbm>> -> memref<1x8x128xf32, #tpu.memory_space<hbm>>
    %dma_wait3A_558 = tpu.memref_squeeze %dma_wait3A_557 : memref<1x8x128xf32, #tpu.memory_space<hbm>> -> memref<8x128xf32, #tpu.memory_space<hbm>>
    %dma_wait3A_559 = arith.constant 0 : i32
    %dma_wait3A_560 = arith.constant 0 : i32
    %dma_wait3A_561 = arith.constant 0 : i32
    %dma_wait3A_562 = arith.constant 0 : i32
    %dma_wait3A_563 = tpu.memref_slice %arg4[%select_n3A_469, %dma_wait3A_559, %dma_wait3A_560, %dma_wait3A_561, %dma_wait3A_562] : memref<26x4x128x8x128xf32, #tpu.memory_space<hbm>> -> memref<1x4x128x8x128xf32, #tpu.memory_space<hbm>>
    %dma_wait3A_564 = tpu.memref_squeeze %dma_wait3A_563 : memref<1x4x128x8x128xf32, #tpu.memory_space<hbm>> -> memref<4x128x8x128xf32, #tpu.memory_space<hbm>>
    %dma_wait3A_565 = arith.constant 0 : i32
    %dma_wait3A_566 = arith.constant 0 : i32
    %dma_wait3A_567 = arith.constant 0 : i32
    %dma_wait3A_568 = tpu.memref_slice %dma_wait3A_564[%dma_wait3A_531, %dma_wait3A_565, %dma_wait3A_566, %dma_wait3A_567] : memref<4x128x8x128xf32, #tpu.memory_space<hbm>> -> memref<1x128x8x128xf32, #tpu.memory_space<hbm>>
    %dma_wait3A_569 = tpu.memref_squeeze %dma_wait3A_568 : memref<1x128x8x128xf32, #tpu.memory_space<hbm>> -> memref<128x8x128xf32, #tpu.memory_space<hbm>>
    %dma_wait3A_570 = arith.constant 0 : i32
    %dma_wait3A_571 = arith.constant 0 : i32
    %dma_wait3A_572 = tpu.memref_slice %dma_wait3A_569[%rem3A_471, %dma_wait3A_570, %dma_wait3A_571] : memref<128x8x128xf32, #tpu.memory_space<hbm>> -> memref<1x8x128xf32, #tpu.memory_space<hbm>>
    %dma_wait3A_573 = tpu.memref_squeeze %dma_wait3A_572 : memref<1x8x128xf32, #tpu.memory_space<hbm>> -> memref<8x128xf32, #tpu.memory_space<hbm>>
    %dma_wait3A_574 = arith.constant 0 : i32
    %dma_wait3A_575 = arith.constant 0 : i32
    %dma_wait3A_576 = arith.constant 0 : i32
    %dma_wait3A_577 = tpu.memref_slice %arg7[%dma_wait3A_529, %dma_wait3A_574, %dma_wait3A_575, %dma_wait3A_576] : memref<2x4x8x136xf32, #tpu.memory_space<vmem>> -> memref<1x4x8x136xf32, #tpu.memory_space<vmem>>
    %dma_wait3A_578 = tpu.memref_squeeze %dma_wait3A_577 : memref<1x4x8x136xf32, #tpu.memory_space<vmem>> -> memref<4x8x136xf32, #tpu.memory_space<vmem>>
    %dma_wait3A_579 = arith.constant 0 : i32
    %dma_wait3A_580 = arith.constant 0 : i32
    %dma_wait3A_581 = tpu.memref_slice %dma_wait3A_578[%dma_wait3A_530, %dma_wait3A_579, %dma_wait3A_580] : memref<4x8x136xf32, #tpu.memory_space<vmem>> -> memref<1x8x136xf32, #tpu.memory_space<vmem>>
    %dma_wait3A_582 = tpu.memref_squeeze %dma_wait3A_581 : memref<1x8x136xf32, #tpu.memory_space<vmem>> -> memref<8x136xf32, #tpu.memory_space<vmem>>
    %dma_wait3A_583 = arith.constant 0 : i32
    %dma_wait3A_584 = arith.constant 0 : i32
    %dma_wait3A_585 = tpu.memref_slice %dma_wait3A_582[%dma_wait3A_583, %dma_wait3A_584] : memref<8x136xf32, #tpu.memory_space<vmem>> -> memref<8x128xf32, #tpu.memory_space<vmem>>
    tpu.wait_dma2 semaphore(%arg11 : memref<!tpu.dma_semaphore, #tpu.memory_space<semaphore_mem>>) src(%dma_wait3A_585 : memref<8x128xf32, #tpu.memory_space<vmem>>) dst(%dma_wait3A_573 : memref<8x128xf32, #tpu.memory_space<hbm>>)
    %dma_wait3A_586 = arith.constant 1 : i32
    %dma_wait3A_587 = arith.constant 2 : i32
    %dma_wait3A_588 = arith.constant 2 : i32
    %dma_wait3A_589 = arith.constant 0 : i32
    %dma_wait3A_590 = arith.constant 0 : i32
    %dma_wait3A_591 = arith.constant 0 : i32
    %dma_wait3A_592 = tpu.memref_slice %arg7[%dma_wait3A_586, %dma_wait3A_589, %dma_wait3A_590, %dma_wait3A_591] : memref<2x4x8x136xf32, #tpu.memory_space<vmem>> -> memref<1x4x8x136xf32, #tpu.memory_space<vmem>>
    %dma_wait3A_593 = tpu.memref_squeeze %dma_wait3A_592 : memref<1x4x8x136xf32, #tpu.memory_space<vmem>> -> memref<4x8x136xf32, #tpu.memory_space<vmem>>
    %dma_wait3A_594 = arith.constant 0 : i32
    %dma_wait3A_595 = arith.constant 0 : i32
    %dma_wait3A_596 = tpu.memref_slice %dma_wait3A_593[%dma_wait3A_587, %dma_wait3A_594, %dma_wait3A_595] : memref<4x8x136xf32, #tpu.memory_space<vmem>> -> memref<1x8x136xf32, #tpu.memory_space<vmem>>
    %dma_wait3A_597 = tpu.memref_squeeze %dma_wait3A_596 : memref<1x8x136xf32, #tpu.memory_space<vmem>> -> memref<8x136xf32, #tpu.memory_space<vmem>>
    %dma_wait3A_598 = arith.constant 0 : i32
    %dma_wait3A_599 = arith.constant 0 : i32
    %dma_wait3A_600 = tpu.memref_slice %dma_wait3A_597[%dma_wait3A_598, %dma_wait3A_599] : memref<8x136xf32, #tpu.memory_space<vmem>> -> memref<8x128xf32, #tpu.memory_space<vmem>>
    %dma_wait3A_601 = arith.constant 0 : i32
    %dma_wait3A_602 = arith.constant 0 : i32
    %dma_wait3A_603 = arith.constant 0 : i32
    %dma_wait3A_604 = arith.constant 0 : i32
    %dma_wait3A_605 = tpu.memref_slice %arg4[%select_n3A_469, %dma_wait3A_601, %dma_wait3A_602, %dma_wait3A_603, %dma_wait3A_604] : memref<26x4x128x8x128xf32, #tpu.memory_space<hbm>> -> memref<1x4x128x8x128xf32, #tpu.memory_space<hbm>>
    %dma_wait3A_606 = tpu.memref_squeeze %dma_wait3A_605 : memref<1x4x128x8x128xf32, #tpu.memory_space<hbm>> -> memref<4x128x8x128xf32, #tpu.memory_space<hbm>>
    %dma_wait3A_607 = arith.constant 0 : i32
    %dma_wait3A_608 = arith.constant 0 : i32
    %dma_wait3A_609 = arith.constant 0 : i32
    %dma_wait3A_610 = tpu.memref_slice %dma_wait3A_606[%dma_wait3A_588, %dma_wait3A_607, %dma_wait3A_608, %dma_wait3A_609] : memref<4x128x8x128xf32, #tpu.memory_space<hbm>> -> memref<1x128x8x128xf32, #tpu.memory_space<hbm>>
    %dma_wait3A_611 = tpu.memref_squeeze %dma_wait3A_610 : memref<1x128x8x128xf32, #tpu.memory_space<hbm>> -> memref<128x8x128xf32, #tpu.memory_space<hbm>>
    %dma_wait3A_612 = arith.constant 0 : i32
    %dma_wait3A_613 = arith.constant 0 : i32
    %dma_wait3A_614 = tpu.memref_slice %dma_wait3A_611[%rem3A_471, %dma_wait3A_612, %dma_wait3A_613] : memref<128x8x128xf32, #tpu.memory_space<hbm>> -> memref<1x8x128xf32, #tpu.memory_space<hbm>>
    %dma_wait3A_615 = tpu.memref_squeeze %dma_wait3A_614 : memref<1x8x128xf32, #tpu.memory_space<hbm>> -> memref<8x128xf32, #tpu.memory_space<hbm>>
    %dma_wait3A_616 = arith.constant 0 : i32
    %dma_wait3A_617 = arith.constant 0 : i32
    %dma_wait3A_618 = arith.constant 0 : i32
    %dma_wait3A_619 = arith.constant 0 : i32
    %dma_wait3A_620 = tpu.memref_slice %arg4[%select_n3A_469, %dma_wait3A_616, %dma_wait3A_617, %dma_wait3A_618, %dma_wait3A_619] : memref<26x4x128x8x128xf32, #tpu.memory_space<hbm>> -> memref<1x4x128x8x128xf32, #tpu.memory_space<hbm>>
    %dma_wait3A_621 = tpu.memref_squeeze %dma_wait3A_620 : memref<1x4x128x8x128xf32, #tpu.memory_space<hbm>> -> memref<4x128x8x128xf32, #tpu.memory_space<hbm>>
    %dma_wait3A_622 = arith.constant 0 : i32
    %dma_wait3A_623 = arith.constant 0 : i32
    %dma_wait3A_624 = arith.constant 0 : i32
    %dma_wait3A_625 = tpu.memref_slice %dma_wait3A_621[%dma_wait3A_588, %dma_wait3A_622, %dma_wait3A_623, %dma_wait3A_624] : memref<4x128x8x128xf32, #tpu.memory_space<hbm>> -> memref<1x128x8x128xf32, #tpu.memory_space<hbm>>
    %dma_wait3A_626 = tpu.memref_squeeze %dma_wait3A_625 : memref<1x128x8x128xf32, #tpu.memory_space<hbm>> -> memref<128x8x128xf32, #tpu.memory_space<hbm>>
    %dma_wait3A_627 = arith.constant 0 : i32
    %dma_wait3A_628 = arith.constant 0 : i32
    %dma_wait3A_629 = tpu.memref_slice %dma_wait3A_626[%rem3A_471, %dma_wait3A_627, %dma_wait3A_628] : memref<128x8x128xf32, #tpu.memory_space<hbm>> -> memref<1x8x128xf32, #tpu.memory_space<hbm>>
    %dma_wait3A_630 = tpu.memref_squeeze %dma_wait3A_629 : memref<1x8x128xf32, #tpu.memory_space<hbm>> -> memref<8x128xf32, #tpu.memory_space<hbm>>
    %dma_wait3A_631 = arith.constant 0 : i32
    %dma_wait3A_632 = arith.constant 0 : i32
    %dma_wait3A_633 = arith.constant 0 : i32
    %dma_wait3A_634 = tpu.memref_slice %arg7[%dma_wait3A_586, %dma_wait3A_631, %dma_wait3A_632, %dma_wait3A_633] : memref<2x4x8x136xf32, #tpu.memory_space<vmem>> -> memref<1x4x8x136xf32, #tpu.memory_space<vmem>>
    %dma_wait3A_635 = tpu.memref_squeeze %dma_wait3A_634 : memref<1x4x8x136xf32, #tpu.memory_space<vmem>> -> memref<4x8x136xf32, #tpu.memory_space<vmem>>
    %dma_wait3A_636 = arith.constant 0 : i32
    %dma_wait3A_637 = arith.constant 0 : i32
    %dma_wait3A_638 = tpu.memref_slice %dma_wait3A_635[%dma_wait3A_587, %dma_wait3A_636, %dma_wait3A_637] : memref<4x8x136xf32, #tpu.memory_space<vmem>> -> memref<1x8x136xf32, #tpu.memory_space<vmem>>
    %dma_wait3A_639 = tpu.memref_squeeze %dma_wait3A_638 : memref<1x8x136xf32, #tpu.memory_space<vmem>> -> memref<8x136xf32, #tpu.memory_space<vmem>>
    %dma_wait3A_640 = arith.constant 0 : i32
    %dma_wait3A_641 = arith.constant 0 : i32
    %dma_wait3A_642 = tpu.memref_slice %dma_wait3A_639[%dma_wait3A_640, %dma_wait3A_641] : memref<8x136xf32, #tpu.memory_space<vmem>> -> memref<8x128xf32, #tpu.memory_space<vmem>>
    tpu.wait_dma2 semaphore(%arg11 : memref<!tpu.dma_semaphore, #tpu.memory_space<semaphore_mem>>) src(%dma_wait3A_642 : memref<8x128xf32, #tpu.memory_space<vmem>>) dst(%dma_wait3A_630 : memref<8x128xf32, #tpu.memory_space<hbm>>)
    %dma_wait3A_643 = arith.constant 1 : i32
    %dma_wait3A_644 = arith.constant 3 : i32
    %dma_wait3A_645 = arith.constant 3 : i32
    %dma_wait3A_646 = arith.constant 0 : i32
    %dma_wait3A_647 = arith.constant 0 : i32
    %dma_wait3A_648 = arith.constant 0 : i32
    %dma_wait3A_649 = tpu.memref_slice %arg7[%dma_wait3A_643, %dma_wait3A_646, %dma_wait3A_647, %dma_wait3A_648] : memref<2x4x8x136xf32, #tpu.memory_space<vmem>> -> memref<1x4x8x136xf32, #tpu.memory_space<vmem>>
    %dma_wait3A_650 = tpu.memref_squeeze %dma_wait3A_649 : memref<1x4x8x136xf32, #tpu.memory_space<vmem>> -> memref<4x8x136xf32, #tpu.memory_space<vmem>>
    %dma_wait3A_651 = arith.constant 0 : i32
    %dma_wait3A_652 = arith.constant 0 : i32
    %dma_wait3A_653 = tpu.memref_slice %dma_wait3A_650[%dma_wait3A_644, %dma_wait3A_651, %dma_wait3A_652] : memref<4x8x136xf32, #tpu.memory_space<vmem>> -> memref<1x8x136xf32, #tpu.memory_space<vmem>>
    %dma_wait3A_654 = tpu.memref_squeeze %dma_wait3A_653 : memref<1x8x136xf32, #tpu.memory_space<vmem>> -> memref<8x136xf32, #tpu.memory_space<vmem>>
    %dma_wait3A_655 = arith.constant 0 : i32
    %dma_wait3A_656 = arith.constant 0 : i32
    %dma_wait3A_657 = tpu.memref_slice %dma_wait3A_654[%dma_wait3A_655, %dma_wait3A_656] : memref<8x136xf32, #tpu.memory_space<vmem>> -> memref<8x128xf32, #tpu.memory_space<vmem>>
    %dma_wait3A_658 = arith.constant 0 : i32
    %dma_wait3A_659 = arith.constant 0 : i32
    %dma_wait3A_660 = arith.constant 0 : i32
    %dma_wait3A_661 = arith.constant 0 : i32
    %dma_wait3A_662 = tpu.memref_slice %arg4[%select_n3A_469, %dma_wait3A_658, %dma_wait3A_659, %dma_wait3A_660, %dma_wait3A_661] : memref<26x4x128x8x128xf32, #tpu.memory_space<hbm>> -> memref<1x4x128x8x128xf32, #tpu.memory_space<hbm>>
    %dma_wait3A_663 = tpu.memref_squeeze %dma_wait3A_662 : memref<1x4x128x8x128xf32, #tpu.memory_space<hbm>> -> memref<4x128x8x128xf32, #tpu.memory_space<hbm>>
    %dma_wait3A_664 = arith.constant 0 : i32
    %dma_wait3A_665 = arith.constant 0 : i32
    %dma_wait3A_666 = arith.constant 0 : i32
    %dma_wait3A_667 = tpu.memref_slice %dma_wait3A_663[%dma_wait3A_645, %dma_wait3A_664, %dma_wait3A_665, %dma_wait3A_666] : memref<4x128x8x128xf32, #tpu.memory_space<hbm>> -> memref<1x128x8x128xf32, #tpu.memory_space<hbm>>
    %dma_wait3A_668 = tpu.memref_squeeze %dma_wait3A_667 : memref<1x128x8x128xf32, #tpu.memory_space<hbm>> -> memref<128x8x128xf32, #tpu.memory_space<hbm>>
    %dma_wait3A_669 = arith.constant 0 : i32
    %dma_wait3A_670 = arith.constant 0 : i32
    %dma_wait3A_671 = tpu.memref_slice %dma_wait3A_668[%rem3A_471, %dma_wait3A_669, %dma_wait3A_670] : memref<128x8x128xf32, #tpu.memory_space<hbm>> -> memref<1x8x128xf32, #tpu.memory_space<hbm>>
    %dma_wait3A_672 = tpu.memref_squeeze %dma_wait3A_671 : memref<1x8x128xf32, #tpu.memory_space<hbm>> -> memref<8x128xf32, #tpu.memory_space<hbm>>
    %dma_wait3A_673 = arith.constant 0 : i32
    %dma_wait3A_674 = arith.constant 0 : i32
    %dma_wait3A_675 = arith.constant 0 : i32
    %dma_wait3A_676 = arith.constant 0 : i32
    %dma_wait3A_677 = tpu.memref_slice %arg4[%select_n3A_469, %dma_wait3A_673, %dma_wait3A_674, %dma_wait3A_675, %dma_wait3A_676] : memref<26x4x128x8x128xf32, #tpu.memory_space<hbm>> -> memref<1x4x128x8x128xf32, #tpu.memory_space<hbm>>
    %dma_wait3A_678 = tpu.memref_squeeze %dma_wait3A_677 : memref<1x4x128x8x128xf32, #tpu.memory_space<hbm>> -> memref<4x128x8x128xf32, #tpu.memory_space<hbm>>
    %dma_wait3A_679 = arith.constant 0 : i32
    %dma_wait3A_680 = arith.constant 0 : i32
    %dma_wait3A_681 = arith.constant 0 : i32
    %dma_wait3A_682 = tpu.memref_slice %dma_wait3A_678[%dma_wait3A_645, %dma_wait3A_679, %dma_wait3A_680, %dma_wait3A_681] : memref<4x128x8x128xf32, #tpu.memory_space<hbm>> -> memref<1x128x8x128xf32, #tpu.memory_space<hbm>>
    %dma_wait3A_683 = tpu.memref_squeeze %dma_wait3A_682 : memref<1x128x8x128xf32, #tpu.memory_space<hbm>> -> memref<128x8x128xf32, #tpu.memory_space<hbm>>
    %dma_wait3A_684 = arith.constant 0 : i32
    %dma_wait3A_685 = arith.constant 0 : i32
    %dma_wait3A_686 = tpu.memref_slice %dma_wait3A_683[%rem3A_471, %dma_wait3A_684, %dma_wait3A_685] : memref<128x8x128xf32, #tpu.memory_space<hbm>> -> memref<1x8x128xf32, #tpu.memory_space<hbm>>
    %dma_wait3A_687 = tpu.memref_squeeze %dma_wait3A_686 : memref<1x8x128xf32, #tpu.memory_space<hbm>> -> memref<8x128xf32, #tpu.memory_space<hbm>>
    %dma_wait3A_688 = arith.constant 0 : i32
    %dma_wait3A_689 = arith.constant 0 : i32
    %dma_wait3A_690 = arith.constant 0 : i32
    %dma_wait3A_691 = tpu.memref_slice %arg7[%dma_wait3A_643, %dma_wait3A_688, %dma_wait3A_689, %dma_wait3A_690] : memref<2x4x8x136xf32, #tpu.memory_space<vmem>> -> memref<1x4x8x136xf32, #tpu.memory_space<vmem>>
    %dma_wait3A_692 = tpu.memref_squeeze %dma_wait3A_691 : memref<1x4x8x136xf32, #tpu.memory_space<vmem>> -> memref<4x8x136xf32, #tpu.memory_space<vmem>>
    %dma_wait3A_693 = arith.constant 0 : i32
    %dma_wait3A_694 = arith.constant 0 : i32
    %dma_wait3A_695 = tpu.memref_slice %dma_wait3A_692[%dma_wait3A_644, %dma_wait3A_693, %dma_wait3A_694] : memref<4x8x136xf32, #tpu.memory_space<vmem>> -> memref<1x8x136xf32, #tpu.memory_space<vmem>>
    %dma_wait3A_696 = tpu.memref_squeeze %dma_wait3A_695 : memref<1x8x136xf32, #tpu.memory_space<vmem>> -> memref<8x136xf32, #tpu.memory_space<vmem>>
    %dma_wait3A_697 = arith.constant 0 : i32
    %dma_wait3A_698 = arith.constant 0 : i32
    %dma_wait3A_699 = tpu.memref_slice %dma_wait3A_696[%dma_wait3A_697, %dma_wait3A_698] : memref<8x136xf32, #tpu.memory_space<vmem>> -> memref<8x128xf32, #tpu.memory_space<vmem>>
    tpu.wait_dma2 semaphore(%arg11 : memref<!tpu.dma_semaphore, #tpu.memory_space<semaphore_mem>>) src(%dma_wait3A_699 : memref<8x128xf32, #tpu.memory_space<vmem>>) dst(%dma_wait3A_687 : memref<8x128xf32, #tpu.memory_space<hbm>>)
    return
  }
}

</mosaic_0001>

<sc_bundles>
// kernel: kernel.3.cloned.1.call-start
scs
__scs_entry_jumppad:
0x0: {  	(pc) =	sbr.rel $0x88, $3  }
0x1: {  	(tag) =	ssettag $0x0;
	lr =	simm.s32 $0x1  }
0x2: {  	[smem:$0x3F9F] =	sst lr;
	_ =	strace $0xD0000000  }
0x3: {  	_ = 	snop  }
0x4: {  	_ = 	snop  }
0x5: {  	_ = 	snop  }
0x6: {  	_ = 	snop  }
0x7: {  	_ = 	snop  }
__scs_overlays_trampoline_lowered:
0x8: {  	[smem:$0x3FAE] =	sst s0  }
0x9: {  	[smem:$0x3FAF] =	sst s1  }
0xa: {  	[smem:$0x3FB0] =	sst s2  }
0xb: {  	[smem:$0x3FB1] =	sst s3  }
0xc: {  	[smem:$0x3FB2] =	sst s4  }
0xd: {  	[smem:$0x3FB3] =	sst s5  }
0xe: {  	[smem:$0x3FB4] =	sst s6  }
0xf: {  	[smem:$0x3FB5] =	sst s7  }
0x10: {  	[smem:$0x3FB6] =	sst s8  }
0x11: {  	[smem:$0x3FB7] =	sst s9;
	s0 =	simm.s32 @!p0 $0x0  }
0x12: {  	s1 =	sld [smem:$0x3F9D];
	s0 =	simm.s32 @p0 $0x1  }
0x13: {  	[smem:$0x3FB8] =	sst s0;
	s0 =	simm.s32 @!p1 $0x0  }
0x14: {  	s2 =	sld [smem:$0x3F9C];
	s0 =	simm.s32 @p1 $0x1  }
0x15: {  	[smem:$0x3FB9] =	sst s0;
	s0 =	simm.s32 @!p2 $0x0  }
0x16: {  	s3 =	sld [smem:$0x3FDB];
	s0 =	simm.s32 @p2 $0x1  }
0x17: {  	s4 =	simm.s32 $0x1BF5;
	[smem:$0x3FBB] =	sst s0  }
0x18: {  	s0 =	sld [smem:$0x3F9E];
	_ =	swait.ge [sflag:s4], $0x0  }
0x19: {  	s7 =	sld [smem:$0x3F9F]  }
0x1a: {  	s8 =	sadd.s32 $0xFFFFE003, lr  }
0x1b: {  	s9 =	sadd.s32 $0xFFFFFEF7, lr;
	s5 =	simm.s32 $0xFFFFFFFF;
	p2 =	slt.u32 s8, $0xFFFFF086  }
0x1c: {  	p1 =	slt.u32 s9, $0xF7A;
	s5 =	simm.s32 @!p2 $0x0  }
0x1d: {  	s5 =	simm.s32 @p1 $0x1;
	p0 =	seq.s32 s7, s2  }
0x1e: {  	s7 =	smul.u32 @!p0 $0xF7A, s2;
	p2 =	seq.s32 @!p0 s5, $0x0  }
0x1f: {  	s9 =	smul.u32 $0xF7A, s1;
	s8 =	simm.s32 @!p0 $0x1BF5;
	p2 =	por !p2, p0  }
0x20: {  	[sflag:s8] =	ssyncset.s32 @!p0 $0xFFFFF086;
	s6 =	sadd.s32 @!p0 s3, s7;
	s7 =	simm.s32 @!p0 $0x108  }
0x21: {  	s3 =	sadd.s32 s3, s9;
	s6 =	sadd.s32 @!p0 $0x88, s6;
	s7 =	simm.s32 @p2 $0x1082  }
0x22: {  	[simem:s7], [sflag:s8] =	dma.local @!p0 [hbm:s6], $0xF7A  }
0x23: {  	s9 =	sor.u32 $0xD0000000, s2;
	s6 =	simm.s32 $0x108;
	_ =	swait.ge @!p0 [sflag:s8], $0x0  }
0x24: {  	s3 =	sadd.s32 $0x88, s3;
	s6 =	simm.s32 @!p1 $0x1082;
	[sflag:s4] =	ssyncset.s32 $0xFFFFF086  }
0x25: {  	[simem:s6], [sflag:s4] =	dma.local [hbm:s3], $0xF7A  }
0x26: {  	[smem:$0x3F9F] =	sst s1;
	(tag) =	ssettag s2;
	_ =	strace s9  }
0x27: {  	s1 =	sld [smem:$0x3FAF]  }
0x28: {  	s2 =	sld [smem:$0x3FB0]  }
0x29: {  	s4 =	sld [smem:$0x3FB2]  }
0x2a: {  	p0 =	seq.s32 s5, $0x0;
	s5 =	sld [smem:$0x3FB3]  }
0x2b: {  	s6 =	sld [smem:$0x3FB4]  }
0x2c: {  	s7 =	sld [smem:$0x3FB5]  }
0x2d: {  	s3 =	simm.s32 $0x108;
	s8 =	sld [smem:$0x3FB6]  }
0x2e: {  	s3 =	simm.s32 @!p0 $0x1082;
	s9 =	sld [smem:$0x3FB7]  }
0x2f: {  	lr =	sadd.s32 s0, s3;
	s0 =	sld [smem:$0x3FAE]  }
0x30: {  	s3 =	sld [smem:$0x3FB1]  }
0x31: {  	[smem:$0x3FBA] =	sst s10  }
0x32: {  	s10 =	sld [smem:$0x3FB8];
	_ =	sdelay $0x3  }
0x33: {  	p0 =	seq.s32 s10, $0x1;
	s10 =	sld [smem:$0x3FBA];
	_ =	sdelay $0x3  }
0x34: {  	[smem:$0x3FBA] =	sst s10  }
0x35: {  	s10 =	sld [smem:$0x3FB9];
	_ =	sdelay $0x3  }
0x36: {  	p1 =	seq.s32 s10, $0x1;
	s10 =	sld [smem:$0x3FBA];
	_ =	sdelay $0x3  }
0x37: {  	[smem:$0x3FBA] =	sst s10  }
0x38: {  	s10 =	sld [smem:$0x3FBB]  }
0x39: {  	_ = 	snop;
	(pc) =	sbr.ind lr, $3  }
0x3a: {  	_ = 	snop  }
0x3b: {  	_ = 	snop  }
0x3c: {  	p2 =	seq.s32 s10, $0x1;
	s10 =	sld [smem:$0x3FBA]  }
0x3d: {  	_ =	shalt  }
0x3e: {  	_ =	shalt  }
0x3f: {  	_ =	shalt  }
0x40: {  	_ =	shalt  }
0x41: {  	_ =	shalt  }
0x42: {  	_ =	shalt  }
0x43: {  	_ =	shalt  }
0x44: {  	_ =	shalt  }
0x45: {  	_ =	shalt  }
0x46: {  	_ =	shalt  }
0x47: {  	_ =	shalt  }
0x48: {  	_ =	shalt  }
0x49: {  	_ =	shalt  }
0x4a: {  	_ =	shalt  }
0x4b: {  	_ =	shalt  }
0x4c: {  	_ =	shalt  }
0x4d: {  	_ =	shalt  }
0x4e: {  	_ =	shalt  }
0x4f: {  	_ =	shalt  }
0x50: {  	_ =	shalt  }
0x51: {  	_ =	shalt  }
0x52: {  	_ =	shalt  }
0x53: {  	_ =	shalt  }
0x54: {  	_ =	shalt  }
0x55: {  	_ =	shalt  }
0x56: {  	_ =	shalt  }
0x57: {  	_ =	shalt  }
0x58: {  	_ =	shalt  }
0x59: {  	_ =	shalt  }
0x5a: {  	_ =	shalt  }
0x5b: {  	_ =	shalt  }
0x5c: {  	_ =	shalt  }
0x5d: {  	_ =	shalt  }
0x5e: {  	_ =	shalt  }
0x5f: {  	_ =	shalt  }
0x60: {  	_ =	shalt  }
0x61: {  	_ =	shalt  }
0x62: {  	_ =	shalt  }
0x63: {  	_ =	shalt  }
0x64: {  	_ =	shalt  }
0x65: {  	_ =	shalt  }
0x66: {  	_ =	shalt  }
0x67: {  	_ =	shalt  }
0x68: {  	_ =	shalt  }
0x69: {  	_ =	shalt  }
0x6a: {  	_ =	shalt  }
0x6b: {  	_ =	shalt  }
0x6c: {  	_ =	shalt  }
0x6d: {  	_ =	shalt  }
0x6e: {  	_ =	shalt  }
0x6f: {  	_ =	shalt  }
0x70: {  	_ =	shalt  }
0x71: {  	_ =	shalt  }
0x72: {  	_ =	shalt  }
0x73: {  	_ =	shalt  }
0x74: {  	_ =	shalt  }
0x75: {  	_ =	shalt  }
0x76: {  	_ =	shalt  }
0x77: {  	_ =	shalt  }
0x78: {  	_ =	shalt  }
0x79: {  	_ =	shalt  }
0x7a: {  	_ =	shalt  }
0x7b: {  	_ =	shalt  }
0x7c: {  	_ =	shalt  }
0x7d: {  	_ =	shalt  }
0x7e: {  	_ =	shalt  }
0x7f: {  	_ =	shalt  }
0x80: {  	_ =	shalt  }
0x81: {  	_ =	shalt  }
0x82: {  	_ =	shalt  }
0x83: {  	_ =	shalt  }
0x84: {  	_ =	shalt  }
0x85: {  	_ =	shalt  }
0x86: {  	_ =	shalt  }
0x87: {  	_ =	shalt  }
.Lfunc_end0:
.L_simem_size_0:
called_computation_lowered:
.L_overlay_start_0:
0x88: {  	s2 =	sld [smem:$0x3FD9]  }
0x89: {  	s3 =	sld [smem:$0x3FFE];
	_ =	sdelay $0x1  }
0x8a: {  	s1 =	srdreg.scid  }
0x8b: {  	s0 =	sand.u32 $0x1, s1  }
0x8c: {  	s17 =	sshll.u32 s0, $0xA;
	s2 =	sadd.s32 s3, s2  }
0x8d: {  	s2 =	sadd.s32 s2, s17  }
0x8e: {  	[smem:$0x3FC6] =	sst s2  }
0x8f: {  	_ = 	snop  }
0x90: {  	s2 =	sld [smem:$0x3FD0];
	(tm) =	ssettm $0x1  }
0x91: {  	s18 =	sld [smem:$0x3FFB];
	_ =	sdelay $0x3  }
0x92: {  	_ =	strace s18  }
0x93: {  	s3 =	sld [smem:$0x3FFC];
	_ =	sdelay $0x3  }
0x94: {  	_ =	strace s3  }
0x95: {  	s3 =	sld [smem:$0x3FFD];
	_ =	sdelay $0x3  }
0x96: {  	_ =	strace s3  }
0x97: {  	_ =	strace $0x8FFFFFFF  }
0x98: {  	s19 =	sld [smem:$0x3FDB];
	_ =	sdelay $0x1  }
0x99: {  	s4 =	simm.s32 $_scs_section_size  }
0x9a: {  	s5 =	simm.s32 $_size__tile_overlayer_lowered;
	s6 =	simm.s32 $_tile_overlayer_lowered  }
0x9b: {  	s22 =	simm.s32 $0x1BFF;
	s21 =	sshll.u32 s6, $0x1;
	s3 =	sadd.s32 s4, s19  }
0x9c: {  	s7 =	simm.s32 $0x0;
	s20 =	sshll.u32 s5, $0x1;
	s5 =	sadd.s32 s21, s3  }
0x9d: {  	[timem:s7], [sflag:s22] =	dma.local [hbm:s5], s20  }
0x9e: {  	_ =	swait.ge [sflag:s22], s20  }
0x9f: {  	s4 =	ssub.s32 $0x0, s20;
	[sflag:s22] =	ssyncset.done $0x0  }
0xa0: {  	[sflag:s22] =	ssyncadd.s32 s4;
	_ =	sdelay $0x1  }
0xa1: {  	s23 =	simm.s32 $0x1B8B  }
0xa2: {  	_ =	swait.ge [sflag:s23], $0x1  }
0xa3: {  	[sflag:s23] =	ssyncset.done $0x0  }
0xa4: {  	s25 =	simm.s32 $0x1B8E;
	s24 =	sld [smem:$0x3FFE];
	[sflag:s23] =	ssyncadd.s32 $0xFFFFFFFF  }
0xa5: {  	s26 =	simm.s32 $execute0_lowered;
	[smem:$0x3FD2] =	sst s25  }
0xa6: {  	s5 =	sshll.u32 s26, $0x1;
	_ =	strace $0x80000046;
	[dreg:$0x1] =	wrdreg $0xFFFFFFFF  }
0xa7: {  	s28 =	simm.s32 $_size_execute0_lowered;
	s3 =	sadd.s32 s3, s5;
	[dreg:$0x0] =	wrdreg $0x0  }
0xa8: {  	s5 =	sshll.u32 s28, $0x1;
	[dreg:$0x2] =	wrdreg s3  }
0xa9: {  	[dreg:$0x3] =	wrdreg s5  }
0xaa: {  	[dreg:$0x4] =	wrdreg $0xC0  }
0xab: {  	_ =	task [dreg:s7], $0x5FFFF  }
0xac: {  	[dreg:$0x1] =	wrdreg $0xFFFFFFFF  }
0xad: {  	[dreg:$0x0] =	wrdreg $0x60  }
0xae: {  	[dreg:$0x2] =	wrdreg s24  }
0xaf: {  	[dreg:$0x3] =	wrdreg s2  }
0xb0: {  	[dreg:$0x4] =	wrdreg $0x9  }
0xb1: {  	_ =	task.clear_ibuf [dreg:s7], $0x5FFFF;
	_ =	strace $0x90000046  }
0xb2: {  	s29 =	simm.s32 $0x9;
	_ =	strace $0x80000048  }
0xb3: {  	_ =	swait.ge [sflag:s29], $0x1  }
0xb4: {  	[sflag:s29] =	ssyncadd.s32 $0xFFFFFFFF  }
0xb5: {  	_ =	strace $0x90000048  }
0xb6: {  	_ =	sfence  }
0xb7: {  	s30 =	sld [smem:$0x0];
	_ =	sdelay $0x2  }
0xb8: {  	s31 =	sshll.u32 s1, $0xD;
	s1 =	sshrl.u32 s1, $0x2  }
0xb9: {  	s3 =	sand.u32 $0x4000, s31;
	s1 =	sadd.s32 s1, s30  }
0xba: {  	s0 =	sor.u32 s3, s0;
	s1 =	sshll.u32 s1, $0x11  }
0xbb: {  	s0 =	sor.u32 s1, s0  }
0xbc: {  	s0 =	sadd.s32 $0x8F2B, s0  }
0xbd: {  	[sflag:s0] =	ssyncadd.remote.s32 $0x1  }
0xbe: {  	_ =	sfence.sel $0xFFFF  }
0xbf: {  	[dreg:$0x0] =	wrdreg $0xFFFFFFFF;
	(pc) =	sbr.abs _section_cstart, $3  }
0xc0: {  	[dreg:$0x1] =	wrdreg $0xFFFFFFFF  }
0xc1: {  	_ =	task.clear_ibuf [dreg:s7], $0x2FFFF;
	_ =	strace $0x9FFFFFFF  }
0xc2: {  	(tm) =	ssettm $0x7FFFFFFF  }
0xc3: {  	_ =	shalt  }
tec
execute0_lowered:
.L_overlay_start_1:
0x0: {  	(tag) =	ssettag $0x1  }
0x1: {  	s0 =	rddreg [dreg:$0x0]  }
0x2: {  	s1 =	srdreg.scid;
	s2 =	stileid.u32  }
0x3: {  	s3 =	simm.s32 $0x0;
	s14 =	simm.s32 $0x5;
	s15 =	simm.s32 $0x2  }
0x4: {  	s17 =	simm.s32 $0x2100;
	s28 =	simm.s32 $0x3200;
	s29 =	simm.s32 $0x3DB0  }
0x5: {  	s30 =	simm.s32 $0x3E38;
	s31 =	simm.s32 $0x3EC0;
	s13 =	simm.s32 $0x4058  }
0x6: {  	s9 =	simm.s32 $0x40E0;
	s10 =	simm.s32 $0x4168;
	s12 =	simm.s32 $0x4278  }
0x7: {  	s16 =	simm.s32 $0x0;
	s1 =	sand.u32 $0x1, s1;
	s2 =	sshll.u32 s2, $0x1  }
0x8: {  	v0 =	vlaneseq.u32;
	[smem:$0x7FF] =	sst s3;
	s4 =	sadd.s32 $0x600, s0;
	s2 =	sor.u32 s1, s2  }
0x9: {  	v1 =	vimm.s32 $0x0;
	vm0 =	vcmask $0x300;
	s5 =	sadd.s32 $0xF42A00, s0;
	v0 =	vmul.u32 $0x88, v0;
	s24 =	ssub.s32 $0x2, s1;
	s7 =	smul.u32 $0x680, s2  }
0xa: {  	v1 =	vsel vm0, $0x3, v1;
	_ =	strace $0x80000047;
	s6 =	smul.u32 $0x68, s2;
	s26 =	sshrl.u32 s24, $0x1  }
0xb: {  	v2 =	vadd.s32 $0x880, v0;
	v3 =	vor.u32 $0x1, v0;
	v4 =	vadd.s32 $0x881, v0;
	s0 =	ssub.s32 s24, s26;
	s26 =	simm.s32 $0x80;
	s25 =	sand.u32 $0xF800, s7  }
0xc: {  	v5 =	vor.u32 $0x2, v0;
	v6 =	vadd.s32 $0x882, v0;
	v7 =	vor.u32 $0x3, v0;
	s8 =	sand.u32 $0x780, s7;
	s0 =	smax.u32 s0, $0x1;
	s1 =	sadd.s32 s4, s25  }
0xd: {  	v8 =	vadd.s32 $0x883, v0;
	v9 =	vor.u32 $0x4, v0;
	v10 =	vadd.s32 $0x884, v0;
	s7 =	sadd.s32 $0x68, s6;
	[dreg:$0x5] =	wrdreg s0;
	s1 =	sadd.s32 s8, s1  }
0xe: {  	v11 =	vor.u32 $0x5, v0;
	v12 =	vadd.s32 $0x885, v0;
	v13 =	vor.u32 $0x6, v0;
	s0 =	simm.s32 $0x3F48;
	[dreg:$0x3] =	wrdreg s1;
	s1 =	sadd.s32 $0x10, s1  }
0xf: {  	v14 =	vadd.s32 $0x886, v0;
	v15 =	vor.u32 $0x7, v0;
	v16 =	vadd.s32 $0x887, v0;
	s8 =	simm.s32 $0x41F0;
	[dreg:$0x4] =	wrdreg s1;
	s1 =	simm.s32 $0x3FD0  }
.LBB2_1:
0x10: {  	[dreg:$0x6] =	wrdreg s16  }
0x11: {  	s2 =	rddreg [dreg:$0x3]  }
0x12: {  	[tilespmem:s3], [sflag:$0x1] =	stream.linear.gather [hbm4b:s2+s3], $0x80, $0x38;
	[tilespmem:$0x4300] =	vst v63  }
0x13: {  	s23 =	rddreg [dreg:$0x4];
	s11 =	simm.s32 $0x80;
	s24 =	simm.s32 $0x1  }
0x14: {  	[tilespmem:s11], [sflag:$0x2] =	stream.linear.gather [hbm4b:s23+s3], $0x80, $0x38;
	[tilespmem:$0x4300] =	vst v63  }
0x15: {  	_ =	swait.ge [sflag:s24], $0x80  }
0x16: {  	[sflag:s24] =	ssyncset.done $0x0  }
0x17: {  	s25 =	simm.s32 $0x100;
	s2 =	simm.s32 $0x0;
	[sflag:s24] =	ssyncadd.s32 $0xFFFFFF80  }
0x18: {  	[tilespmem:s25], [sflag:$0x5] =	stream.indirect.gather [hbm4b:s5+s11], $0x20, s3, s11, $0xb8;
	[tilespmem:$0x4300] =	vst v63  }
.LBB2_2:
0x19: {  	_ =	swait.ge [sflag:s14], $0x1000;
	s11 =	sshll.u32 s2, $0x1  }
0x1a: {  	[sflag:s14] =	ssyncset.done $0x0;
	s16 =	sadd.s32 s6, s11  }
0x1b: {  	[sflag:s14] =	ssyncadd.s32 $0xFFFFF000;
	s11 =	sadd.s32 $0x2, s16  }
0x1c: {  	_ =	swait.ge [sflag:s15], $0x80;
	p1 =	sge.u32 s11, s7  }
0x1d: {  	[sflag:s15] =	ssyncset.done $0x0;
	s11 =	sshll.u32 @!p1 s11, $0x4  }
0x1e: {  	s24 =	simm.s32 $0x1100;
	[sflag:s15] =	ssyncadd.s32 $0xFFFFFF80;
	s18 =	sand.u32 @!p1 $0x1FFFF800, s11  }
0x1f: {  	[tilespmem:s24], [sflag:$0x5] =	stream.indirect.gather [hbm4b:s5+s26], $0x20, s26, s26, $0xb8;
	[tilespmem:$0x4300] =	vst v63  }
0x20: {  	s11 =	sand.u32 @!p1 $0x7E0, s11;
	s18 =	sadd.s32 @!p1 s4, s18  }
0x21: {  	p0 =	seq.s32 s2, $0x0;
	s11 =	sadd.s32 @!p1 s11, s18;
	s18 =	simm.s32 @!p1 $0x0  }
0x22: {  	[tilespmem:s18], [sflag:$0x1] =	stream.linear.gather @!p1 [hbm4b:s11+s18], $0x80, $0x38;
	[tilespmem:$0x4300] =	vst v63  }
0x23: {  	s11 =	simm.s32 @!p0 $0x3  }
0x24: {  	_ =	swait.ge @!p0 [sflag:s11], $0x400  }
0x25: {  	[sflag:s11] =	ssyncset.done @!p0 $0x0  }
0x26: {  	[sflag:s11] =	ssyncadd.s32 @!p0 $0xFFFFFC00  }
0x27: {  	_ =	swait.ge @!p0 [sflag:s11], $0x400  }
0x28: {  	[sflag:s11] =	ssyncset.done @!p0 $0x0  }
0x29: {  	[sflag:s11] =	ssyncadd.s32 @!p0 $0xFFFFFC00  }
0x2a: {  	s25 =	simm.s32 $0x0;
	_ =	swait.ge @!p0 [sflag:s11], $0x400  }
0x2b: {  	v17 =	vmov s25;
	[sflag:s11] =	ssyncset.done @!p0 $0x0  }
0x2c: {  	v17 =	vshrl.u32 v17, $0x3;
	[sflag:s11] =	ssyncadd.s32 @!p0 $0xFFFFFC00  }
0x2d: {  	v17 =	vshll.u32 v17, v1;
	_ =	swait.ge @!p0 [sflag:s11], $0x400  }
0x2e: {  	v17 =	vbroadcast v17, $0x0;
	[sflag:s11] =	ssyncset.done @!p0 $0x0  }
0x2f: {  	s18 =	simm.s32 $0x180;
	[sflag:s11] =	ssyncadd.s32 @!p0 $0xFFFFFC00  }
0x30: {  	v19 =	vadd.s32 v0, v17;
	v18 =	vld [tilespmem:s18+$0xFFFFFF80]  }
0x31: {  	s19 =	simm.s32 $0x1;
	v17 =	vadd.s32 v2, v17;
	v20 =	vld [tilespmem:s18+$0xFFFFFF90]  }
0x32: {  	v21 =	vmov s19  }
0x33: {  	v21 =	vshrl.u32 v21, $0x3  }
0x34: {  	v21 =	vshll.u32 v21, v1  }
0x35: {  	[tilespmem:v19+s17+$0x0] =	vst.idx.msk $0xffff, v18;
	v18 =	vbroadcast v21, $0x0  }
0x36: {  	[tilespmem:v17+s17+$0x0] =	vst.idx.msk $0xffff, v20  }
0x37: {  	v17 =	vld [tilespmem:s18+$0xFFFFFFA0];
	v19 =	vadd.s32 v3, v18  }
0x38: {  	s20 =	simm.s32 $0x2;
	v20 =	vld [tilespmem:s18+$0xFFFFFFB0];
	v18 =	vadd.s32 v4, v18  }
0x39: {  	v58 =	vmov s20  }
0x3a: {  	v21 =	vshrl.u32 v58, $0x3  }
0x3b: {  	v21 =	vshll.u32 v21, v1  }
0x3c: {  	[tilespmem:v19+s17+$0x0] =	vst.idx.msk $0xffff, v17;
	v17 =	vbroadcast v21, $0x0  }
0x3d: {  	[tilespmem:v18+s17+$0x0] =	vst.idx.msk $0xffff, v20  }
0x3e: {  	v18 =	vld [tilespmem:s18+$0xFFFFFFC0];
	v19 =	vadd.s32 v5, v17  }
0x3f: {  	s21 =	simm.s32 $0x3;
	v20 =	vld [tilespmem:s18+$0xFFFFFFD0];
	v17 =	vadd.s32 v6, v17  }
0x40: {  	v59 =	vmov s21  }
0x41: {  	v21 =	vshrl.u32 v59, $0x3  }
0x42: {  	v21 =	vshll.u32 v21, v1  }
0x43: {  	[tilespmem:v19+s17+$0x0] =	vst.idx.msk $0xffff, v18;
	v18 =	vbroadcast v21, $0x0  }
0x44: {  	[tilespmem:v17+s17+$0x0] =	vst.idx.msk $0xffff, v20  }
0x45: {  	v17 =	vld [tilespmem:s18+$0xFFFFFFE0];
	v19 =	vadd.s32 v7, v18  }
0x46: {  	s22 =	simm.s32 $0x4;
	v20 =	vld [tilespmem:s18+$0xFFFFFFF0];
	v18 =	vadd.s32 v8, v18  }
0x47: {  	v60 =	vmov s22  }
0x48: {  	v21 =	vshrl.u32 v60, $0x3  }
0x49: {  	v21 =	vshll.u32 v21, v1  }
0x4a: {  	[tilespmem:v19+s17+$0x0] =	vst.idx.msk $0xffff, v17;
	v17 =	vbroadcast v21, $0x0  }
0x4b: {  	[tilespmem:v18+s17+$0x0] =	vst.idx.msk $0xffff, v20  }
0x4c: {  	v18 =	vld [tilespmem:s18+$0x0];
	v19 =	vadd.s32 v9, v17  }
0x4d: {  	s23 =	simm.s32 $0x5;
	v20 =	vld [tilespmem:s18+$0x10];
	v17 =	vadd.s32 v10, v17  }
0x4e: {  	v61 =	vmov s23  }
0x4f: {  	v21 =	vshrl.u32 v61, $0x3  }
0x50: {  	v21 =	vshll.u32 v21, v1  }
0x51: {  	[tilespmem:v19+s17+$0x0] =	vst.idx.msk $0xffff, v18;
	v18 =	vbroadcast v21, $0x0  }
0x52: {  	[tilespmem:v17+s17+$0x0] =	vst.idx.msk $0xffff, v20  }
0x53: {  	v17 =	vld [tilespmem:s18+$0x20];
	v19 =	vadd.s32 v11, v18  }
0x54: {  	s24 =	simm.s32 $0x6;
	v20 =	vld [tilespmem:s18+$0x30];
	v18 =	vadd.s32 v12, v18  }
0x55: {  	v62 =	vmov s24  }
0x56: {  	v21 =	vshrl.u32 v62, $0x3  }
0x57: {  	v21 =	vshll.u32 v21, v1  }
0x58: {  	[tilespmem:v19+s17+$0x0] =	vst.idx.msk $0xffff, v17;
	v17 =	vbroadcast v21, $0x0  }
0x59: {  	[tilespmem:v18+s17+$0x0] =	vst.idx.msk $0xffff, v20  }
0x5a: {  	v18 =	vld [tilespmem:s18+$0x40];
	v19 =	vadd.s32 v13, v17  }
0x5b: {  	s25 =	simm.s32 $0x7;
	v20 =	vld [tilespmem:s18+$0x50];
	v17 =	vadd.s32 v14, v17  }
0x5c: {  	v63 =	vmov s25  }
0x5d: {  	v21 =	vshrl.u32 v63, $0x3  }
0x5e: {  	v21 =	vshll.u32 v21, v1  }
0x5f: {  	[tilespmem:v19+s17+$0x0] =	vst.idx.msk $0xffff, v18;
	v19 =	vbroadcast v21, $0x0  }
0x60: {  	[tilespmem:v17+s17+$0x0] =	vst.idx.msk $0xffff, v20  }
0x61: {  	v20 =	vld [tilespmem:s18+$0x60];
	v21 =	vadd.s32 v15, v19  }
0x62: {  	s19 =	simm.s32 $0x8  }
0x63: {  	v17 =	vmov s19;
	v18 =	vld [tilespmem:s18+$0x70];
	v19 =	vadd.s32 v16, v19  }
0x64: {  	v17 =	vshrl.u32 v17, $0x3  }
0x65: {  	v17 =	vshll.u32 v17, v1  }
0x66: {  	s11 =	simm.s32 $0x10;
	v17 =	vbroadcast v17, $0x0;
	[tilespmem:v21+s17+$0x0] =	vst.idx.msk $0xffff, v20  }
.LBB2_3:
0x67: {  	p2 =	slt.u32 s11, $0x78  }
0x68: {  	[tilespmem:v19+s17+$0x0] =	vst.idx.msk $0xffff, v18;
	s18 =	sadd.s32 $0x100, s18;
	s20 =	smov.u32 s11;
	s11 =	sadd.s32 $0x8, s11  }
0x69: {  	v18 =	vld [tilespmem:s18+$0xFFFFFF80];
	v19 =	vadd.s32 v0, v17  }
0x6a: {  	s21 =	sadd.s32 $0x1, s19;
	v17 =	vadd.s32 v2, v17;
	v20 =	vld [tilespmem:s18+$0xFFFFFF90]  }
0x6b: {  	v21 =	vmov s21  }
0x6c: {  	v21 =	vshrl.u32 v21, $0x3  }
0x6d: {  	v21 =	vshll.u32 v21, v1  }
0x6e: {  	[tilespmem:v19+s17+$0x0] =	vst.idx.msk $0xffff, v18;
	v18 =	vbroadcast v21, $0x0  }
0x6f: {  	[tilespmem:v17+s17+$0x0] =	vst.idx.msk $0xffff, v20  }
0x70: {  	v17 =	vld [tilespmem:s18+$0xFFFFFFA0];
	v19 =	vadd.s32 v3, v18  }
0x71: {  	s21 =	sadd.s32 $0x2, s19;
	v18 =	vadd.s32 v4, v18;
	v20 =	vld [tilespmem:s18+$0xFFFFFFB0]  }
0x72: {  	v21 =	vmov s21  }
0x73: {  	v21 =	vshrl.u32 v21, $0x3  }
0x74: {  	v21 =	vshll.u32 v21, v1  }
0x75: {  	[tilespmem:v19+s17+$0x0] =	vst.idx.msk $0xffff, v17;
	v17 =	vbroadcast v21, $0x0  }
0x76: {  	[tilespmem:v18+s17+$0x0] =	vst.idx.msk $0xffff, v20  }
0x77: {  	v18 =	vld [tilespmem:s18+$0xFFFFFFC0];
	v19 =	vadd.s32 v5, v17  }
0x78: {  	s21 =	sadd.s32 $0x3, s19;
	v17 =	vadd.s32 v6, v17;
	v20 =	vld [tilespmem:s18+$0xFFFFFFD0]  }
0x79: {  	v21 =	vmov s21  }
0x7a: {  	v21 =	vshrl.u32 v21, $0x3  }
0x7b: {  	v21 =	vshll.u32 v21, v1  }
0x7c: {  	[tilespmem:v19+s17+$0x0] =	vst.idx.msk $0xffff, v18;
	v18 =	vbroadcast v21, $0x0  }
0x7d: {  	[tilespmem:v17+s17+$0x0] =	vst.idx.msk $0xffff, v20  }
0x7e: {  	v17 =	vld [tilespmem:s18+$0xFFFFFFE0];
	v19 =	vadd.s32 v7, v18  }
0x7f: {  	s21 =	sadd.s32 $0x4, s19;
	v18 =	vadd.s32 v8, v18;
	v20 =	vld [tilespmem:s18+$0xFFFFFFF0]  }
0x80: {  	v21 =	vmov s21  }
0x81: {  	v21 =	vshrl.u32 v21, $0x3  }
0x82: {  	v21 =	vshll.u32 v21, v1  }
0x83: {  	[tilespmem:v19+s17+$0x0] =	vst.idx.msk $0xffff, v17;
	v17 =	vbroadcast v21, $0x0  }
0x84: {  	[tilespmem:v18+s17+$0x0] =	vst.idx.msk $0xffff, v20  }
0x85: {  	v18 =	vld [tilespmem:s18+$0x0];
	v19 =	vadd.s32 v9, v17  }
0x86: {  	s21 =	sadd.s32 $0x5, s19;
	v17 =	vadd.s32 v10, v17;
	v20 =	vld [tilespmem:s18+$0x10]  }
0x87: {  	v21 =	vmov s21  }
0x88: {  	v21 =	vshrl.u32 v21, $0x3  }
0x89: {  	v21 =	vshll.u32 v21, v1  }
0x8a: {  	[tilespmem:v19+s17+$0x0] =	vst.idx.msk $0xffff, v18;
	v18 =	vbroadcast v21, $0x0  }
0x8b: {  	[tilespmem:v17+s17+$0x0] =	vst.idx.msk $0xffff, v20  }
0x8c: {  	v17 =	vld [tilespmem:s18+$0x20];
	v19 =	vadd.s32 v11, v18  }
0x8d: {  	s21 =	sadd.s32 $0x6, s19;
	v18 =	vadd.s32 v12, v18;
	v20 =	vld [tilespmem:s18+$0x30]  }
0x8e: {  	v21 =	vmov s21  }
0x8f: {  	v21 =	vshrl.u32 v21, $0x3  }
0x90: {  	v21 =	vshll.u32 v21, v1  }
0x91: {  	[tilespmem:v19+s17+$0x0] =	vst.idx.msk $0xffff, v17;
	v17 =	vbroadcast v21, $0x0  }
0x92: {  	[tilespmem:v18+s17+$0x0] =	vst.idx.msk $0xffff, v20  }
0x93: {  	v18 =	vld [tilespmem:s18+$0x40];
	v19 =	vadd.s32 v13, v17  }
0x94: {  	s21 =	sadd.s32 $0x7, s19;
	s19 =	smov.u32 s20;
	v17 =	vadd.s32 v14, v17;
	v20 =	vld [tilespmem:s18+$0x50]  }
0x95: {  	v21 =	vmov s21  }
0x96: {  	v21 =	vshrl.u32 v21, $0x3  }
0x97: {  	v21 =	vshll.u32 v21, v1  }
0x98: {  	[tilespmem:v19+s17+$0x0] =	vst.idx.msk $0xffff, v18;
	v19 =	vbroadcast v21, $0x0  }
0x99: {  	[tilespmem:v17+s17+$0x0] =	vst.idx.msk $0xffff, v20  }
0x9a: {  	v20 =	vld [tilespmem:s18+$0x60];
	v21 =	vadd.s32 v15, v19  }
.Ltmp0:
0x9b: {  	v19 =	vadd.s32 v16, v19;
	v18 =	vld [tilespmem:s18+$0x70];
	(pc) =	sbr.rel @p2 .LBB2_3-.Ltmp0, $4  }
0x9c: {  	v17 =	vmov s19  }
0x9d: {  	v17 =	vshrl.u32 v17, $0x3  }
0x9e: {  	v17 =	vshll.u32 v17, v1  }
0x9f: {  	v17 =	vbroadcast v17, $0x0;
	[tilespmem:v21+s17+$0x0] =	vst.idx.msk $0xffff, v20  }
0xa0: {  	_ =	sdelay $0x3  }
0xa1: {  	[tilespmem:v19+s17+$0x0] =	vst.idx.msk $0xffff, v18;
	s11 =	sadd.s32 $0x100, s18  }
0xa2: {  	v18 =	vld [tilespmem:s11+$0xFFFFFF80];
	v19 =	vadd.s32 v0, v17  }
0xa3: {  	s20 =	sadd.s32 $0x1, s19;
	v20 =	vld [tilespmem:s11+$0xFFFFFF90];
	v17 =	vadd.s32 v2, v17  }
0xa4: {  	v21 =	vmov s20  }
0xa5: {  	v21 =	vshrl.u32 v21, $0x3  }
0xa6: {  	v21 =	vshll.u32 v21, v1  }
0xa7: {  	[tilespmem:v19+s17+$0x0] =	vst.idx.msk $0xffff, v18;
	v18 =	vbroadcast v21, $0x0  }
0xa8: {  	[tilespmem:v17+s17+$0x0] =	vst.idx.msk $0xffff, v20  }
0xa9: {  	v17 =	vld [tilespmem:s11+$0xFFFFFFA0];
	v19 =	vadd.s32 v3, v18  }
0xaa: {  	s21 =	sadd.s32 $0x2, s19;
	v20 =	vld [tilespmem:s11+$0xFFFFFFB0];
	v18 =	vadd.s32 v4, v18  }
0xab: {  	v51 =	vmov s21  }
0xac: {  	v21 =	vshrl.u32 v51, $0x3  }
0xad: {  	v21 =	vshll.u32 v21, v1  }
0xae: {  	[tilespmem:v19+s17+$0x0] =	vst.idx.msk $0xffff, v17;
	v17 =	vbroadcast v21, $0x0  }
0xaf: {  	[tilespmem:v18+s17+$0x0] =	vst.idx.msk $0xffff, v20  }
0xb0: {  	v18 =	vld [tilespmem:s11+$0xFFFFFFC0];
	v19 =	vadd.s32 v5, v17  }
0xb1: {  	s22 =	sadd.s32 $0x3, s19;
	v20 =	vld [tilespmem:s11+$0xFFFFFFD0];
	v17 =	vadd.s32 v6, v17  }
0xb2: {  	v52 =	vmov s22  }
0xb3: {  	v21 =	vshrl.u32 v52, $0x3  }
0xb4: {  	v21 =	vshll.u32 v21, v1  }
0xb5: {  	[tilespmem:v19+s17+$0x0] =	vst.idx.msk $0xffff, v18;
	v18 =	vbroadcast v21, $0x0  }
0xb6: {  	[tilespmem:v17+s17+$0x0] =	vst.idx.msk $0xffff, v20  }
0xb7: {  	v17 =	vld [tilespmem:s11+$0xFFFFFFE0];
	v19 =	vadd.s32 v7, v18  }
0xb8: {  	s23 =	sadd.s32 $0x4, s19;
	v20 =	vld [tilespmem:s11+$0xFFFFFFF0];
	v18 =	vadd.s32 v8, v18  }
0xb9: {  	v53 =	vmov s23  }
0xba: {  	v21 =	vshrl.u32 v53, $0x3  }
0xbb: {  	v21 =	vshll.u32 v21, v1  }
0xbc: {  	[tilespmem:v19+s17+$0x0] =	vst.idx.msk $0xffff, v17;
	v17 =	vbroadcast v21, $0x0  }
0xbd: {  	[tilespmem:v18+s17+$0x0] =	vst.idx.msk $0xffff, v20  }
0xbe: {  	v18 =	vld [tilespmem:s11+$0x0];
	v19 =	vadd.s32 v9, v17  }
0xbf: {  	s24 =	sadd.s32 $0x5, s19;
	v20 =	vld [tilespmem:s11+$0x10];
	v17 =	vadd.s32 v10, v17  }
0xc0: {  	v54 =	vmov s24  }
0xc1: {  	v21 =	vshrl.u32 v54, $0x3  }
0xc2: {  	v21 =	vshll.u32 v21, v1  }
0xc3: {  	[tilespmem:v19+s17+$0x0] =	vst.idx.msk $0xffff, v18;
	v18 =	vbroadcast v21, $0x0  }
0xc4: {  	[tilespmem:v17+s17+$0x0] =	vst.idx.msk $0xffff, v20  }
0xc5: {  	v17 =	vld [tilespmem:s11+$0x20];
	v19 =	vadd.s32 v11, v18  }
0xc6: {  	s25 =	sadd.s32 $0x6, s19;
	v20 =	vld [tilespmem:s11+$0x30];
	v18 =	vadd.s32 v12, v18  }
0xc7: {  	v55 =	vmov s25  }
0xc8: {  	v21 =	vshrl.u32 v55, $0x3  }
0xc9: {  	v21 =	vshll.u32 v21, v1  }
0xca: {  	[tilespmem:v19+s17+$0x0] =	vst.idx.msk $0xffff, v17;
	v17 =	vbroadcast v21, $0x0  }
0xcb: {  	[tilespmem:v18+s17+$0x0] =	vst.idx.msk $0xffff, v20  }
0xcc: {  	v18 =	vld [tilespmem:s11+$0x40];
	v19 =	vadd.s32 v13, v17  }
0xcd: {  	s20 =	sadd.s32 $0x7, s19;
	v20 =	vld [tilespmem:s11+$0x50];
	v17 =	vadd.s32 v14, v17  }
0xce: {  	v56 =	vmov s20  }
0xcf: {  	v21 =	vshrl.u32 v56, $0x3  }
0xd0: {  	v21 =	vshll.u32 v21, v1  }
0xd1: {  	[tilespmem:v19+s17+$0x0] =	vst.idx.msk $0xffff, v18;
	v18 =	vbroadcast v21, $0x0  }
0xd2: {  	[tilespmem:v17+s17+$0x0] =	vst.idx.msk $0xffff, v20  }
0xd3: {  	v17 =	vld [tilespmem:s11+$0x60];
	v19 =	vadd.s32 v15, v18  }
0xd4: {  	v20 =	vld [tilespmem:s11+$0x70];
	v18 =	vadd.s32 v16, v18;
	_ =	sdelay $0x1  }
0xd5: {  	s21 =	sshll.u32 s16, $0x9  }
0xd6: {  	s22 =	sshll.u32 s16, $0x7;
	s23 =	rddreg [dreg:$0x1];
	s11 =	sand.u32 $0x1FFF0000, s21  }
0xd7: {  	s19 =	sand.u32 $0x3F00, s22;
	s18 =	sadd.s32 s23, s11;
	[tilespmem:v19+s17+$0x0] =	vst.idx.msk $0xffff, v17  }
0xd8: {  	s11 =	sadd.s32 s19, s18;
	[tilespmem:v18+s17+$0x0] =	vst.idx.msk $0xffff, v20  }
0xd9: {  	[hbm4b:s11+s3] =	stream.linear.scatter [tilespmem:s17], [sflag:$0x3], $0x80, $0x38;
	[tilespmem:$0x4300] =	vst v63  }
0xda: {  	s21 =	simm.s32 $0x2188;
	s20 =	sadd.s32 $0x10, s11  }
0xdb: {  	[hbm4b:s20+s3] =	stream.linear.scatter [tilespmem:s21], [sflag:$0x3], $0x80, $0x38;
	[tilespmem:$0x4300] =	vst v63  }
0xdc: {  	s25 =	simm.s32 $0x2210;
	s24 =	sadd.s32 $0x20, s11  }
0xdd: {  	[hbm4b:s24+s3] =	stream.linear.scatter [tilespmem:s25], [sflag:$0x3], $0x80, $0x38;
	[tilespmem:$0x4300] =	vst v63  }
0xde: {  	s23 =	simm.s32 $0x2298;
	s22 =	sadd.s32 $0x30, s11  }
0xdf: {  	[hbm4b:s22+s3] =	stream.linear.scatter [tilespmem:s23], [sflag:$0x3], $0x80, $0x38;
	[tilespmem:$0x4300] =	vst v63  }
0xe0: {  	s24 =	sadd.s32 $0x40, s11;
	s25 =	simm.s32 $0x2320  }
0xe1: {  	[hbm4b:s24+s3] =	stream.linear.scatter [tilespmem:s25], [sflag:$0x3], $0x80, $0x38;
	[tilespmem:$0x4300] =	vst v63  }
0xe2: {  	s22 =	sadd.s32 $0x50, s11;
	s23 =	simm.s32 $0x23A8  }
0xe3: {  	[hbm4b:s22+s3] =	stream.linear.scatter [tilespmem:s23], [sflag:$0x3], $0x80, $0x38;
	[tilespmem:$0x4300] =	vst v63  }
0xe4: {  	s24 =	sadd.s32 $0x60, s11;
	s25 =	simm.s32 $0x2430  }
0xe5: {  	[hbm4b:s24+s3] =	stream.linear.scatter [tilespmem:s25], [sflag:$0x3], $0x80, $0x38;
	[tilespmem:$0x4300] =	vst v63  }
0xe6: {  	s21 =	simm.s32 $0x24B8;
	s20 =	sadd.s32 $0x4000, s18;
	s11 =	sadd.s32 $0x70, s11  }
0xe7: {  	[hbm4b:s11+s3] =	stream.linear.scatter [tilespmem:s21], [sflag:$0x3], $0x80, $0x38;
	[tilespmem:$0x4300] =	vst v63  }
0xe8: {  	s22 =	simm.s32 $0x2540;
	s11 =	sadd.s32 s19, s20  }
0xe9: {  	[hbm4b:s11+s3] =	stream.linear.scatter [tilespmem:s22], [sflag:$0x3], $0x80, $0x38;
	[tilespmem:$0x4300] =	vst v63  }
0xea: {  	s23 =	sadd.s32 $0x10, s11;
	s22 =	simm.s32 $0x25C8  }
0xeb: {  	[hbm4b:s23+s3] =	stream.linear.scatter [tilespmem:s22], [sflag:$0x3], $0x80, $0x38;
	[tilespmem:$0x4300] =	vst v63  }
0xec: {  	s25 =	simm.s32 $0x2650;
	s24 =	sadd.s32 $0x20, s11  }
0xed: {  	[hbm4b:s24+s3] =	stream.linear.scatter [tilespmem:s25], [sflag:$0x3], $0x80, $0x38;
	[tilespmem:$0x4300] =	vst v63  }
0xee: {  	s22 =	sadd.s32 $0x30, s11;
	s23 =	simm.s32 $0x26D8  }
0xef: {  	[hbm4b:s22+s3] =	stream.linear.scatter [tilespmem:s23], [sflag:$0x3], $0x80, $0x38;
	[tilespmem:$0x4300] =	vst v63  }
0xf0: {  	s24 =	sadd.s32 $0x40, s11;
	s25 =	simm.s32 $0x2760  }
0xf1: {  	[hbm4b:s24+s3] =	stream.linear.scatter [tilespmem:s25], [sflag:$0x3], $0x80, $0x38;
	[tilespmem:$0x4300] =	vst v63  }
0xf2: {  	s22 =	sadd.s32 $0x50, s11;
	s23 =	simm.s32 $0x27E8  }
0xf3: {  	[hbm4b:s22+s3] =	stream.linear.scatter [tilespmem:s23], [sflag:$0x3], $0x80, $0x38;
	[tilespmem:$0x4300] =	vst v63  }
0xf4: {  	s24 =	sadd.s32 $0x60, s11;
	s25 =	simm.s32 $0x2870  }
0xf5: {  	[hbm4b:s24+s3] =	stream.linear.scatter [tilespmem:s25], [sflag:$0x3], $0x80, $0x38;
	[tilespmem:$0x4300] =	vst v63  }
0xf6: {  	s21 =	sadd.s32 $0x8000, s18;
	s11 =	sadd.s32 $0x70, s11;
	s23 =	simm.s32 $0x28F8  }
0xf7: {  	[hbm4b:s11+s3] =	stream.linear.scatter [tilespmem:s23], [sflag:$0x3], $0x80, $0x38;
	[tilespmem:$0x4300] =	vst v63  }
0xf8: {  	s24 =	simm.s32 $0x2980;
	s11 =	sadd.s32 s19, s21  }
0xf9: {  	[hbm4b:s11+s3] =	stream.linear.scatter [tilespmem:s24], [sflag:$0x3], $0x80, $0x38;
	[tilespmem:$0x4300] =	vst v63  }
0xfa: {  	s23 =	simm.s32 $0x2A08;
	s25 =	sadd.s32 $0x10, s11  }
0xfb: {  	[hbm4b:s25+s3] =	stream.linear.scatter [tilespmem:s23], [sflag:$0x3], $0x80, $0x38;
	[tilespmem:$0x4300] =	vst v63  }
0xfc: {  	s24 =	sadd.s32 $0x20, s11;
	s25 =	simm.s32 $0x2A90  }
0xfd: {  	[hbm4b:s24+s3] =	stream.linear.scatter [tilespmem:s25], [sflag:$0x3], $0x80, $0x38;
	[tilespmem:$0x4300] =	vst v63  }
0xfe: {  	s24 =	sadd.s32 $0x30, s11;
	s25 =	simm.s32 $0x2B18  }
0xff: {  	[hbm4b:s24+s3] =	stream.linear.scatter [tilespmem:s25], [sflag:$0x3], $0x80, $0x38;
	[tilespmem:$0x4300] =	vst v63  }
0x100: {  	s24 =	sadd.s32 $0x40, s11;
	s25 =	simm.s32 $0x2BA0  }
0x101: {  	[hbm4b:s24+s3] =	stream.linear.scatter [tilespmem:s25], [sflag:$0x3], $0x80, $0x38;
	[tilespmem:$0x4300] =	vst v63  }
0x102: {  	s24 =	sadd.s32 $0x50, s11;
	s25 =	simm.s32 $0x2C28  }
0x103: {  	[hbm4b:s24+s3] =	stream.linear.scatter [tilespmem:s25], [sflag:$0x3], $0x80, $0x38;
	[tilespmem:$0x4300] =	vst v63  }
0x104: {  	s24 =	sadd.s32 $0x60, s11;
	s25 =	simm.s32 $0x2CB0  }
0x105: {  	[hbm4b:s24+s3] =	stream.linear.scatter [tilespmem:s25], [sflag:$0x3], $0x80, $0x38;
	[tilespmem:$0x4300] =	vst v63  }
0x106: {  	s22 =	sadd.s32 $0xC000, s18;
	s23 =	simm.s32 $0x2D38;
	s11 =	sadd.s32 $0x70, s11  }
0x107: {  	[hbm4b:s11+s3] =	stream.linear.scatter [tilespmem:s23], [sflag:$0x3], $0x80, $0x38;
	[tilespmem:$0x4300] =	vst v63  }
0x108: {  	s24 =	simm.s32 $0x2DC0;
	s11 =	sadd.s32 s19, s22  }
0x109: {  	[hbm4b:s11+s3] =	stream.linear.scatter [tilespmem:s24], [sflag:$0x3], $0x80, $0x38;
	[tilespmem:$0x4300] =	vst v63  }
0x10a: {  	s25 =	sadd.s32 $0x10, s11;
	s24 =	simm.s32 $0x2E48  }
0x10b: {  	[hbm4b:s25+s3] =	stream.linear.scatter [tilespmem:s24], [sflag:$0x3], $0x80, $0x38;
	[tilespmem:$0x4300] =	vst v63  }
0x10c: {  	s24 =	sadd.s32 $0x20, s11;
	s25 =	simm.s32 $0x2ED0  }
0x10d: {  	[hbm4b:s24+s3] =	stream.linear.scatter [tilespmem:s25], [sflag:$0x3], $0x80, $0x38;
	[tilespmem:$0x4300] =	vst v63  }
0x10e: {  	s24 =	sadd.s32 $0x30, s11;
	s25 =	simm.s32 $0x2F58  }
0x10f: {  	[hbm4b:s24+s3] =	stream.linear.scatter [tilespmem:s25], [sflag:$0x3], $0x80, $0x38;
	[tilespmem:$0x4300] =	vst v63  }
0x110: {  	s24 =	sadd.s32 $0x40, s11;
	s25 =	simm.s32 $0x2FE0  }
0x111: {  	[hbm4b:s24+s3] =	stream.linear.scatter [tilespmem:s25], [sflag:$0x3], $0x80, $0x38;
	[tilespmem:$0x4300] =	vst v63  }
0x112: {  	s24 =	sadd.s32 $0x50, s11;
	s25 =	simm.s32 $0x3068  }
0x113: {  	[hbm4b:s24+s3] =	stream.linear.scatter [tilespmem:s25], [sflag:$0x3], $0x80, $0x38;
	[tilespmem:$0x4300] =	vst v63  }
0x114: {  	s24 =	sadd.s32 $0x60, s11;
	s25 =	simm.s32 $0x30F0  }
0x115: {  	[hbm4b:s24+s3] =	stream.linear.scatter [tilespmem:s25], [sflag:$0x3], $0x80, $0x38;
	[tilespmem:$0x4300] =	vst v63  }
0x116: {  	s11 =	sadd.s32 $0x70, s11;
	s25 =	simm.s32 $0x3178  }
0x117: {  	[hbm4b:s11+s3] =	stream.linear.scatter [tilespmem:s25], [sflag:$0x3], $0x80, $0x38;
	[tilespmem:$0x4300] =	vst v63  }
0x118: {  	_ =	swait.ge [sflag:s14], $0x1000  }
0x119: {  	[sflag:s14] =	ssyncset.done $0x0  }
0x11a: {  	s11 =	simm.s32 @!p1 $0x1;
	[sflag:s14] =	ssyncadd.s32 $0xFFFFF000  }
0x11b: {  	_ =	swait.ge @!p1 [sflag:s11], $0x80  }
0x11c: {  	s23 =	simm.s32 @!p1 $0x0;
	[sflag:s11] =	ssyncset.done @!p1 $0x0  }
0x11d: {  	s24 =	simm.s32 @!p1 $0x100;
	[sflag:s11] =	ssyncadd.s32 @!p1 $0xFFFFFF80;
	s11 =	simm.s32 @!p1 $0x80  }
0x11e: {  	[tilespmem:s24], [sflag:$0x5] =	stream.indirect.gather @!p1 [hbm4b:s5+s11], $0x20, s23, s11, $0xb8;
	[tilespmem:$0x4300] =	vst v63  }
0x11f: {  	s11 =	sadd.s32 $0x3, s16  }
0x120: {  	p1 =	sge.u32 s11, s7  }
0x121: {  	s11 =	sshll.u32 @!p1 s11, $0x4  }
0x122: {  	s16 =	sand.u32 @!p1 $0x1FFFF800, s11  }
0x123: {  	s11 =	sand.u32 @!p1 $0x7F0, s11;
	s16 =	sadd.s32 @!p1 s4, s16  }
0x124: {  	s23 =	simm.s32 @!p1 $0x80;
	s11 =	sadd.s32 @!p1 s11, s16;
	s16 =	simm.s32 @!p1 $0x0  }
0x125: {  	[tilespmem:s23], [sflag:$0x2] =	stream.linear.gather @!p1 [hbm4b:s11+s16], $0x80, $0x38;
	[tilespmem:$0x4300] =	vst v63  }
0x126: {  	s11 =	simm.s32 @!p0 $0x4  }
0x127: {  	_ =	swait.ge @!p0 [sflag:s11], $0x400  }
0x128: {  	[sflag:s11] =	ssyncset.done @!p0 $0x0  }
0x129: {  	[sflag:s11] =	ssyncadd.s32 @!p0 $0xFFFFFC00  }
0x12a: {  	_ =	swait.ge @!p0 [sflag:s11], $0x400  }
0x12b: {  	[sflag:s11] =	ssyncset.done @!p0 $0x0  }
0x12c: {  	[sflag:s11] =	ssyncadd.s32 @!p0 $0xFFFFFC00  }
0x12d: {  	s24 =	simm.s32 $0x0;
	_ =	swait.ge @!p0 [sflag:s11], $0x400  }
0x12e: {  	v17 =	vmov s24;
	[sflag:s11] =	ssyncset.done @!p0 $0x0  }
0x12f: {  	v17 =	vshrl.u32 v17, $0x3;
	[sflag:s11] =	ssyncadd.s32 @!p0 $0xFFFFFC00  }
0x130: {  	v17 =	vshll.u32 v17, v1;
	_ =	swait.ge @!p0 [sflag:s11], $0x400  }
0x131: {  	v17 =	vbroadcast v17, $0x0;
	[sflag:s11] =	ssyncset.done @!p0 $0x0  }
0x132: {  	s16 =	simm.s32 $0x11F0;
	[sflag:s11] =	ssyncadd.s32 @!p0 $0xFFFFFC00  }
0x133: {  	v19 =	vadd.s32 v0, v17;
	v18 =	vld [tilespmem:s16+$0xFFFFFF10]  }
0x134: {  	s25 =	simm.s32 $0x1;
	v17 =	vadd.s32 v2, v17;
	v20 =	vld [tilespmem:s16+$0xFFFFFF20]  }
0x135: {  	v57 =	vmov s25  }
0x136: {  	v21 =	vshrl.u32 v57, $0x3  }
0x137: {  	v21 =	vshll.u32 v21, v1  }
0x138: {  	[tilespmem:v19+s28+$0x0] =	vst.idx.msk $0xffff, v18;
	v18 =	vbroadcast v21, $0x0  }
0x139: {  	[tilespmem:v17+s28+$0x0] =	vst.idx.msk $0xffff, v20  }
0x13a: {  	v17 =	vld [tilespmem:s16+$0xFFFFFF30];
	v19 =	vadd.s32 v3, v18  }
0x13b: {  	s23 =	simm.s32 $0x2;
	v20 =	vld [tilespmem:s16+$0xFFFFFF40];
	v18 =	vadd.s32 v4, v18  }
0x13c: {  	v58 =	vmov s23  }
0x13d: {  	v21 =	vshrl.u32 v58, $0x3  }
0x13e: {  	v21 =	vshll.u32 v21, v1  }
0x13f: {  	[tilespmem:v19+s28+$0x0] =	vst.idx.msk $0xffff, v17;
	v17 =	vbroadcast v21, $0x0  }
0x140: {  	[tilespmem:v18+s28+$0x0] =	vst.idx.msk $0xffff, v20  }
0x141: {  	v18 =	vld [tilespmem:s16+$0xFFFFFF50];
	v19 =	vadd.s32 v5, v17  }
0x142: {  	s24 =	simm.s32 $0x3;
	v20 =	vld [tilespmem:s16+$0xFFFFFF60];
	v17 =	vadd.s32 v6, v17  }
0x143: {  	v59 =	vmov s24  }
0x144: {  	v21 =	vshrl.u32 v59, $0x3  }
0x145: {  	v21 =	vshll.u32 v21, v1  }
0x146: {  	[tilespmem:v19+s28+$0x0] =	vst.idx.msk $0xffff, v18;
	v18 =	vbroadcast v21, $0x0  }
0x147: {  	[tilespmem:v17+s28+$0x0] =	vst.idx.msk $0xffff, v20  }
0x148: {  	v17 =	vld [tilespmem:s16+$0xFFFFFF70];
	v19 =	vadd.s32 v7, v18  }
0x149: {  	s25 =	simm.s32 $0x4;
	v20 =	vld [tilespmem:s16+$0xFFFFFF80];
	v18 =	vadd.s32 v8, v18  }
0x14a: {  	v60 =	vmov s25  }
0x14b: {  	v21 =	vshrl.u32 v60, $0x3  }
0x14c: {  	v21 =	vshll.u32 v21, v1  }
0x14d: {  	[tilespmem:v19+s28+$0x0] =	vst.idx.msk $0xffff, v17;
	v17 =	vbroadcast v21, $0x0  }
0x14e: {  	[tilespmem:v18+s28+$0x0] =	vst.idx.msk $0xffff, v20  }
0x14f: {  	v18 =	vld [tilespmem:s16+$0xFFFFFF90];
	v19 =	vadd.s32 v9, v17  }
0x150: {  	s23 =	simm.s32 $0x5;
	v20 =	vld [tilespmem:s16+$0xFFFFFFA0];
	v17 =	vadd.s32 v10, v17  }
0x151: {  	v61 =	vmov s23  }
0x152: {  	v21 =	vshrl.u32 v61, $0x3  }
0x153: {  	v21 =	vshll.u32 v21, v1  }
0x154: {  	[tilespmem:v19+s28+$0x0] =	vst.idx.msk $0xffff, v18;
	v18 =	vbroadcast v21, $0x0  }
0x155: {  	[tilespmem:v17+s28+$0x0] =	vst.idx.msk $0xffff, v20  }
0x156: {  	v17 =	vld [tilespmem:s16+$0xFFFFFFB0];
	v19 =	vadd.s32 v11, v18  }
0x157: {  	s24 =	simm.s32 $0x6;
	v20 =	vld [tilespmem:s16+$0xFFFFFFC0];
	v18 =	vadd.s32 v12, v18  }
0x158: {  	v62 =	vmov s24  }
0x159: {  	v21 =	vshrl.u32 v62, $0x3  }
0x15a: {  	v21 =	vshll.u32 v21, v1  }
0x15b: {  	[tilespmem:v19+s28+$0x0] =	vst.idx.msk $0xffff, v17;
	v17 =	vbroadcast v21, $0x0  }
0x15c: {  	[tilespmem:v18+s28+$0x0] =	vst.idx.msk $0xffff, v20  }
0x15d: {  	v18 =	vld [tilespmem:s16+$0xFFFFFFD0];
	v19 =	vadd.s32 v13, v17  }
0x15e: {  	s25 =	simm.s32 $0x7;
	v20 =	vld [tilespmem:s16+$0xFFFFFFE0];
	v17 =	vadd.s32 v14, v17  }
0x15f: {  	v63 =	vmov s25  }
0x160: {  	v21 =	vshrl.u32 v63, $0x3  }
0x161: {  	v21 =	vshll.u32 v21, v1  }
0x162: {  	[tilespmem:v19+s28+$0x0] =	vst.idx.msk $0xffff, v18;
	v19 =	vbroadcast v21, $0x0  }
0x163: {  	[tilespmem:v17+s28+$0x0] =	vst.idx.msk $0xffff, v20  }
0x164: {  	v20 =	vld [tilespmem:s16+$0xFFFFFFF0];
	v21 =	vadd.s32 v15, v19  }
0x165: {  	s11 =	simm.s32 $0x8  }
0x166: {  	v17 =	vmov s11;
	v18 =	vld [tilespmem:s16+$0x0];
	v19 =	vadd.s32 v16, v19  }
0x167: {  	v17 =	vshrl.u32 v17, $0x3  }
0x168: {  	v17 =	vshll.u32 v17, v1  }
0x169: {  	s23 =	simm.s32 $0x10;
	v17 =	vbroadcast v17, $0x0;
	[tilespmem:v21+s28+$0x0] =	vst.idx.msk $0xffff, v20  }
.LBB2_5:
0x16a: {  	p0 =	slt.u32 s23, $0x78  }
0x16b: {  	[tilespmem:v19+s28+$0x0] =	vst.idx.msk $0xffff, v18;
	s16 =	sadd.s32 $0x100, s16;
	s24 =	smov.u32 s23;
	s23 =	sadd.s32 $0x8, s23  }
0x16c: {  	v18 =	vld [tilespmem:s16+$0xFFFFFF10];
	v19 =	vadd.s32 v0, v17  }
0x16d: {  	s25 =	sadd.s32 $0x1, s11;
	v17 =	vadd.s32 v2, v17;
	v20 =	vld [tilespmem:s16+$0xFFFFFF20]  }
0x16e: {  	v21 =	vmov s25  }
0x16f: {  	v21 =	vshrl.u32 v21, $0x3  }
0x170: {  	v21 =	vshll.u32 v21, v1  }
0x171: {  	[tilespmem:v19+s28+$0x0] =	vst.idx.msk $0xffff, v18;
	v18 =	vbroadcast v21, $0x0  }
0x172: {  	[tilespmem:v17+s28+$0x0] =	vst.idx.msk $0xffff, v20  }
0x173: {  	v17 =	vld [tilespmem:s16+$0xFFFFFF30];
	v19 =	vadd.s32 v3, v18  }
0x174: {  	s25 =	sadd.s32 $0x2, s11;
	v18 =	vadd.s32 v4, v18;
	v20 =	vld [tilespmem:s16+$0xFFFFFF40]  }
0x175: {  	v21 =	vmov s25  }
0x176: {  	v21 =	vshrl.u32 v21, $0x3  }
0x177: {  	v21 =	vshll.u32 v21, v1  }
0x178: {  	[tilespmem:v19+s28+$0x0] =	vst.idx.msk $0xffff, v17;
	v17 =	vbroadcast v21, $0x0  }
0x179: {  	[tilespmem:v18+s28+$0x0] =	vst.idx.msk $0xffff, v20  }
0x17a: {  	v18 =	vld [tilespmem:s16+$0xFFFFFF50];
	v19 =	vadd.s32 v5, v17  }
0x17b: {  	s25 =	sadd.s32 $0x3, s11;
	v17 =	vadd.s32 v6, v17;
	v20 =	vld [tilespmem:s16+$0xFFFFFF60]  }
0x17c: {  	v21 =	vmov s25  }
0x17d: {  	v21 =	vshrl.u32 v21, $0x3  }
0x17e: {  	v21 =	vshll.u32 v21, v1  }
0x17f: {  	[tilespmem:v19+s28+$0x0] =	vst.idx.msk $0xffff, v18;
	v18 =	vbroadcast v21, $0x0  }
0x180: {  	[tilespmem:v17+s28+$0x0] =	vst.idx.msk $0xffff, v20  }
0x181: {  	v17 =	vld [tilespmem:s16+$0xFFFFFF70];
	v19 =	vadd.s32 v7, v18  }
0x182: {  	s25 =	sadd.s32 $0x4, s11;
	v18 =	vadd.s32 v8, v18;
	v20 =	vld [tilespmem:s16+$0xFFFFFF80]  }
0x183: {  	v21 =	vmov s25  }
0x184: {  	v21 =	vshrl.u32 v21, $0x3  }
0x185: {  	v21 =	vshll.u32 v21, v1  }
0x186: {  	[tilespmem:v19+s28+$0x0] =	vst.idx.msk $0xffff, v17;
	v17 =	vbroadcast v21, $0x0  }
0x187: {  	[tilespmem:v18+s28+$0x0] =	vst.idx.msk $0xffff, v20  }
0x188: {  	v18 =	vld [tilespmem:s16+$0xFFFFFF90];
	v19 =	vadd.s32 v9, v17  }
0x189: {  	s25 =	sadd.s32 $0x5, s11;
	v17 =	vadd.s32 v10, v17;
	v20 =	vld [tilespmem:s16+$0xFFFFFFA0]  }
0x18a: {  	v21 =	vmov s25  }
0x18b: {  	v21 =	vshrl.u32 v21, $0x3  }
0x18c: {  	v21 =	vshll.u32 v21, v1  }
0x18d: {  	[tilespmem:v19+s28+$0x0] =	vst.idx.msk $0xffff, v18;
	v18 =	vbroadcast v21, $0x0  }
0x18e: {  	[tilespmem:v17+s28+$0x0] =	vst.idx.msk $0xffff, v20  }
0x18f: {  	v17 =	vld [tilespmem:s16+$0xFFFFFFB0];
	v19 =	vadd.s32 v11, v18  }
0x190: {  	s25 =	sadd.s32 $0x6, s11;
	v18 =	vadd.s32 v12, v18;
	v20 =	vld [tilespmem:s16+$0xFFFFFFC0]  }
0x191: {  	v21 =	vmov s25  }
0x192: {  	v21 =	vshrl.u32 v21, $0x3  }
0x193: {  	v21 =	vshll.u32 v21, v1  }
0x194: {  	[tilespmem:v19+s28+$0x0] =	vst.idx.msk $0xffff, v17;
	v17 =	vbroadcast v21, $0x0  }
0x195: {  	[tilespmem:v18+s28+$0x0] =	vst.idx.msk $0xffff, v20  }
0x196: {  	v18 =	vld [tilespmem:s16+$0xFFFFFFD0];
	v19 =	vadd.s32 v13, v17  }
0x197: {  	s25 =	sadd.s32 $0x7, s11;
	s11 =	smov.u32 s24;
	v17 =	vadd.s32 v14, v17;
	v20 =	vld [tilespmem:s16+$0xFFFFFFE0]  }
0x198: {  	v21 =	vmov s25  }
0x199: {  	v21 =	vshrl.u32 v21, $0x3  }
0x19a: {  	v21 =	vshll.u32 v21, v1  }
0x19b: {  	[tilespmem:v19+s28+$0x0] =	vst.idx.msk $0xffff, v18;
	v19 =	vbroadcast v21, $0x0  }
0x19c: {  	[tilespmem:v17+s28+$0x0] =	vst.idx.msk $0xffff, v20  }
0x19d: {  	v20 =	vld [tilespmem:s16+$0xFFFFFFF0];
	v21 =	vadd.s32 v15, v19  }
.Ltmp1:
0x19e: {  	v19 =	vadd.s32 v16, v19;
	v18 =	vld [tilespmem:s16+$0x0];
	(pc) =	sbr.rel @p0 .LBB2_5-.Ltmp1, $4  }
0x19f: {  	v17 =	vmov s11  }
0x1a0: {  	v17 =	vshrl.u32 v17, $0x3  }
0x1a1: {  	v17 =	vshll.u32 v17, v1  }
0x1a2: {  	v17 =	vbroadcast v17, $0x0;
	[tilespmem:v21+s28+$0x0] =	vst.idx.msk $0xffff, v20  }
0x1a3: {  	_ =	sdelay $0x3  }
0x1a4: {  	[tilespmem:v19+s28+$0x0] =	vst.idx.msk $0xffff, v18;
	s16 =	sadd.s32 $0x100, s16  }
0x1a5: {  	v18 =	vld [tilespmem:s16+$0xFFFFFF10];
	v19 =	vadd.s32 v0, v17  }
0x1a6: {  	s23 =	sadd.s32 $0x1, s11;
	v20 =	vld [tilespmem:s16+$0xFFFFFF20];
	v17 =	vadd.s32 v2, v17  }
0x1a7: {  	v21 =	vmov s23  }
0x1a8: {  	v21 =	vshrl.u32 v21, $0x3  }
0x1a9: {  	v21 =	vshll.u32 v21, v1  }
0x1aa: {  	[tilespmem:v19+s28+$0x0] =	vst.idx.msk $0xffff, v18;
	v18 =	vbroadcast v21, $0x0  }
0x1ab: {  	[tilespmem:v17+s28+$0x0] =	vst.idx.msk $0xffff, v20  }
0x1ac: {  	v17 =	vld [tilespmem:s16+$0xFFFFFF30];
	v19 =	vadd.s32 v3, v18  }
0x1ad: {  	s25 =	sadd.s32 $0x2, s11;
	v20 =	vld [tilespmem:s16+$0xFFFFFF40];
	v18 =	vadd.s32 v4, v18  }
0x1ae: {  	v58 =	vmov s25  }
0x1af: {  	v21 =	vshrl.u32 v58, $0x3  }
0x1b0: {  	v21 =	vshll.u32 v21, v1  }
0x1b1: {  	[tilespmem:v19+s28+$0x0] =	vst.idx.msk $0xffff, v17;
	v17 =	vbroadcast v21, $0x0  }
0x1b2: {  	[tilespmem:v18+s28+$0x0] =	vst.idx.msk $0xffff, v20  }
0x1b3: {  	v18 =	vld [tilespmem:s16+$0xFFFFFF50];
	v19 =	vadd.s32 v5, v17  }
0x1b4: {  	s24 =	sadd.s32 $0x3, s11;
	v20 =	vld [tilespmem:s16+$0xFFFFFF60];
	v17 =	vadd.s32 v6, v17  }
0x1b5: {  	v59 =	vmov s24  }
0x1b6: {  	v21 =	vshrl.u32 v59, $0x3  }
0x1b7: {  	v21 =	vshll.u32 v21, v1  }
0x1b8: {  	[tilespmem:v19+s28+$0x0] =	vst.idx.msk $0xffff, v18;
	v18 =	vbroadcast v21, $0x0  }
0x1b9: {  	[tilespmem:v17+s28+$0x0] =	vst.idx.msk $0xffff, v20  }
0x1ba: {  	v17 =	vld [tilespmem:s16+$0xFFFFFF70];
	v19 =	vadd.s32 v7, v18  }
0x1bb: {  	s25 =	sadd.s32 $0x4, s11;
	v20 =	vld [tilespmem:s16+$0xFFFFFF80];
	v18 =	vadd.s32 v8, v18  }
0x1bc: {  	v60 =	vmov s25  }
0x1bd: {  	v21 =	vshrl.u32 v60, $0x3  }
0x1be: {  	v21 =	vshll.u32 v21, v1  }
0x1bf: {  	[tilespmem:v19+s28+$0x0] =	vst.idx.msk $0xffff, v17;
	v17 =	vbroadcast v21, $0x0  }
0x1c0: {  	[tilespmem:v18+s28+$0x0] =	vst.idx.msk $0xffff, v20  }
0x1c1: {  	v18 =	vld [tilespmem:s16+$0xFFFFFF90];
	v19 =	vadd.s32 v9, v17  }
0x1c2: {  	s24 =	sadd.s32 $0x5, s11;
	v20 =	vld [tilespmem:s16+$0xFFFFFFA0];
	v17 =	vadd.s32 v10, v17  }
0x1c3: {  	v61 =	vmov s24  }
0x1c4: {  	v21 =	vshrl.u32 v61, $0x3  }
0x1c5: {  	v21 =	vshll.u32 v21, v1  }
0x1c6: {  	[tilespmem:v19+s28+$0x0] =	vst.idx.msk $0xffff, v18;
	v18 =	vbroadcast v21, $0x0  }
0x1c7: {  	[tilespmem:v17+s28+$0x0] =	vst.idx.msk $0xffff, v20  }
0x1c8: {  	v17 =	vld [tilespmem:s16+$0xFFFFFFB0];
	v19 =	vadd.s32 v11, v18  }
0x1c9: {  	s25 =	sadd.s32 $0x6, s11;
	v20 =	vld [tilespmem:s16+$0xFFFFFFC0];
	v18 =	vadd.s32 v12, v18  }
0x1ca: {  	v62 =	vmov s25  }
0x1cb: {  	v21 =	vshrl.u32 v62, $0x3  }
0x1cc: {  	v21 =	vshll.u32 v21, v1  }
0x1cd: {  	[tilespmem:v19+s28+$0x0] =	vst.idx.msk $0xffff, v17;
	v17 =	vbroadcast v21, $0x0  }
0x1ce: {  	[tilespmem:v18+s28+$0x0] =	vst.idx.msk $0xffff, v20  }
0x1cf: {  	v18 =	vld [tilespmem:s16+$0xFFFFFFD0];
	v19 =	vadd.s32 v13, v17  }
0x1d0: {  	s24 =	sadd.s32 $0x7, s11;
	v20 =	vld [tilespmem:s16+$0xFFFFFFE0];
	v17 =	vadd.s32 v14, v17  }
0x1d1: {  	v63 =	vmov s24  }
0x1d2: {  	v21 =	vshrl.u32 v63, $0x3  }
0x1d3: {  	v21 =	vshll.u32 v21, v1  }
0x1d4: {  	[tilespmem:v19+s28+$0x0] =	vst.idx.msk $0xffff, v18;
	v18 =	vbroadcast v21, $0x0  }
0x1d5: {  	[tilespmem:v17+s28+$0x0] =	vst.idx.msk $0xffff, v20  }
0x1d6: {  	v17 =	vld [tilespmem:s16+$0xFFFFFFF0];
	v19 =	vadd.s32 v15, v18  }
0x1d7: {  	v20 =	vld [tilespmem:s16+$0x0];
	v18 =	vadd.s32 v16, v18;
	_ =	sdelay $0x3  }
0x1d8: {  	s11 =	sor.u32 $0x80, s19;
	[tilespmem:v19+s28+$0x0] =	vst.idx.msk $0xffff, v17  }
0x1d9: {  	s16 =	sadd.s32 s11, s18;
	[tilespmem:v18+s28+$0x0] =	vst.idx.msk $0xffff, v20  }
0x1da: {  	[hbm4b:s16+s3] =	stream.linear.scatter [tilespmem:s28], [sflag:$0x4], $0x80, $0x38;
	[tilespmem:$0x4300] =	vst v63  }
0x1db: {  	s25 =	simm.s32 $0x3288;
	s18 =	sadd.s32 $0x10, s16  }
0x1dc: {  	[hbm4b:s18+s3] =	stream.linear.scatter [tilespmem:s25], [sflag:$0x4], $0x80, $0x38;
	[tilespmem:$0x4300] =	vst v63  }
0x1dd: {  	s23 =	simm.s32 $0x3310;
	s19 =	sadd.s32 $0x20, s16  }
0x1de: {  	[hbm4b:s19+s3] =	stream.linear.scatter [tilespmem:s23], [sflag:$0x4], $0x80, $0x38;
	[tilespmem:$0x4300] =	vst v63  }
0x1df: {  	s24 =	sadd.s32 $0x30, s16;
	s25 =	simm.s32 $0x3398  }
0x1e0: {  	[hbm4b:s24+s3] =	stream.linear.scatter [tilespmem:s25], [sflag:$0x4], $0x80, $0x38;
	[tilespmem:$0x4300] =	vst v63  }
0x1e1: {  	s19 =	sadd.s32 $0x40, s16;
	s23 =	simm.s32 $0x3420  }
0x1e2: {  	[hbm4b:s19+s3] =	stream.linear.scatter [tilespmem:s23], [sflag:$0x4], $0x80, $0x38;
	[tilespmem:$0x4300] =	vst v63  }
0x1e3: {  	s24 =	sadd.s32 $0x50, s16;
	s25 =	simm.s32 $0x34A8  }
0x1e4: {  	[hbm4b:s24+s3] =	stream.linear.scatter [tilespmem:s25], [sflag:$0x4], $0x80, $0x38;
	[tilespmem:$0x4300] =	vst v63  }
0x1e5: {  	s23 =	sadd.s32 $0x60, s16;
	s24 =	simm.s32 $0x3530  }
0x1e6: {  	[hbm4b:s23+s3] =	stream.linear.scatter [tilespmem:s24], [sflag:$0x4], $0x80, $0x38;
	[tilespmem:$0x4300] =	vst v63  }
0x1e7: {  	s16 =	sadd.s32 $0x70, s16;
	s25 =	simm.s32 $0x35B8  }
0x1e8: {  	[hbm4b:s16+s3] =	stream.linear.scatter [tilespmem:s25], [sflag:$0x4], $0x80, $0x38;
	[tilespmem:$0x4300] =	vst v63  }
0x1e9: {  	s19 =	simm.s32 $0x3640;
	s16 =	sadd.s32 s11, s20  }
0x1ea: {  	[hbm4b:s16+s3] =	stream.linear.scatter [tilespmem:s19], [sflag:$0x4], $0x80, $0x38;
	[tilespmem:$0x4300] =	vst v63  }
0x1eb: {  	s23 =	simm.s32 $0x36C8;
	s20 =	sadd.s32 $0x10, s16  }
0x1ec: {  	[hbm4b:s20+s3] =	stream.linear.scatter [tilespmem:s23], [sflag:$0x4], $0x80, $0x38;
	[tilespmem:$0x4300] =	vst v63  }
0x1ed: {  	s25 =	simm.s32 $0x3750;
	s24 =	sadd.s32 $0x20, s16  }
0x1ee: {  	[hbm4b:s24+s3] =	stream.linear.scatter [tilespmem:s25], [sflag:$0x4], $0x80, $0x38;
	[tilespmem:$0x4300] =	vst v63  }
0x1ef: {  	s20 =	sadd.s32 $0x30, s16;
	s23 =	simm.s32 $0x37D8  }
0x1f0: {  	[hbm4b:s20+s3] =	stream.linear.scatter [tilespmem:s23], [sflag:$0x4], $0x80, $0x38;
	[tilespmem:$0x4300] =	vst v63  }
0x1f1: {  	s24 =	sadd.s32 $0x40, s16;
	s25 =	simm.s32 $0x3860  }
0x1f2: {  	[hbm4b:s24+s3] =	stream.linear.scatter [tilespmem:s25], [sflag:$0x4], $0x80, $0x38;
	[tilespmem:$0x4300] =	vst v63  }
0x1f3: {  	s20 =	sadd.s32 $0x50, s16;
	s23 =	simm.s32 $0x38E8  }
0x1f4: {  	[hbm4b:s20+s3] =	stream.linear.scatter [tilespmem:s23], [sflag:$0x4], $0x80, $0x38;
	[tilespmem:$0x4300] =	vst v63  }
0x1f5: {  	s24 =	sadd.s32 $0x60, s16;
	s25 =	simm.s32 $0x3970  }
0x1f6: {  	[hbm4b:s24+s3] =	stream.linear.scatter [tilespmem:s25], [sflag:$0x4], $0x80, $0x38;
	[tilespmem:$0x4300] =	vst v63  }
0x1f7: {  	s19 =	simm.s32 $0x39F8;
	s16 =	sadd.s32 $0x70, s16  }
0x1f8: {  	[hbm4b:s16+s3] =	stream.linear.scatter [tilespmem:s19], [sflag:$0x4], $0x80, $0x38;
	[tilespmem:$0x4300] =	vst v63  }
0x1f9: {  	s20 =	simm.s32 $0x3A80;
	s16 =	sadd.s32 s11, s21  }
0x1fa: {  	[hbm4b:s16+s3] =	stream.linear.scatter [tilespmem:s20], [sflag:$0x4], $0x80, $0x38;
	[tilespmem:$0x4300] =	vst v63  }
0x1fb: {  	s23 =	simm.s32 $0x3B08;
	s21 =	sadd.s32 $0x10, s16  }
0x1fc: {  	[hbm4b:s21+s3] =	stream.linear.scatter [tilespmem:s23], [sflag:$0x4], $0x80, $0x38;
	[tilespmem:$0x4300] =	vst v63  }
0x1fd: {  	s25 =	simm.s32 $0x3B90;
	s24 =	sadd.s32 $0x20, s16  }
0x1fe: {  	[hbm4b:s24+s3] =	stream.linear.scatter [tilespmem:s25], [sflag:$0x4], $0x80, $0x38;
	[tilespmem:$0x4300] =	vst v63  }
0x1ff: {  	s19 =	sadd.s32 $0x30, s16;
	s20 =	simm.s32 $0x3C18  }
0x200: {  	[hbm4b:s19+s3] =	stream.linear.scatter [tilespmem:s20], [sflag:$0x4], $0x80, $0x38;
	[tilespmem:$0x4300] =	vst v63  }
0x201: {  	s21 =	sadd.s32 $0x40, s16;
	s23 =	simm.s32 $0x3CA0  }
0x202: {  	[hbm4b:s21+s3] =	stream.linear.scatter [tilespmem:s23], [sflag:$0x4], $0x80, $0x38;
	[tilespmem:$0x4300] =	vst v63  }
0x203: {  	s24 =	sadd.s32 $0x50, s16;
	s25 =	simm.s32 $0x3D28  }
0x204: {  	[hbm4b:s24+s3] =	stream.linear.scatter [tilespmem:s25], [sflag:$0x4], $0x80, $0x38;
	[tilespmem:$0x4300] =	vst v63  }
0x205: {  	s19 =	sadd.s32 $0x60, s16  }
0x206: {  	[hbm4b:s19+s3] =	stream.linear.scatter [tilespmem:s29], [sflag:$0x4], $0x80, $0x38;
	[tilespmem:$0x4300] =	vst v63  }
0x207: {  	s16 =	sadd.s32 $0x70, s16  }
0x208: {  	[hbm4b:s16+s3] =	stream.linear.scatter [tilespmem:s30], [sflag:$0x4], $0x80, $0x38;
	[tilespmem:$0x4300] =	vst v63  }
0x209: {  	s11 =	sadd.s32 s11, s22  }
0x20a: {  	[hbm4b:s11+s3] =	stream.linear.scatter [tilespmem:s31], [sflag:$0x4], $0x80, $0x38;
	[tilespmem:$0x4300] =	vst v63  }
0x20b: {  	s20 =	sadd.s32 $0x10, s11  }
0x20c: {  	[hbm4b:s20+s3] =	stream.linear.scatter [tilespmem:s0], [sflag:$0x4], $0x80, $0x38;
	[tilespmem:$0x4300] =	vst v63  }
0x20d: {  	s21 =	sadd.s32 $0x20, s11  }
0x20e: {  	[hbm4b:s21+s3] =	stream.linear.scatter [tilespmem:s1], [sflag:$0x4], $0x80, $0x38;
	[tilespmem:$0x4300] =	vst v63  }
0x20f: {  	s22 =	sadd.s32 $0x30, s11  }
0x210: {  	[hbm4b:s22+s3] =	stream.linear.scatter [tilespmem:s13], [sflag:$0x4], $0x80, $0x38;
	[tilespmem:$0x4300] =	vst v63  }
0x211: {  	s2 =	sadd.s32 $0x1, s2;
	s23 =	sadd.s32 $0x40, s11  }
0x212: {  	[hbm4b:s23+s3] =	stream.linear.scatter [tilespmem:s9], [sflag:$0x4], $0x80, $0x38;
	[tilespmem:$0x4300] =	vst v63  }
0x213: {  	p0 =	sne.s32 s2, $0x34;
	s24 =	sadd.s32 $0x50, s11  }
0x214: {  	[hbm4b:s24+s3] =	stream.linear.scatter [tilespmem:s10], [sflag:$0x4], $0x80, $0x38;
	[tilespmem:$0x4300] =	vst v63  }
.Ltmp2:
0x215: {  	_ = 	snop;
	(pc) =	sbr.rel @p0 .LBB2_2-.Ltmp2, $4  }
0x216: {  	s25 =	sadd.s32 $0x60, s11  }
0x217: {  	[hbm4b:s25+s3] =	stream.linear.scatter [tilespmem:s8], [sflag:$0x4], $0x80, $0x38;
	[tilespmem:$0x4300] =	vst v63  }
0x218: {  	s11 =	sadd.s32 $0x70, s11  }
0x219: {  	[hbm4b:s11+s3] =	stream.linear.scatter [tilespmem:s12], [sflag:$0x4], $0x80, $0x38;
	[tilespmem:$0x4300] =	vst v63  }
0x21a: {  	s2 =	simm.s32 $0x3  }
0x21b: {  	_ =	swait.ge [sflag:s2], $0x400  }
0x21c: {  	[sflag:s2] =	ssyncset.done $0x0  }
0x21d: {  	[sflag:s2] =	ssyncadd.s32 $0xFFFFFC00  }
0x21e: {  	_ =	swait.ge [sflag:s2], $0x400  }
0x21f: {  	[sflag:s2] =	ssyncset.done $0x0  }
0x220: {  	[sflag:s2] =	ssyncadd.s32 $0xFFFFFC00  }
0x221: {  	_ =	swait.ge [sflag:s2], $0x400  }
0x222: {  	[sflag:s2] =	ssyncset.done $0x0  }
0x223: {  	[sflag:s2] =	ssyncadd.s32 $0xFFFFFC00  }
0x224: {  	_ =	swait.ge [sflag:s2], $0x400  }
0x225: {  	[sflag:s2] =	ssyncset.done $0x0  }
0x226: {  	s11 =	simm.s32 $0x4;
	[sflag:s2] =	ssyncadd.s32 $0xFFFFFC00  }
0x227: {  	_ =	swait.ge [sflag:s11], $0x400  }
0x228: {  	[sflag:s11] =	ssyncset.done $0x0  }
0x229: {  	[sflag:s11] =	ssyncadd.s32 $0xFFFFFC00  }
0x22a: {  	_ =	swait.ge [sflag:s11], $0x400  }
0x22b: {  	[sflag:s11] =	ssyncset.done $0x0  }
0x22c: {  	[sflag:s11] =	ssyncadd.s32 $0xFFFFFC00  }
0x22d: {  	_ =	swait.ge [sflag:s11], $0x400  }
0x22e: {  	[sflag:s11] =	ssyncset.done $0x0  }
0x22f: {  	[sflag:s11] =	ssyncadd.s32 $0xFFFFFC00  }
0x230: {  	_ =	swait.ge [sflag:s11], $0x400  }
0x231: {  	s16 =	rddreg [dreg:$0x6]  }
0x232: {  	s25 =	rddreg [dreg:$0x5];
	s16 =	sadd.s32 $0x1, s16  }
0x233: {  	p0 =	sne.s32 s16, s25  }
.Ltmp3:
0x234: {  	_ = 	snop;
	(pc) =	sbr.rel @p0 .LBB2_1-.Ltmp3, $3  }
0x235: {  	_ =	sdelay $0x1  }
0x236: {  	[sflag:s11] =	ssyncset.done $0x0  }
0x237: {  	[sflag:s11] =	ssyncadd.s32 $0xFFFFFC00  }
0x238: {  	_ =	sfence.sel $0x180000  }
0x239: {  	[bflag:$0x0] =	sbarrier.arrive $0xFFFF  }
0x23a: {  	_ =	strace $0x90000047  }
0x23b: {  	s0 =	stileid.u32;
	[bflag:$0x2] =	sbarrier.arrive $0xFFFF  }
0x23c: {  	p0 =	sne.s32 s0, $0x0;
	s0 =	rddreg [dreg:$0x2]  }
0x23d: {  	s0 =	sadd.s32 @!p0 $0x100000, s0  }
0x23e: {  	[sflag:s0] =	ssyncadd.tile.s32 @!p0 $0x1;
	_ =	shalt  }
.Lfunc_end2:
_tile_overlayer_lowered:
.L_overlay_start_2:
0x23f: {  	(tag) =	ssettag $0x2  }
0x240: {  	s0 =	rddreg [dreg:$0x0];
	s2 =	stileid.u32  }
0x241: {  	s1 =	rddreg [dreg:$0x1];
	p0 =	sne.s32 s2, $0x0  }
0x242: {  	s3 =	rddreg [dreg:$0x2];
	[bflag:$0x3] =	sbarrier.arrive $0xFFFF;
	s2 =	simm.s32 @!p0 $0x1C06  }
0x243: {  	[timem:s3], [sflag:s2] =	dma.local @!p0 [hbm:s0], s1  }
0x244: {  	s0 =	simm.s32 @!p0 $0x6  }
0x245: {  	_ =	swait.ge @!p0 [sflag:s0], s1  }
0x246: {  	s1 =	ssub.s32 @!p0 $0x0, s1;
	[sflag:s0] =	ssyncset.done @!p0 $0x0  }
0x247: {  	[sflag:s0] =	ssyncadd.s32 @!p0 s1  }
0x248: {  	[bflag:$0x3] =	sbarrier.arrive $0xFFFF  }
0x249: {  	_ =	shalt  }

</sc_bundles>
